<compile_context>
chip_gen: v7x
topology: tpu7x:2x2x1
jax: 0.10.2.dev20260603
libtpu: 0.0.44.dev20260713+nightly
codegen_flags: <defaults>
</compile_context>

<pallas_src>
import functools

import jax
import jax.numpy as jnp
from jax import lax
from jax.experimental import pallas as pl
from jax.experimental.pallas import tpu as pltpu
from jax.experimental.pallas import tpu_sc as plsc

_B, _S, _H, _I, _E, _K = 2, 2048, 2048, 2048, 8, 2
_T = _B * _S
_TK = _T * _K

_TM = 256
_P = _TK + _E * _TM
_NT = _P // _TM

_NC, _NS = 2, 16
_NW = _NC * _NS

_GC = 16
_GN = (_P // _NW) // _GC
_CC = 8
_CN = (_T // _NW) // _CC

_RT = 512


def _router_body(x_ref, g_ref, logits_ref, psum_ref):
    i = pl.program_id(0)
    logits = lax.dot_general(
        x_ref[...], g_ref[...], (((1,), (1,)), ((), ())),
        preferred_element_type=jnp.float32)
    logits_ref[...] = logits
    m = jnp.max(logits, axis=1, keepdims=True)
    p = jnp.exp(logits - m)
    p = p / jnp.sum(p, axis=1, keepdims=True)
    ps = jnp.sum(p, axis=0, keepdims=True)

    @pl.when(i == 0)
    def _():
        psum_ref[...] = ps

    @pl.when(i > 0)
    def _():
        psum_ref[...] += ps


def _router(x_flat, gate_w):
    return pl.pallas_call(
        _router_body,
        grid=(_T // _RT,),
        in_specs=[
            pl.BlockSpec((_RT, _H), lambda i: (i, 0)),
            pl.BlockSpec((_E, _H), lambda i: (0, 0)),
        ],
        out_specs=[
            pl.BlockSpec((_RT, _E), lambda i: (i, 0)),
            pl.BlockSpec((1, _E), lambda i: (0, 0)),
        ],
        out_shape=[
            jax.ShapeDtypeStruct((_T, _E), jnp.float32),
            jax.ShapeDtypeStruct((1, _E), jnp.float32),
        ],
    )(x_flat, gate_w)


@functools.lru_cache(maxsize=None)
def _make_sc_gather():
    mesh = plsc.VectorSubcoreMesh(
        core_axis_name="c", subcore_axis_name="s",
        num_cores=_NC, num_subcores=_NS)
    rows_per_w = _P // _NW

    @functools.partial(
        pl.kernel,
        out_type=jax.ShapeDtypeStruct((_P, _H), jnp.float32),
        mesh=mesh,
        scratch_types=[
            pltpu.VMEM((_GN, _GC), jnp.int32),
            pltpu.VMEM((2, _GC, _H), jnp.float32),
            pltpu.SemaphoreType.DMA,
            pltpu.SemaphoreType.DMA,
            pltpu.SemaphoreType.DMA,
            pltpu.SemaphoreType.DMA,
        ],
    )
    def gather(x_hbm, idx_hbm, out_hbm, idx_v, rows_v, sg0, sg1, sw0, sw1):
        wid = lax.axis_index("s") * _NC + lax.axis_index("c")
        base = wid * rows_per_w
        pltpu.sync_copy(idx_hbm.at[wid], idx_v)
        sg = (sg0, sg1)
        sw = (sw0, sw1)

        def group(g, carry):
            it0 = g * 2
            cps = []
            for b in range(2):
                cps.append(pltpu.async_copy(
                    x_hbm.at[idx_v.at[it0 + b]], rows_v.at[b], sg[b]))
            wbs = []
            for b in range(2):
                cps[b].wait()
                off = base + (it0 + b) * _GC
                wbs.append(pltpu.async_copy(
                    rows_v.at[b], out_hbm.at[pl.ds(off, _GC)], sw[b]))
            for b in range(2):
                wbs[b].wait()
            return carry

        lax.fori_loop(0, _GN // 2, group, 0)

    return gather


def _ffn_body(eot_ref, xs_ref, gw_ref, uw_ref, dw_ref, w_ref, out_ref):
    del eot_ref
    xs = xs_ref[...].astype(jnp.bfloat16)
    g = lax.dot_general(xs, gw_ref[0], (((1,), (1,)), ((), ())),
                        preferred_element_type=jnp.float32)
    u = lax.dot_general(xs, uw_ref[0], (((1,), (1,)), ((), ())),
                        preferred_element_type=jnp.float32)
    h = ((g * u) / (1.0 + jnp.exp(-g))).astype(jnp.bfloat16)
    contrib = lax.dot_general(h, dw_ref[0], (((1,), (1,)), ((), ())),
                              preferred_element_type=jnp.float32)
    w = w_ref[0, 0, :]
    out_ref[...] = contrib * w[:, None]


def _grouped_ffn(eot, xs, gate_proj_w, up_proj_w, down_proj_w, w_tiles):
    grid_spec = pltpu.PrefetchScalarGridSpec(
        num_scalar_prefetch=1,
        grid=(_NT,),
        in_specs=[
            pl.BlockSpec((_TM, _H), lambda i, eot: (i, 0)),
            pl.BlockSpec((1, _I, _H), lambda i, eot: (eot[i], 0, 0)),
            pl.BlockSpec((1, _I, _H), lambda i, eot: (eot[i], 0, 0)),
            pl.BlockSpec((1, _H, _I), lambda i, eot: (eot[i], 0, 0)),
            pl.BlockSpec((1, 1, _TM), lambda i, eot: (i, 0, 0)),
        ],
        out_specs=pl.BlockSpec((_TM, _H), lambda i, eot: (i, 0)),
    )
    return pl.pallas_call(
        _ffn_body,
        grid_spec=grid_spec,
        out_shape=jax.ShapeDtypeStruct((_P, _H), jnp.float32),
        compiler_params=pltpu.CompilerParams(
            dimension_semantics=("arbitrary",),
            vmem_limit_bytes=100 * 1024 * 1024),
    )(eot, xs, gate_proj_w, up_proj_w, down_proj_w, w_tiles)


@functools.lru_cache(maxsize=None)
def _make_sc_combine():
    mesh = plsc.VectorSubcoreMesh(
        core_axis_name="c", subcore_axis_name="s",
        num_cores=_NC, num_subcores=_NS)
    tok_per_w = _T // _NW

    @functools.partial(
        pl.kernel,
        out_type=jax.ShapeDtypeStruct((_T, _H), jnp.float32),
        mesh=mesh,
        scratch_types=[
            pltpu.VMEM((_CN, _CC), jnp.int32),
            pltpu.VMEM((_CN, _CC), jnp.int32),
            pltpu.VMEM((2, _CC, _H), jnp.float32),
            pltpu.VMEM((2, _CC, _H), jnp.float32),
            pltpu.SemaphoreType.DMA,
            pltpu.SemaphoreType.DMA,
            pltpu.SemaphoreType.DMA,
            pltpu.SemaphoreType.DMA,
            pltpu.SemaphoreType.DMA,
            pltpu.SemaphoreType.DMA,
        ],
    )
    def combine(ys_hbm, p0_hbm, p1_hbm, out_hbm, i0_v, i1_v, a_v, b_v,
                sa0, sa1, sb0, sb1, sw0, sw1):
        wid = lax.axis_index("s") * _NC + lax.axis_index("c")
        base = wid * tok_per_w
        pltpu.sync_copy(p0_hbm.at[wid], i0_v)
        pltpu.sync_copy(p1_hbm.at[wid], i1_v)
        sa = (sa0, sa1)
        sb = (sb0, sb1)
        sw = (sw0, sw1)

        def group(g, carry):
            it0 = g * 2
            cps = []
            for b in range(2):
                cps.append((
                    pltpu.async_copy(
                        ys_hbm.at[i0_v.at[it0 + b]], a_v.at[b], sa[b]),
                    pltpu.async_copy(
                        ys_hbm.at[i1_v.at[it0 + b]], b_v.at[b], sb[b]),
                ))
            wbs = []
            for b in range(2):
                cps[b][0].wait()
                cps[b][1].wait()

                def tok(t, c, b=b):
                    def vec(v, c2, b=b):
                        sl = pl.ds(v * 16, 16)
                        a_v[b, t, sl] = a_v[b, t, sl] + b_v[b, t, sl]
                        return c2
                    return lax.fori_loop(0, _H // 16, vec, c, unroll=8)

                lax.fori_loop(0, _CC, tok, 0)
                off = base + (it0 + b) * _CC
                wbs.append(pltpu.async_copy(
                    a_v.at[b], out_hbm.at[pl.ds(off, _CC)], sw[b]))
            for b in range(2):
                wbs[b].wait()
            return carry

        lax.fori_loop(0, _CN // 2, group, 0)

    return combine


def kernel(x, gate_w, gate_proj_w, up_proj_w, down_proj_w):
    x_flat = x.reshape(_T, _H)

    router_logits, psum = _router(x_flat, gate_w)

    top_vals, selected = lax.top_k(router_logits, _K)
    routing_weights = jax.nn.softmax(top_vals, axis=-1)

    flat_e = selected.reshape(-1).astype(jnp.int32)
    order = jnp.argsort(flat_e, stable=True)
    sorted_e = flat_e[order]
    counts = jnp.bincount(flat_e, length=_E).astype(jnp.int32)
    group_start = jnp.concatenate(
        [jnp.zeros(1, jnp.int32), jnp.cumsum(counts)[:-1].astype(jnp.int32)])
    caps = ((counts + _TM - 1) // _TM) * _TM
    ends = jnp.cumsum(caps).astype(jnp.int32)
    pad_off = ends - caps

    jj = jnp.arange(_TK, dtype=jnp.int32)
    pp = pad_off[sorted_e] + (jj - group_start[sorted_e])

    src_token = jnp.zeros(_P, jnp.int32).at[pp].set(
        (order // _K).astype(jnp.int32))
    w_sorted = jnp.zeros(_P, jnp.float32).at[pp].set(
        routing_weights.reshape(-1)[order])
    posf = jnp.zeros(_TK, jnp.int32).at[order].set(pp)
    pos0 = posf.reshape(_T, _K)[:, 0]
    pos1 = posf.reshape(_T, _K)[:, 1]

    tile_start = jnp.arange(_NT, dtype=jnp.int32) * _TM
    eot = jnp.minimum(
        jnp.searchsorted(ends, tile_start, side="right"), _E - 1
    ).astype(jnp.int32)

    xs = _make_sc_gather()(
        x_flat, src_token.reshape(_NW, _GN, _GC))

    ys = _grouped_ffn(eot, xs,
                      gate_proj_w.astype(jnp.bfloat16),
                      up_proj_w.astype(jnp.bfloat16),
                      down_proj_w.astype(jnp.bfloat16),
                      w_sorted.reshape(_NT, 1, _TM))

    final = _make_sc_combine()(
        ys,
        pos0.reshape(_NW, _CN, _CC),
        pos1.reshape(_NW, _CN, _CC))

    counts_f = counts.astype(jnp.float32)
    aux_loss = jnp.sum((psum[0] / _T) * (counts_f / _T))

    return final.reshape(x.shape), aux_loss

# --- scband reference (transcript-rebuilt; emitter-appended) ---
"""Pipeline reference for scband-olmo-esparse-moe-block-82738249990934 (READ-ONLY COPY).

The authoritative reference and input builder live on the scoring server;
editing this copy changes nothing except your own understanding.
"""

import jax, jax.numpy as jnp
import numpy as np

B, S, H, I, E, K = 2, 2048, 2048, 2048, 8, 2


def setup_inputs(seed: int = 0) -> dict:
    key = jax.random.key(seed)
    k_x, k_gate, k_gp, k_up, k_dn = jax.random.split(key, 5)
    x = jax.random.normal(k_x, (B, S, H), dtype=jnp.float32)
    gate_w = jax.random.normal(k_gate, (E, H), dtype=jnp.float32) * 0.02
    gate_proj_w = jax.random.normal(k_gp, (E, I, H), dtype=jnp.float32) * 0.02
    up_proj_w = jax.random.normal(k_up, (E, I, H), dtype=jnp.float32) * 0.02
    down_proj_w = jax.random.normal(k_dn, (E, H, I), dtype=jnp.float32) * 0.02
    return {
        "x": x,
        "gate_w": gate_w,
        "gate_proj_w": gate_proj_w,
        "up_proj_w": up_proj_w,
        "down_proj_w": down_proj_w,
    }


def reference(x, gate_w, gate_proj_w, up_proj_w, down_proj_w):
    orig_shape = x.shape
    x_flat = x.reshape(-1, H)
    T = x_flat.shape[0]
    # Router
    router_logits = x_flat @ gate_w.T  # [T, E]
    routing_weights, selected_experts = jax.lax.top_k(router_logits, K)  # [T, K]
    routing_weights = jax.nn.softmax(routing_weights, axis=-1)  # [T, K]
    # Expert compute. Mathematically identical to the torch gather/index_add
    # version: each token's contribution from expert e is weighted by the sum
    # of routing weights at top-k slots where selected_experts == e (0 if none).
    final_hidden = jnp.zeros_like(x_flat)
    for e in range(E):
        mask = (selected_experts == e).astype(routing_weights.dtype)  # [T, K]
        w = (mask * routing_weights).sum(axis=-1, keepdims=True)  # [T, 1]
        g = x_flat @ gate_proj_w[e].T  # [T, I]
        u = x_flat @ up_proj_w[e].T    # [T, I]
        expert_out = (jax.nn.silu(g) * u) @ down_proj_w[e].T  # [T, H]
        final_hidden = final_hidden + expert_out * w
    # Aux load-balancing loss
    router_probs = jax.nn.softmax(router_logits, axis=-1)  # [T, E]
    tokens_per_expert = (
        (selected_experts[..., None] == jnp.arange(E)).astype(jnp.float32).sum(0).sum(0)
    )  # [E]
    aux_loss = (router_probs.mean(0) * tokens_per_expert / T).sum()
    return final_hidden.reshape(orig_shape), aux_loss

if __name__ == "__main__":
    import jax
    _d = setup_inputs()
    print(jax.jit(kernel)(*tuple(_d.values())))

</pallas_src>

<mosaic_0001>
#map = affine_map<(d0, d1) -> (0, 0)>
#map1 = affine_map<(d0, d1) -> (0, 0, 0)>
module attributes {stable_mosaic.version = 14 : i64} {
  func.func @gather(%arg0: i32, %arg1: i32, %arg2: memref<4096x2048xf32, #tpu.memory_space<hbm>>, %arg3: memref<32x20x16xi32, #tpu.memory_space<hbm>>, %arg4: memref<10240x2048xf32, #tpu.memory_space<hbm>>, %arg5: memref<20x16xi32, #tpu.memory_space<vmem>>, %arg6: memref<2x16x2048xf32, #tpu.memory_space<vmem>>, %arg7: memref<!tpu.dma_semaphore, #tpu.memory_space<semaphore_mem>>, %arg8: memref<!tpu.dma_semaphore, #tpu.memory_space<semaphore_mem>>, %arg9: memref<!tpu.dma_semaphore, #tpu.memory_space<semaphore_mem>>, %arg10: memref<!tpu.dma_semaphore, #tpu.memory_space<semaphore_mem>>) attributes {dimension_semantics = [#tpu.dimension_semantics<core_parallel>, #tpu.dimension_semantics<subcore_parallel>], iteration_bounds = array<i64: 2, 16>, scalar_prefetch = 0 : i64, scratch_operands = 6 : i64, tpu.core_type = #tpu.core_type<sc_vector_subcore>, window_params = [{transform_indices = #map}, {transform_indices = #map1}, {transform_indices = #map}]} {
    %mul3A = arith.constant 2 : i32
    %mul3A_0 = arith.muli %arg1, %mul3A : i32
    %add3A = arith.addi %mul3A_0, %arg0 : i32
    %mul3A_1 = arith.constant 320 : i32
    %mul3A_2 = arith.muli %add3A, %mul3A_1 : i32
    "tpu.region"() ({
      %run_scoped3A = tpu.sem_alloc : memref<!tpu.dma_semaphore, #tpu.memory_space<semaphore_mem>>
      %dma_start3A = arith.constant 0 : i32
      %dma_start3A_8 = arith.constant 0 : i32
      %dma_start3A_9 = tpu.memref_slice %arg3[%add3A, %dma_start3A, %dma_start3A_8] : memref<32x20x16xi32, #tpu.memory_space<hbm>> -> memref<1x20x16xi32, #tpu.memory_space<hbm>>
      %dma_start3A_10 = tpu.memref_squeeze %dma_start3A_9 : memref<1x20x16xi32, #tpu.memory_space<hbm>> -> memref<20x16xi32, #tpu.memory_space<hbm>>
      %dma_start3A_11 = arith.constant 0 : i32
      %dma_start3A_12 = arith.constant 0 : i32
      %dma_start3A_13 = tpu.memref_slice %arg3[%add3A, %dma_start3A_11, %dma_start3A_12] : memref<32x20x16xi32, #tpu.memory_space<hbm>> -> memref<1x20x16xi32, #tpu.memory_space<hbm>>
      %dma_start3A_14 = tpu.memref_squeeze %dma_start3A_13 : memref<1x20x16xi32, #tpu.memory_space<hbm>> -> memref<20x16xi32, #tpu.memory_space<hbm>>
      tpu.enqueue_dma source(%dma_start3A_14 : memref<20x16xi32, #tpu.memory_space<hbm>>) target(%arg5 : memref<20x16xi32, #tpu.memory_space<vmem>>) target_semaphore(%run_scoped3A : memref<!tpu.dma_semaphore, #tpu.memory_space<semaphore_mem>>)
      %dma_wait3A = arith.constant 0 : i32
      %dma_wait3A_15 = arith.constant 0 : i32
      %dma_wait3A_16 = tpu.memref_slice %arg3[%add3A, %dma_wait3A, %dma_wait3A_15] : memref<32x20x16xi32, #tpu.memory_space<hbm>> -> memref<1x20x16xi32, #tpu.memory_space<hbm>>
      %dma_wait3A_17 = tpu.memref_squeeze %dma_wait3A_16 : memref<1x20x16xi32, #tpu.memory_space<hbm>> -> memref<20x16xi32, #tpu.memory_space<hbm>>
      %dma_wait3A_18 = arith.constant 0 : i32
      %dma_wait3A_19 = arith.constant 0 : i32
      %dma_wait3A_20 = tpu.memref_slice %arg3[%add3A, %dma_wait3A_18, %dma_wait3A_19] : memref<32x20x16xi32, #tpu.memory_space<hbm>> -> memref<1x20x16xi32, #tpu.memory_space<hbm>>
      %dma_wait3A_21 = tpu.memref_squeeze %dma_wait3A_20 : memref<1x20x16xi32, #tpu.memory_space<hbm>> -> memref<20x16xi32, #tpu.memory_space<hbm>>
      tpu.wait_dma2 semaphore(%run_scoped3A : memref<!tpu.dma_semaphore, #tpu.memory_space<semaphore_mem>>) src(%dma_wait3A_21 : memref<20x16xi32, #tpu.memory_space<hbm>>) dst(%arg5 : memref<20x16xi32, #tpu.memory_space<vmem>>)
      tpu.yield
    }) : () -> ()
    %scan3A = arith.constant 0 : i32
    %scan3A_3 = arith.constant 0 : i32
    %scan3A_4 = arith.constant 10 : i32
    %scan3A_5 = arith.addi %scan3A_3, %scan3A_4 : i32
    %scan3A_6 = arith.constant 1 : i32
    scf.for %scan3A_8 = %scan3A_3 to %scan3A_5 step %scan3A_6  : i32 {
      %mul3A_9 = arith.constant 2 : i32
      %mul3A_10 = arith.muli %scan3A_8, %mul3A_9 : i32
      %add3A_11 = arith.constant 0 : i32
      %add3A_12 = arith.addi %mul3A_10, %add3A_11 : i32
      %dma_start3A = arith.constant 0 : i32
      %dma_start3A_13 = arith.constant 0 : i32
      %dma_start3A_14 = arith.constant 0 : i32
      %dma_start3A_15 = tpu.memref_slice %arg6[%dma_start3A, %dma_start3A_13, %dma_start3A_14] : memref<2x16x2048xf32, #tpu.memory_space<vmem>> -> memref<1x16x2048xf32, #tpu.memory_space<vmem>>
      %dma_start3A_16 = tpu.memref_squeeze %dma_start3A_15 : memref<1x16x2048xf32, #tpu.memory_space<vmem>> -> memref<16x2048xf32, #tpu.memory_space<vmem>>
      %dma_start3A_17 = arith.constant 0 : i32
      %dma_start3A_18 = tpu.memref_slice %arg5[%add3A_12, %dma_start3A_17] : memref<20x16xi32, #tpu.memory_space<vmem>> -> memref<1x16xi32, #tpu.memory_space<vmem>>
      %dma_start3A_19 = tpu.memref_squeeze %dma_start3A_18 : memref<1x16xi32, #tpu.memory_space<vmem>> -> memref<16xi32, #tpu.memory_space<vmem>>
      %dma_start3A_20 = arith.constant 0 : i32
      %dma_start3A_21 = arith.constant 0 : i32
      %dma_start3A_22 = tpu.memref_slice %arg2[%dma_start3A_20, %dma_start3A_21] : memref<4096x2048xf32, #tpu.memory_space<hbm>> -> memref<4096x2048xf32, #tpu.memory_space<hbm>>
      tpu.enqueue_indirect_dma source(%dma_start3A_22 : memref<4096x2048xf32, #tpu.memory_space<hbm>>) target(%dma_start3A_16 : memref<16x2048xf32, #tpu.memory_space<vmem>>) offsets(%dma_start3A_19 : memref<16xi32, #tpu.memory_space<vmem>>) semaphore(%arg7 : memref<!tpu.dma_semaphore, #tpu.memory_space<semaphore_mem>>)
      %add3A_23 = arith.constant 1 : i32
      %add3A_24 = arith.addi %mul3A_10, %add3A_23 : i32
      %dma_start3A_25 = arith.constant 1 : i32
      %dma_start3A_26 = arith.constant 0 : i32
      %dma_start3A_27 = arith.constant 0 : i32
      %dma_start3A_28 = tpu.memref_slice %arg6[%dma_start3A_25, %dma_start3A_26, %dma_start3A_27] : memref<2x16x2048xf32, #tpu.memory_space<vmem>> -> memref<1x16x2048xf32, #tpu.memory_space<vmem>>
      %dma_start3A_29 = tpu.memref_squeeze %dma_start3A_28 : memref<1x16x2048xf32, #tpu.memory_space<vmem>> -> memref<16x2048xf32, #tpu.memory_space<vmem>>
      %dma_start3A_30 = arith.constant 0 : i32
      %dma_start3A_31 = tpu.memref_slice %arg5[%add3A_24, %dma_start3A_30] : memref<20x16xi32, #tpu.memory_space<vmem>> -> memref<1x16xi32, #tpu.memory_space<vmem>>
      %dma_start3A_32 = tpu.memref_squeeze %dma_start3A_31 : memref<1x16xi32, #tpu.memory_space<vmem>> -> memref<16xi32, #tpu.memory_space<vmem>>
      %dma_start3A_33 = arith.constant 0 : i32
      %dma_start3A_34 = arith.constant 0 : i32
      %dma_start3A_35 = tpu.memref_slice %arg2[%dma_start3A_33, %dma_start3A_34] : memref<4096x2048xf32, #tpu.memory_space<hbm>> -> memref<4096x2048xf32, #tpu.memory_space<hbm>>
      tpu.enqueue_indirect_dma source(%dma_start3A_35 : memref<4096x2048xf32, #tpu.memory_space<hbm>>) target(%dma_start3A_29 : memref<16x2048xf32, #tpu.memory_space<vmem>>) offsets(%dma_start3A_32 : memref<16xi32, #tpu.memory_space<vmem>>) semaphore(%arg8 : memref<!tpu.dma_semaphore, #tpu.memory_space<semaphore_mem>>)
      %dma_wait3A = arith.constant 0 : i32
      %dma_wait3A_36 = arith.constant 0 : i32
      %dma_wait3A_37 = arith.constant 0 : i32
      %dma_wait3A_38 = tpu.memref_slice %arg6[%dma_wait3A, %dma_wait3A_36, %dma_wait3A_37] : memref<2x16x2048xf32, #tpu.memory_space<vmem>> -> memref<1x16x2048xf32, #tpu.memory_space<vmem>>
      %dma_wait3A_39 = tpu.memref_squeeze %dma_wait3A_38 : memref<1x16x2048xf32, #tpu.memory_space<vmem>> -> memref<16x2048xf32, #tpu.memory_space<vmem>>
      %dma_wait3A_40 = arith.constant 0 : i32
      %dma_wait3A_41 = tpu.memref_slice %arg5[%add3A_12, %dma_wait3A_40] : memref<20x16xi32, #tpu.memory_space<vmem>> -> memref<1x16xi32, #tpu.memory_space<vmem>>
      %dma_wait3A_42 = tpu.memref_squeeze %dma_wait3A_41 : memref<1x16xi32, #tpu.memory_space<vmem>> -> memref<16xi32, #tpu.memory_space<vmem>>
      %dma_wait3A_43 = arith.constant 0 : i32
      %dma_wait3A_44 = arith.constant 0 : i32
      %dma_wait3A_45 = tpu.memref_slice %arg2[%dma_wait3A_43, %dma_wait3A_44] : memref<4096x2048xf32, #tpu.memory_space<hbm>> -> memref<4096x2048xf32, #tpu.memory_space<hbm>>
      tpu.wait_indirect_dma semaphore(%arg7 : memref<!tpu.dma_semaphore, #tpu.memory_space<semaphore_mem>>) src(%dma_wait3A_45 : memref<4096x2048xf32, #tpu.memory_space<hbm>>) dst(%dma_wait3A_39 : memref<16x2048xf32, #tpu.memory_space<vmem>>)
      %add3A_46 = arith.constant 0 : i32
      %add3A_47 = arith.addi %mul3A_10, %add3A_46 : i32
      %mul3A_48 = arith.constant 16 : i32
      %mul3A_49 = arith.muli %add3A_47, %mul3A_48 : i32
      %add3A_50 = arith.addi %mul3A_2, %mul3A_49 : i32
      %dma_start3A_51 = arith.constant 0 : i32
      %dma_start3A_52 = arith.constant 0 : i32
      %dma_start3A_53 = arith.constant 0 : i32
      %dma_start3A_54 = tpu.memref_slice %arg6[%dma_start3A_51, %dma_start3A_52, %dma_start3A_53] : memref<2x16x2048xf32, #tpu.memory_space<vmem>> -> memref<1x16x2048xf32, #tpu.memory_space<vmem>>
      %dma_start3A_55 = tpu.memref_squeeze %dma_start3A_54 : memref<1x16x2048xf32, #tpu.memory_space<vmem>> -> memref<16x2048xf32, #tpu.memory_space<vmem>>
      %dma_start3A_56 = arith.constant 0 : i32
      %dma_start3A_57 = tpu.memref_slice %arg4[%add3A_50, %dma_start3A_56] : memref<10240x2048xf32, #tpu.memory_space<hbm>> -> memref<16x2048xf32, #tpu.memory_space<hbm>>
      %dma_start3A_58 = arith.constant 0 : i32
      %dma_start3A_59 = tpu.memref_slice %arg4[%add3A_50, %dma_start3A_58] : memref<10240x2048xf32, #tpu.memory_space<hbm>> -> memref<16x2048xf32, #tpu.memory_space<hbm>>
      %dma_start3A_60 = arith.constant 0 : i32
      %dma_start3A_61 = arith.constant 0 : i32
      %dma_start3A_62 = tpu.memref_slice %arg6[%dma_start3A_51, %dma_start3A_60, %dma_start3A_61] : memref<2x16x2048xf32, #tpu.memory_space<vmem>> -> memref<1x16x2048xf32, #tpu.memory_space<vmem>>
      %dma_start3A_63 = tpu.memref_squeeze %dma_start3A_62 : memref<1x16x2048xf32, #tpu.memory_space<vmem>> -> memref<16x2048xf32, #tpu.memory_space<vmem>>
      tpu.enqueue_dma source(%dma_start3A_63 : memref<16x2048xf32, #tpu.memory_space<vmem>>) target(%dma_start3A_59 : memref<16x2048xf32, #tpu.memory_space<hbm>>) target_semaphore(%arg9 : memref<!tpu.dma_semaphore, #tpu.memory_space<semaphore_mem>>)
      %dma_wait3A_64 = arith.constant 1 : i32
      %dma_wait3A_65 = arith.constant 0 : i32
      %dma_wait3A_66 = arith.constant 0 : i32
      %dma_wait3A_67 = tpu.memref_slice %arg6[%dma_wait3A_64, %dma_wait3A_65, %dma_wait3A_66] : memref<2x16x2048xf32, #tpu.memory_space<vmem>> -> memref<1x16x2048xf32, #tpu.memory_space<vmem>>
      %dma_wait3A_68 = tpu.memref_squeeze %dma_wait3A_67 : memref<1x16x2048xf32, #tpu.memory_space<vmem>> -> memref<16x2048xf32, #tpu.memory_space<vmem>>
      %dma_wait3A_69 = arith.constant 0 : i32
      %dma_wait3A_70 = tpu.memref_slice %arg5[%add3A_24, %dma_wait3A_69] : memref<20x16xi32, #tpu.memory_space<vmem>> -> memref<1x16xi32, #tpu.memory_space<vmem>>
      %dma_wait3A_71 = tpu.memref_squeeze %dma_wait3A_70 : memref<1x16xi32, #tpu.memory_space<vmem>> -> memref<16xi32, #tpu.memory_space<vmem>>
      %dma_wait3A_72 = arith.constant 0 : i32
      %dma_wait3A_73 = arith.constant 0 : i32
      %dma_wait3A_74 = tpu.memref_slice %arg2[%dma_wait3A_72, %dma_wait3A_73] : memref<4096x2048xf32, #tpu.memory_space<hbm>> -> memref<4096x2048xf32, #tpu.memory_space<hbm>>
      tpu.wait_indirect_dma semaphore(%arg8 : memref<!tpu.dma_semaphore, #tpu.memory_space<semaphore_mem>>) src(%dma_wait3A_74 : memref<4096x2048xf32, #tpu.memory_space<hbm>>) dst(%dma_wait3A_68 : memref<16x2048xf32, #tpu.memory_space<vmem>>)
      %add3A_75 = arith.constant 1 : i32
      %add3A_76 = arith.addi %mul3A_10, %add3A_75 : i32
      %mul3A_77 = arith.constant 16 : i32
      %mul3A_78 = arith.muli %add3A_76, %mul3A_77 : i32
      %add3A_79 = arith.addi %mul3A_2, %mul3A_78 : i32
      %dma_start3A_80 = arith.constant 1 : i32
      %dma_start3A_81 = arith.constant 0 : i32
      %dma_start3A_82 = arith.constant 0 : i32
      %dma_start3A_83 = tpu.memref_slice %arg6[%dma_start3A_80, %dma_start3A_81, %dma_start3A_82] : memref<2x16x2048xf32, #tpu.memory_space<vmem>> -> memref<1x16x2048xf32, #tpu.memory_space<vmem>>
      %dma_start3A_84 = tpu.memref_squeeze %dma_start3A_83 : memref<1x16x2048xf32, #tpu.memory_space<vmem>> -> memref<16x2048xf32, #tpu.memory_space<vmem>>
      %dma_start3A_85 = arith.constant 0 : i32
      %dma_start3A_86 = tpu.memref_slice %arg4[%add3A_79, %dma_start3A_85] : memref<10240x2048xf32, #tpu.memory_space<hbm>> -> memref<16x2048xf32, #tpu.memory_space<hbm>>
      %dma_start3A_87 = arith.constant 0 : i32
      %dma_start3A_88 = tpu.memref_slice %arg4[%add3A_79, %dma_start3A_87] : memref<10240x2048xf32, #tpu.memory_space<hbm>> -> memref<16x2048xf32, #tpu.memory_space<hbm>>
      %dma_start3A_89 = arith.constant 0 : i32
      %dma_start3A_90 = arith.constant 0 : i32
      %dma_start3A_91 = tpu.memref_slice %arg6[%dma_start3A_80, %dma_start3A_89, %dma_start3A_90] : memref<2x16x2048xf32, #tpu.memory_space<vmem>> -> memref<1x16x2048xf32, #tpu.memory_space<vmem>>
      %dma_start3A_92 = tpu.memref_squeeze %dma_start3A_91 : memref<1x16x2048xf32, #tpu.memory_space<vmem>> -> memref<16x2048xf32, #tpu.memory_space<vmem>>
      tpu.enqueue_dma source(%dma_start3A_92 : memref<16x2048xf32, #tpu.memory_space<vmem>>) target(%dma_start3A_88 : memref<16x2048xf32, #tpu.memory_space<hbm>>) target_semaphore(%arg10 : memref<!tpu.dma_semaphore, #tpu.memory_space<semaphore_mem>>)
      %dma_wait3A_93 = arith.constant 0 : i32
      %dma_wait3A_94 = arith.constant 0 : i32
      %dma_wait3A_95 = arith.constant 0 : i32
      %dma_wait3A_96 = tpu.memref_slice %arg6[%dma_wait3A_93, %dma_wait3A_94, %dma_wait3A_95] : memref<2x16x2048xf32, #tpu.memory_space<vmem>> -> memref<1x16x2048xf32, #tpu.memory_space<vmem>>
      %dma_wait3A_97 = tpu.memref_squeeze %dma_wait3A_96 : memref<1x16x2048xf32, #tpu.memory_space<vmem>> -> memref<16x2048xf32, #tpu.memory_space<vmem>>
      %dma_wait3A_98 = arith.constant 0 : i32
      %dma_wait3A_99 = tpu.memref_slice %arg4[%add3A_50, %dma_wait3A_98] : memref<10240x2048xf32, #tpu.memory_space<hbm>> -> memref<16x2048xf32, #tpu.memory_space<hbm>>
      %dma_wait3A_100 = arith.constant 0 : i32
      %dma_wait3A_101 = tpu.memref_slice %arg4[%add3A_50, %dma_wait3A_100] : memref<10240x2048xf32, #tpu.memory_space<hbm>> -> memref<16x2048xf32, #tpu.memory_space<hbm>>
      %dma_wait3A_102 = arith.constant 0 : i32
      %dma_wait3A_103 = arith.constant 0 : i32
      %dma_wait3A_104 = tpu.memref_slice %arg6[%dma_wait3A_93, %dma_wait3A_102, %dma_wait3A_103] : memref<2x16x2048xf32, #tpu.memory_space<vmem>> -> memref<1x16x2048xf32, #tpu.memory_space<vmem>>
      %dma_wait3A_105 = tpu.memref_squeeze %dma_wait3A_104 : memref<1x16x2048xf32, #tpu.memory_space<vmem>> -> memref<16x2048xf32, #tpu.memory_space<vmem>>
      tpu.wait_dma2 semaphore(%arg9 : memref<!tpu.dma_semaphore, #tpu.memory_space<semaphore_mem>>) src(%dma_wait3A_105 : memref<16x2048xf32, #tpu.memory_space<vmem>>) dst(%dma_wait3A_101 : memref<16x2048xf32, #tpu.memory_space<hbm>>)
      %dma_wait3A_106 = arith.constant 1 : i32
      %dma_wait3A_107 = arith.constant 0 : i32
      %dma_wait3A_108 = arith.constant 0 : i32
      %dma_wait3A_109 = tpu.memref_slice %arg6[%dma_wait3A_106, %dma_wait3A_107, %dma_wait3A_108] : memref<2x16x2048xf32, #tpu.memory_space<vmem>> -> memref<1x16x2048xf32, #tpu.memory_space<vmem>>
      %dma_wait3A_110 = tpu.memref_squeeze %dma_wait3A_109 : memref<1x16x2048xf32, #tpu.memory_space<vmem>> -> memref<16x2048xf32, #tpu.memory_space<vmem>>
      %dma_wait3A_111 = arith.constant 0 : i32
      %dma_wait3A_112 = tpu.memref_slice %arg4[%add3A_79, %dma_wait3A_111] : memref<10240x2048xf32, #tpu.memory_space<hbm>> -> memref<16x2048xf32, #tpu.memory_space<hbm>>
      %dma_wait3A_113 = arith.constant 0 : i32
      %dma_wait3A_114 = tpu.memref_slice %arg4[%add3A_79, %dma_wait3A_113] : memref<10240x2048xf32, #tpu.memory_space<hbm>> -> memref<16x2048xf32, #tpu.memory_space<hbm>>
      %dma_wait3A_115 = arith.constant 0 : i32
      %dma_wait3A_116 = arith.constant 0 : i32
      %dma_wait3A_117 = tpu.memref_slice %arg6[%dma_wait3A_106, %dma_wait3A_115, %dma_wait3A_116] : memref<2x16x2048xf32, #tpu.memory_space<vmem>> -> memref<1x16x2048xf32, #tpu.memory_space<vmem>>
      %dma_wait3A_118 = tpu.memref_squeeze %dma_wait3A_117 : memref<1x16x2048xf32, #tpu.memory_space<vmem>> -> memref<16x2048xf32, #tpu.memory_space<vmem>>
      tpu.wait_dma2 semaphore(%arg10 : memref<!tpu.dma_semaphore, #tpu.memory_space<semaphore_mem>>) src(%dma_wait3A_118 : memref<16x2048xf32, #tpu.memory_space<vmem>>) dst(%dma_wait3A_114 : memref<16x2048xf32, #tpu.memory_space<hbm>>)
    }
    %scan3A_7 = arith.constant 10 : i32
    return
  }
}

#map = affine_map<(d0, d1) -> (0, 0)>
#map1 = affine_map<(d0, d1) -> (0, 0, 0)>
module attributes {stable_mosaic.version = 14 : i64} {
  func.func @combine(%arg0: i32, %arg1: i32, %arg2: memref<10240x2048xf32, #tpu.memory_space<hbm>>, %arg3: memref<32x16x8xi32, #tpu.memory_space<hbm>>, %arg4: memref<32x16x8xi32, #tpu.memory_space<hbm>>, %arg5: memref<4096x2048xf32, #tpu.memory_space<hbm>>, %arg6: memref<16x8xi32, #tpu.memory_space<vmem>>, %arg7: memref<16x8xi32, #tpu.memory_space<vmem>>, %arg8: memref<2x8x2048xf32, #tpu.memory_space<vmem>>, %arg9: memref<2x8x2048xf32, #tpu.memory_space<vmem>>, %arg10: memref<!tpu.dma_semaphore, #tpu.memory_space<semaphore_mem>>, %arg11: memref<!tpu.dma_semaphore, #tpu.memory_space<semaphore_mem>>, %arg12: memref<!tpu.dma_semaphore, #tpu.memory_space<semaphore_mem>>, %arg13: memref<!tpu.dma_semaphore, #tpu.memory_space<semaphore_mem>>, %arg14: memref<!tpu.dma_semaphore, #tpu.memory_space<semaphore_mem>>, %arg15: memref<!tpu.dma_semaphore, #tpu.memory_space<semaphore_mem>>) attributes {dimension_semantics = [#tpu.dimension_semantics<core_parallel>, #tpu.dimension_semantics<subcore_parallel>], iteration_bounds = array<i64: 2, 16>, scalar_prefetch = 0 : i64, scratch_operands = 10 : i64, tpu.core_type = #tpu.core_type<sc_vector_subcore>, window_params = [{transform_indices = #map}, {transform_indices = #map1}, {transform_indices = #map1}, {transform_indices = #map}]} {
    %mul3A = arith.constant 2 : i32
    %mul3A_0 = arith.muli %arg1, %mul3A : i32
    %add3A = arith.addi %mul3A_0, %arg0 : i32
    %mul3A_1 = arith.constant 128 : i32
    %mul3A_2 = arith.muli %add3A, %mul3A_1 : i32
    "tpu.region"() ({
      %run_scoped3A = tpu.sem_alloc : memref<!tpu.dma_semaphore, #tpu.memory_space<semaphore_mem>>
      %dma_start3A = arith.constant 0 : i32
      %dma_start3A_8 = arith.constant 0 : i32
      %dma_start3A_9 = tpu.memref_slice %arg3[%add3A, %dma_start3A, %dma_start3A_8] : memref<32x16x8xi32, #tpu.memory_space<hbm>> -> memref<1x16x8xi32, #tpu.memory_space<hbm>>
      %dma_start3A_10 = tpu.memref_squeeze %dma_start3A_9 : memref<1x16x8xi32, #tpu.memory_space<hbm>> -> memref<16x8xi32, #tpu.memory_space<hbm>>
      %dma_start3A_11 = arith.constant 0 : i32
      %dma_start3A_12 = arith.constant 0 : i32
      %dma_start3A_13 = tpu.memref_slice %arg3[%add3A, %dma_start3A_11, %dma_start3A_12] : memref<32x16x8xi32, #tpu.memory_space<hbm>> -> memref<1x16x8xi32, #tpu.memory_space<hbm>>
      %dma_start3A_14 = tpu.memref_squeeze %dma_start3A_13 : memref<1x16x8xi32, #tpu.memory_space<hbm>> -> memref<16x8xi32, #tpu.memory_space<hbm>>
      tpu.enqueue_dma source(%dma_start3A_14 : memref<16x8xi32, #tpu.memory_space<hbm>>) target(%arg6 : memref<16x8xi32, #tpu.memory_space<vmem>>) target_semaphore(%run_scoped3A : memref<!tpu.dma_semaphore, #tpu.memory_space<semaphore_mem>>)
      %dma_wait3A = arith.constant 0 : i32
      %dma_wait3A_15 = arith.constant 0 : i32
      %dma_wait3A_16 = tpu.memref_slice %arg3[%add3A, %dma_wait3A, %dma_wait3A_15] : memref<32x16x8xi32, #tpu.memory_space<hbm>> -> memref<1x16x8xi32, #tpu.memory_space<hbm>>
      %dma_wait3A_17 = tpu.memref_squeeze %dma_wait3A_16 : memref<1x16x8xi32, #tpu.memory_space<hbm>> -> memref<16x8xi32, #tpu.memory_space<hbm>>
      %dma_wait3A_18 = arith.constant 0 : i32
      %dma_wait3A_19 = arith.constant 0 : i32
      %dma_wait3A_20 = tpu.memref_slice %arg3[%add3A, %dma_wait3A_18, %dma_wait3A_19] : memref<32x16x8xi32, #tpu.memory_space<hbm>> -> memref<1x16x8xi32, #tpu.memory_space<hbm>>
      %dma_wait3A_21 = tpu.memref_squeeze %dma_wait3A_20 : memref<1x16x8xi32, #tpu.memory_space<hbm>> -> memref<16x8xi32, #tpu.memory_space<hbm>>
      tpu.wait_dma2 semaphore(%run_scoped3A : memref<!tpu.dma_semaphore, #tpu.memory_space<semaphore_mem>>) src(%dma_wait3A_21 : memref<16x8xi32, #tpu.memory_space<hbm>>) dst(%arg6 : memref<16x8xi32, #tpu.memory_space<vmem>>)
      tpu.yield
    }) : () -> ()
    "tpu.region"() ({
      %run_scoped3A = tpu.sem_alloc : memref<!tpu.dma_semaphore, #tpu.memory_space<semaphore_mem>>
      %dma_start3A = arith.constant 0 : i32
      %dma_start3A_8 = arith.constant 0 : i32
      %dma_start3A_9 = tpu.memref_slice %arg4[%add3A, %dma_start3A, %dma_start3A_8] : memref<32x16x8xi32, #tpu.memory_space<hbm>> -> memref<1x16x8xi32, #tpu.memory_space<hbm>>
      %dma_start3A_10 = tpu.memref_squeeze %dma_start3A_9 : memref<1x16x8xi32, #tpu.memory_space<hbm>> -> memref<16x8xi32, #tpu.memory_space<hbm>>
      %dma_start3A_11 = arith.constant 0 : i32
      %dma_start3A_12 = arith.constant 0 : i32
      %dma_start3A_13 = tpu.memref_slice %arg4[%add3A, %dma_start3A_11, %dma_start3A_12] : memref<32x16x8xi32, #tpu.memory_space<hbm>> -> memref<1x16x8xi32, #tpu.memory_space<hbm>>
      %dma_start3A_14 = tpu.memref_squeeze %dma_start3A_13 : memref<1x16x8xi32, #tpu.memory_space<hbm>> -> memref<16x8xi32, #tpu.memory_space<hbm>>
      tpu.enqueue_dma source(%dma_start3A_14 : memref<16x8xi32, #tpu.memory_space<hbm>>) target(%arg7 : memref<16x8xi32, #tpu.memory_space<vmem>>) target_semaphore(%run_scoped3A : memref<!tpu.dma_semaphore, #tpu.memory_space<semaphore_mem>>)
      %dma_wait3A = arith.constant 0 : i32
      %dma_wait3A_15 = arith.constant 0 : i32
      %dma_wait3A_16 = tpu.memref_slice %arg4[%add3A, %dma_wait3A, %dma_wait3A_15] : memref<32x16x8xi32, #tpu.memory_space<hbm>> -> memref<1x16x8xi32, #tpu.memory_space<hbm>>
      %dma_wait3A_17 = tpu.memref_squeeze %dma_wait3A_16 : memref<1x16x8xi32, #tpu.memory_space<hbm>> -> memref<16x8xi32, #tpu.memory_space<hbm>>
      %dma_wait3A_18 = arith.constant 0 : i32
      %dma_wait3A_19 = arith.constant 0 : i32
      %dma_wait3A_20 = tpu.memref_slice %arg4[%add3A, %dma_wait3A_18, %dma_wait3A_19] : memref<32x16x8xi32, #tpu.memory_space<hbm>> -> memref<1x16x8xi32, #tpu.memory_space<hbm>>
      %dma_wait3A_21 = tpu.memref_squeeze %dma_wait3A_20 : memref<1x16x8xi32, #tpu.memory_space<hbm>> -> memref<16x8xi32, #tpu.memory_space<hbm>>
      tpu.wait_dma2 semaphore(%run_scoped3A : memref<!tpu.dma_semaphore, #tpu.memory_space<semaphore_mem>>) src(%dma_wait3A_21 : memref<16x8xi32, #tpu.memory_space<hbm>>) dst(%arg7 : memref<16x8xi32, #tpu.memory_space<vmem>>)
      tpu.yield
    }) : () -> ()
    %scan3A = arith.constant 0 : i32
    %scan3A_3 = arith.constant 0 : i32
    %scan3A_4 = arith.constant 8 : i32
    %scan3A_5 = arith.addi %scan3A_3, %scan3A_4 : i32
    %scan3A_6 = arith.constant 1 : i32
    scf.for %scan3A_8 = %scan3A_3 to %scan3A_5 step %scan3A_6  : i32 {
      %mul3A_9 = arith.constant 2 : i32
      %mul3A_10 = arith.muli %scan3A_8, %mul3A_9 : i32
      %add3A_11 = arith.constant 0 : i32
      %add3A_12 = arith.addi %mul3A_10, %add3A_11 : i32
      %dma_start3A = arith.constant 0 : i32
      %dma_start3A_13 = arith.constant 0 : i32
      %dma_start3A_14 = arith.constant 0 : i32
      %dma_start3A_15 = tpu.memref_slice %arg8[%dma_start3A, %dma_start3A_13, %dma_start3A_14] : memref<2x8x2048xf32, #tpu.memory_space<vmem>> -> memref<1x8x2048xf32, #tpu.memory_space<vmem>>
      %dma_start3A_16 = tpu.memref_squeeze %dma_start3A_15 : memref<1x8x2048xf32, #tpu.memory_space<vmem>> -> memref<8x2048xf32, #tpu.memory_space<vmem>>
      %dma_start3A_17 = arith.constant 0 : i32
      %dma_start3A_18 = tpu.memref_slice %arg6[%add3A_12, %dma_start3A_17] : memref<16x8xi32, #tpu.memory_space<vmem>> -> memref<1x8xi32, #tpu.memory_space<vmem>>
      %dma_start3A_19 = tpu.memref_squeeze %dma_start3A_18 : memref<1x8xi32, #tpu.memory_space<vmem>> -> memref<8xi32, #tpu.memory_space<vmem>>
      %dma_start3A_20 = arith.constant 0 : i32
      %dma_start3A_21 = arith.constant 0 : i32
      %dma_start3A_22 = tpu.memref_slice %arg2[%dma_start3A_20, %dma_start3A_21] : memref<10240x2048xf32, #tpu.memory_space<hbm>> -> memref<10240x2048xf32, #tpu.memory_space<hbm>>
      tpu.enqueue_indirect_dma source(%dma_start3A_22 : memref<10240x2048xf32, #tpu.memory_space<hbm>>) target(%dma_start3A_16 : memref<8x2048xf32, #tpu.memory_space<vmem>>) offsets(%dma_start3A_19 : memref<8xi32, #tpu.memory_space<vmem>>) semaphore(%arg10 : memref<!tpu.dma_semaphore, #tpu.memory_space<semaphore_mem>>)
      %add3A_23 = arith.constant 0 : i32
      %add3A_24 = arith.addi %mul3A_10, %add3A_23 : i32
      %dma_start3A_25 = arith.constant 0 : i32
      %dma_start3A_26 = arith.constant 0 : i32
      %dma_start3A_27 = arith.constant 0 : i32
      %dma_start3A_28 = tpu.memref_slice %arg9[%dma_start3A_25, %dma_start3A_26, %dma_start3A_27] : memref<2x8x2048xf32, #tpu.memory_space<vmem>> -> memref<1x8x2048xf32, #tpu.memory_space<vmem>>
      %dma_start3A_29 = tpu.memref_squeeze %dma_start3A_28 : memref<1x8x2048xf32, #tpu.memory_space<vmem>> -> memref<8x2048xf32, #tpu.memory_space<vmem>>
      %dma_start3A_30 = arith.constant 0 : i32
      %dma_start3A_31 = tpu.memref_slice %arg7[%add3A_24, %dma_start3A_30] : memref<16x8xi32, #tpu.memory_space<vmem>> -> memref<1x8xi32, #tpu.memory_space<vmem>>
      %dma_start3A_32 = tpu.memref_squeeze %dma_start3A_31 : memref<1x8xi32, #tpu.memory_space<vmem>> -> memref<8xi32, #tpu.memory_space<vmem>>
      %dma_start3A_33 = arith.constant 0 : i32
      %dma_start3A_34 = arith.constant 0 : i32
      %dma_start3A_35 = tpu.memref_slice %arg2[%dma_start3A_33, %dma_start3A_34] : memref<10240x2048xf32, #tpu.memory_space<hbm>> -> memref<10240x2048xf32, #tpu.memory_space<hbm>>
      tpu.enqueue_indirect_dma source(%dma_start3A_35 : memref<10240x2048xf32, #tpu.memory_space<hbm>>) target(%dma_start3A_29 : memref<8x2048xf32, #tpu.memory_space<vmem>>) offsets(%dma_start3A_32 : memref<8xi32, #tpu.memory_space<vmem>>) semaphore(%arg12 : memref<!tpu.dma_semaphore, #tpu.memory_space<semaphore_mem>>)
      %add3A_36 = arith.constant 1 : i32
      %add3A_37 = arith.addi %mul3A_10, %add3A_36 : i32
      %dma_start3A_38 = arith.constant 1 : i32
      %dma_start3A_39 = arith.constant 0 : i32
      %dma_start3A_40 = arith.constant 0 : i32
      %dma_start3A_41 = tpu.memref_slice %arg8[%dma_start3A_38, %dma_start3A_39, %dma_start3A_40] : memref<2x8x2048xf32, #tpu.memory_space<vmem>> -> memref<1x8x2048xf32, #tpu.memory_space<vmem>>
      %dma_start3A_42 = tpu.memref_squeeze %dma_start3A_41 : memref<1x8x2048xf32, #tpu.memory_space<vmem>> -> memref<8x2048xf32, #tpu.memory_space<vmem>>
      %dma_start3A_43 = arith.constant 0 : i32
      %dma_start3A_44 = tpu.memref_slice %arg6[%add3A_37, %dma_start3A_43] : memref<16x8xi32, #tpu.memory_space<vmem>> -> memref<1x8xi32, #tpu.memory_space<vmem>>
      %dma_start3A_45 = tpu.memref_squeeze %dma_start3A_44 : memref<1x8xi32, #tpu.memory_space<vmem>> -> memref<8xi32, #tpu.memory_space<vmem>>
      %dma_start3A_46 = arith.constant 0 : i32
      %dma_start3A_47 = arith.constant 0 : i32
      %dma_start3A_48 = tpu.memref_slice %arg2[%dma_start3A_46, %dma_start3A_47] : memref<10240x2048xf32, #tpu.memory_space<hbm>> -> memref<10240x2048xf32, #tpu.memory_space<hbm>>
      tpu.enqueue_indirect_dma source(%dma_start3A_48 : memref<10240x2048xf32, #tpu.memory_space<hbm>>) target(%dma_start3A_42 : memref<8x2048xf32, #tpu.memory_space<vmem>>) offsets(%dma_start3A_45 : memref<8xi32, #tpu.memory_space<vmem>>) semaphore(%arg11 : memref<!tpu.dma_semaphore, #tpu.memory_space<semaphore_mem>>)
      %add3A_49 = arith.constant 1 : i32
      %add3A_50 = arith.addi %mul3A_10, %add3A_49 : i32
      %dma_start3A_51 = arith.constant 1 : i32
      %dma_start3A_52 = arith.constant 0 : i32
      %dma_start3A_53 = arith.constant 0 : i32
      %dma_start3A_54 = tpu.memref_slice %arg9[%dma_start3A_51, %dma_start3A_52, %dma_start3A_53] : memref<2x8x2048xf32, #tpu.memory_space<vmem>> -> memref<1x8x2048xf32, #tpu.memory_space<vmem>>
      %dma_start3A_55 = tpu.memref_squeeze %dma_start3A_54 : memref<1x8x2048xf32, #tpu.memory_space<vmem>> -> memref<8x2048xf32, #tpu.memory_space<vmem>>
      %dma_start3A_56 = arith.constant 0 : i32
      %dma_start3A_57 = tpu.memref_slice %arg7[%add3A_50, %dma_start3A_56] : memref<16x8xi32, #tpu.memory_space<vmem>> -> memref<1x8xi32, #tpu.memory_space<vmem>>
      %dma_start3A_58 = tpu.memref_squeeze %dma_start3A_57 : memref<1x8xi32, #tpu.memory_space<vmem>> -> memref<8xi32, #tpu.memory_space<vmem>>
      %dma_start3A_59 = arith.constant 0 : i32
      %dma_start3A_60 = arith.constant 0 : i32
      %dma_start3A_61 = tpu.memref_slice %arg2[%dma_start3A_59, %dma_start3A_60] : memref<10240x2048xf32, #tpu.memory_space<hbm>> -> memref<10240x2048xf32, #tpu.memory_space<hbm>>
      tpu.enqueue_indirect_dma source(%dma_start3A_61 : memref<10240x2048xf32, #tpu.memory_space<hbm>>) target(%dma_start3A_55 : memref<8x2048xf32, #tpu.memory_space<vmem>>) offsets(%dma_start3A_58 : memref<8xi32, #tpu.memory_space<vmem>>) semaphore(%arg13 : memref<!tpu.dma_semaphore, #tpu.memory_space<semaphore_mem>>)
      %dma_wait3A = arith.constant 0 : i32
      %dma_wait3A_62 = arith.constant 0 : i32
      %dma_wait3A_63 = arith.constant 0 : i32
      %dma_wait3A_64 = tpu.memref_slice %arg8[%dma_wait3A, %dma_wait3A_62, %dma_wait3A_63] : memref<2x8x2048xf32, #tpu.memory_space<vmem>> -> memref<1x8x2048xf32, #tpu.memory_space<vmem>>
      %dma_wait3A_65 = tpu.memref_squeeze %dma_wait3A_64 : memref<1x8x2048xf32, #tpu.memory_space<vmem>> -> memref<8x2048xf32, #tpu.memory_space<vmem>>
      %dma_wait3A_66 = arith.constant 0 : i32
      %dma_wait3A_67 = tpu.memref_slice %arg6[%add3A_12, %dma_wait3A_66] : memref<16x8xi32, #tpu.memory_space<vmem>> -> memref<1x8xi32, #tpu.memory_space<vmem>>
      %dma_wait3A_68 = tpu.memref_squeeze %dma_wait3A_67 : memref<1x8xi32, #tpu.memory_space<vmem>> -> memref<8xi32, #tpu.memory_space<vmem>>
      %dma_wait3A_69 = arith.constant 0 : i32
      %dma_wait3A_70 = arith.constant 0 : i32
      %dma_wait3A_71 = tpu.memref_slice %arg2[%dma_wait3A_69, %dma_wait3A_70] : memref<10240x2048xf32, #tpu.memory_space<hbm>> -> memref<10240x2048xf32, #tpu.memory_space<hbm>>
      tpu.wait_indirect_dma semaphore(%arg10 : memref<!tpu.dma_semaphore, #tpu.memory_space<semaphore_mem>>) src(%dma_wait3A_71 : memref<10240x2048xf32, #tpu.memory_space<hbm>>) dst(%dma_wait3A_65 : memref<8x2048xf32, #tpu.memory_space<vmem>>)
      %dma_wait3A_72 = arith.constant 0 : i32
      %dma_wait3A_73 = arith.constant 0 : i32
      %dma_wait3A_74 = arith.constant 0 : i32
      %dma_wait3A_75 = tpu.memref_slice %arg9[%dma_wait3A_72, %dma_wait3A_73, %dma_wait3A_74] : memref<2x8x2048xf32, #tpu.memory_space<vmem>> -> memref<1x8x2048xf32, #tpu.memory_space<vmem>>
      %dma_wait3A_76 = tpu.memref_squeeze %dma_wait3A_75 : memref<1x8x2048xf32, #tpu.memory_space<vmem>> -> memref<8x2048xf32, #tpu.memory_space<vmem>>
      %dma_wait3A_77 = arith.constant 0 : i32
      %dma_wait3A_78 = tpu.memref_slice %arg7[%add3A_24, %dma_wait3A_77] : memref<16x8xi32, #tpu.memory_space<vmem>> -> memref<1x8xi32, #tpu.memory_space<vmem>>
      %dma_wait3A_79 = tpu.memref_squeeze %dma_wait3A_78 : memref<1x8xi32, #tpu.memory_space<vmem>> -> memref<8xi32, #tpu.memory_space<vmem>>
      %dma_wait3A_80 = arith.constant 0 : i32
      %dma_wait3A_81 = arith.constant 0 : i32
      %dma_wait3A_82 = tpu.memref_slice %arg2[%dma_wait3A_80, %dma_wait3A_81] : memref<10240x2048xf32, #tpu.memory_space<hbm>> -> memref<10240x2048xf32, #tpu.memory_space<hbm>>
      tpu.wait_indirect_dma semaphore(%arg12 : memref<!tpu.dma_semaphore, #tpu.memory_space<semaphore_mem>>) src(%dma_wait3A_82 : memref<10240x2048xf32, #tpu.memory_space<hbm>>) dst(%dma_wait3A_76 : memref<8x2048xf32, #tpu.memory_space<vmem>>)
      %scan3A_83 = arith.constant 0 : i32
      %scan3A_84 = arith.constant 0 : i32
      %scan3A_85 = arith.constant 8 : i32
      %scan3A_86 = arith.addi %scan3A_84, %scan3A_85 : i32
      %scan3A_87 = arith.constant 1 : i32
      scf.for %scan3A_179 = %scan3A_84 to %scan3A_86 step %scan3A_87  : i32 {
        %scan3A_180 = arith.constant 0 : i32
        %scan3A_181 = arith.constant 128 : i32
        %scan3A_182 = arith.addi %scan3A_180, %scan3A_181 : i32
        %scan3A_183 = arith.constant 8 : i32
        scf.for %scan3A_185 = %scan3A_180 to %scan3A_182 step %scan3A_183  : i32 {
          %mul3A_186 = arith.constant 16 : i32
          %mul3A_187 = arith.muli %scan3A_185, %mul3A_186 : i32
          %get3A = arith.constant 0 : i32
          %get3A_188 = arith.index_cast %get3A : i32 to index
          %get3A_189 = arith.index_cast %scan3A_179 : i32 to index
          %get3A_190 = arith.index_cast %mul3A_187 : i32 to index
          %get3A_191 = tpu.vector_load %arg8[%get3A_188, %get3A_189, %get3A_190] {strides = array<i32>} : memref<2x8x2048xf32, #tpu.memory_space<vmem>>, vector<1x1x16xf32>,
          %get3A_192 = vector.shape_cast %get3A_191 : vector<1x1x16xf32> to vector<16xf32>
          %get3A_193 = arith.constant 0 : i32
          %get3A_194 = arith.index_cast %get3A_193 : i32 to index
          %get3A_195 = arith.index_cast %scan3A_179 : i32 to index
          %get3A_196 = arith.index_cast %mul3A_187 : i32 to index
          %get3A_197 = tpu.vector_load %arg9[%get3A_194, %get3A_195, %get3A_196] {strides = array<i32>} : memref<2x8x2048xf32, #tpu.memory_space<vmem>>, vector<1x1x16xf32>,
          %get3A_198 = vector.shape_cast %get3A_197 : vector<1x1x16xf32> to vector<16xf32>
          %add3A_199 = arith.addf %get3A_192, %get3A_198 : vector<16xf32>
          %swap3A = arith.constant 0 : i32
          %swap3A_200 = arith.index_cast %swap3A : i32 to index
          %swap3A_201 = arith.index_cast %scan3A_179 : i32 to index
          %swap3A_202 = arith.index_cast %mul3A_187 : i32 to index
          %swap3A_203 = tpu.vector_load %arg8[%swap3A_200, %swap3A_201, %swap3A_202] {strides = array<i32>} : memref<2x8x2048xf32, #tpu.memory_space<vmem>>, vector<1x1x16xf32>,
          %swap3A_204 = vector.shape_cast %swap3A_203 : vector<1x1x16xf32> to vector<16xf32>
          %swap3A_205 = vector.shape_cast %add3A_199 : vector<16xf32> to vector<1x1x16xf32>
          tpu.vector_store %arg8[%swap3A_200, %swap3A_201, %swap3A_202], %swap3A_205 {strides = array<i32>} : memref<2x8x2048xf32, #tpu.memory_space<vmem>>, vector<1x1x16xf32>,
          %scan3A_206 = arith.constant 1 : i32
          %scan3A_207 = arith.addi %scan3A_185, %scan3A_206 : i32
          %mul3A_208 = arith.constant 16 : i32
          %mul3A_209 = arith.muli %scan3A_207, %mul3A_208 : i32
          %get3A_210 = arith.constant 0 : i32
          %get3A_211 = arith.index_cast %get3A_210 : i32 to index
          %get3A_212 = arith.index_cast %scan3A_179 : i32 to index
          %get3A_213 = arith.index_cast %mul3A_209 : i32 to index
          %get3A_214 = tpu.vector_load %arg8[%get3A_211, %get3A_212, %get3A_213] {strides = array<i32>} : memref<2x8x2048xf32, #tpu.memory_space<vmem>>, vector<1x1x16xf32>,
          %get3A_215 = vector.shape_cast %get3A_214 : vector<1x1x16xf32> to vector<16xf32>
          %get3A_216 = arith.constant 0 : i32
          %get3A_217 = arith.index_cast %get3A_216 : i32 to index
          %get3A_218 = arith.index_cast %scan3A_179 : i32 to index
          %get3A_219 = arith.index_cast %mul3A_209 : i32 to index
          %get3A_220 = tpu.vector_load %arg9[%get3A_217, %get3A_218, %get3A_219] {strides = array<i32>} : memref<2x8x2048xf32, #tpu.memory_space<vmem>>, vector<1x1x16xf32>,
          %get3A_221 = vector.shape_cast %get3A_220 : vector<1x1x16xf32> to vector<16xf32>
          %add3A_222 = arith.addf %get3A_215, %get3A_221 : vector<16xf32>
          %swap3A_223 = arith.constant 0 : i32
          %swap3A_224 = arith.index_cast %swap3A_223 : i32 to index
          %swap3A_225 = arith.index_cast %scan3A_179 : i32 to index
          %swap3A_226 = arith.index_cast %mul3A_209 : i32 to index
          %swap3A_227 = tpu.vector_load %arg8[%swap3A_224, %swap3A_225, %swap3A_226] {strides = array<i32>} : memref<2x8x2048xf32, #tpu.memory_space<vmem>>, vector<1x1x16xf32>,
          %swap3A_228 = vector.shape_cast %swap3A_227 : vector<1x1x16xf32> to vector<16xf32>
          %swap3A_229 = vector.shape_cast %add3A_222 : vector<16xf32> to vector<1x1x16xf32>
          tpu.vector_store %arg8[%swap3A_224, %swap3A_225, %swap3A_226], %swap3A_229 {strides = array<i32>} : memref<2x8x2048xf32, #tpu.memory_space<vmem>>, vector<1x1x16xf32>,
          %scan3A_230 = arith.constant 2 : i32
          %scan3A_231 = arith.addi %scan3A_185, %scan3A_230 : i32
          %mul3A_232 = arith.constant 16 : i32
          %mul3A_233 = arith.muli %scan3A_231, %mul3A_232 : i32
          %get3A_234 = arith.constant 0 : i32
          %get3A_235 = arith.index_cast %get3A_234 : i32 to index
          %get3A_236 = arith.index_cast %scan3A_179 : i32 to index
          %get3A_237 = arith.index_cast %mul3A_233 : i32 to index
          %get3A_238 = tpu.vector_load %arg8[%get3A_235, %get3A_236, %get3A_237] {strides = array<i32>} : memref<2x8x2048xf32, #tpu.memory_space<vmem>>, vector<1x1x16xf32>,
          %get3A_239 = vector.shape_cast %get3A_238 : vector<1x1x16xf32> to vector<16xf32>
          %get3A_240 = arith.constant 0 : i32
          %get3A_241 = arith.index_cast %get3A_240 : i32 to index
          %get3A_242 = arith.index_cast %scan3A_179 : i32 to index
          %get3A_243 = arith.index_cast %mul3A_233 : i32 to index
          %get3A_244 = tpu.vector_load %arg9[%get3A_241, %get3A_242, %get3A_243] {strides = array<i32>} : memref<2x8x2048xf32, #tpu.memory_space<vmem>>, vector<1x1x16xf32>,
          %get3A_245 = vector.shape_cast %get3A_244 : vector<1x1x16xf32> to vector<16xf32>
          %add3A_246 = arith.addf %get3A_239, %get3A_245 : vector<16xf32>
          %swap3A_247 = arith.constant 0 : i32
          %swap3A_248 = arith.index_cast %swap3A_247 : i32 to index
          %swap3A_249 = arith.index_cast %scan3A_179 : i32 to index
          %swap3A_250 = arith.index_cast %mul3A_233 : i32 to index
          %swap3A_251 = tpu.vector_load %arg8[%swap3A_248, %swap3A_249, %swap3A_250] {strides = array<i32>} : memref<2x8x2048xf32, #tpu.memory_space<vmem>>, vector<1x1x16xf32>,
          %swap3A_252 = vector.shape_cast %swap3A_251 : vector<1x1x16xf32> to vector<16xf32>
          %swap3A_253 = vector.shape_cast %add3A_246 : vector<16xf32> to vector<1x1x16xf32>
          tpu.vector_store %arg8[%swap3A_248, %swap3A_249, %swap3A_250], %swap3A_253 {strides = array<i32>} : memref<2x8x2048xf32, #tpu.memory_space<vmem>>, vector<1x1x16xf32>,
          %scan3A_254 = arith.constant 3 : i32
          %scan3A_255 = arith.addi %scan3A_185, %scan3A_254 : i32
          %mul3A_256 = arith.constant 16 : i32
          %mul3A_257 = arith.muli %scan3A_255, %mul3A_256 : i32
          %get3A_258 = arith.constant 0 : i32
          %get3A_259 = arith.index_cast %get3A_258 : i32 to index
          %get3A_260 = arith.index_cast %scan3A_179 : i32 to index
          %get3A_261 = arith.index_cast %mul3A_257 : i32 to index
          %get3A_262 = tpu.vector_load %arg8[%get3A_259, %get3A_260, %get3A_261] {strides = array<i32>} : memref<2x8x2048xf32, #tpu.memory_space<vmem>>, vector<1x1x16xf32>,
          %get3A_263 = vector.shape_cast %get3A_262 : vector<1x1x16xf32> to vector<16xf32>
          %get3A_264 = arith.constant 0 : i32
          %get3A_265 = arith.index_cast %get3A_264 : i32 to index
          %get3A_266 = arith.index_cast %scan3A_179 : i32 to index
          %get3A_267 = arith.index_cast %mul3A_257 : i32 to index
          %get3A_268 = tpu.vector_load %arg9[%get3A_265, %get3A_266, %get3A_267] {strides = array<i32>} : memref<2x8x2048xf32, #tpu.memory_space<vmem>>, vector<1x1x16xf32>,
          %get3A_269 = vector.shape_cast %get3A_268 : vector<1x1x16xf32> to vector<16xf32>
          %add3A_270 = arith.addf %get3A_263, %get3A_269 : vector<16xf32>
          %swap3A_271 = arith.constant 0 : i32
          %swap3A_272 = arith.index_cast %swap3A_271 : i32 to index
          %swap3A_273 = arith.index_cast %scan3A_179 : i32 to index
          %swap3A_274 = arith.index_cast %mul3A_257 : i32 to index
          %swap3A_275 = tpu.vector_load %arg8[%swap3A_272, %swap3A_273, %swap3A_274] {strides = array<i32>} : memref<2x8x2048xf32, #tpu.memory_space<vmem>>, vector<1x1x16xf32>,
          %swap3A_276 = vector.shape_cast %swap3A_275 : vector<1x1x16xf32> to vector<16xf32>
          %swap3A_277 = vector.shape_cast %add3A_270 : vector<16xf32> to vector<1x1x16xf32>
          tpu.vector_store %arg8[%swap3A_272, %swap3A_273, %swap3A_274], %swap3A_277 {strides = array<i32>} : memref<2x8x2048xf32, #tpu.memory_space<vmem>>, vector<1x1x16xf32>,
          %scan3A_278 = arith.constant 4 : i32
          %scan3A_279 = arith.addi %scan3A_185, %scan3A_278 : i32
          %mul3A_280 = arith.constant 16 : i32
          %mul3A_281 = arith.muli %scan3A_279, %mul3A_280 : i32
          %get3A_282 = arith.constant 0 : i32
          %get3A_283 = arith.index_cast %get3A_282 : i32 to index
          %get3A_284 = arith.index_cast %scan3A_179 : i32 to index
          %get3A_285 = arith.index_cast %mul3A_281 : i32 to index
          %get3A_286 = tpu.vector_load %arg8[%get3A_283, %get3A_284, %get3A_285] {strides = array<i32>} : memref<2x8x2048xf32, #tpu.memory_space<vmem>>, vector<1x1x16xf32>,
          %get3A_287 = vector.shape_cast %get3A_286 : vector<1x1x16xf32> to vector<16xf32>
          %get3A_288 = arith.constant 0 : i32
          %get3A_289 = arith.index_cast %get3A_288 : i32 to index
          %get3A_290 = arith.index_cast %scan3A_179 : i32 to index
          %get3A_291 = arith.index_cast %mul3A_281 : i32 to index
          %get3A_292 = tpu.vector_load %arg9[%get3A_289, %get3A_290, %get3A_291] {strides = array<i32>} : memref<2x8x2048xf32, #tpu.memory_space<vmem>>, vector<1x1x16xf32>,
          %get3A_293 = vector.shape_cast %get3A_292 : vector<1x1x16xf32> to vector<16xf32>
          %add3A_294 = arith.addf %get3A_287, %get3A_293 : vector<16xf32>
          %swap3A_295 = arith.constant 0 : i32
          %swap3A_296 = arith.index_cast %swap3A_295 : i32 to index
          %swap3A_297 = arith.index_cast %scan3A_179 : i32 to index
          %swap3A_298 = arith.index_cast %mul3A_281 : i32 to index
          %swap3A_299 = tpu.vector_load %arg8[%swap3A_296, %swap3A_297, %swap3A_298] {strides = array<i32>} : memref<2x8x2048xf32, #tpu.memory_space<vmem>>, vector<1x1x16xf32>,
          %swap3A_300 = vector.shape_cast %swap3A_299 : vector<1x1x16xf32> to vector<16xf32>
          %swap3A_301 = vector.shape_cast %add3A_294 : vector<16xf32> to vector<1x1x16xf32>
          tpu.vector_store %arg8[%swap3A_296, %swap3A_297, %swap3A_298], %swap3A_301 {strides = array<i32>} : memref<2x8x2048xf32, #tpu.memory_space<vmem>>, vector<1x1x16xf32>,
          %scan3A_302 = arith.constant 5 : i32
          %scan3A_303 = arith.addi %scan3A_185, %scan3A_302 : i32
          %mul3A_304 = arith.constant 16 : i32
          %mul3A_305 = arith.muli %scan3A_303, %mul3A_304 : i32
          %get3A_306 = arith.constant 0 : i32
          %get3A_307 = arith.index_cast %get3A_306 : i32 to index
          %get3A_308 = arith.index_cast %scan3A_179 : i32 to index
          %get3A_309 = arith.index_cast %mul3A_305 : i32 to index
          %get3A_310 = tpu.vector_load %arg8[%get3A_307, %get3A_308, %get3A_309] {strides = array<i32>} : memref<2x8x2048xf32, #tpu.memory_space<vmem>>, vector<1x1x16xf32>,
          %get3A_311 = vector.shape_cast %get3A_310 : vector<1x1x16xf32> to vector<16xf32>
          %get3A_312 = arith.constant 0 : i32
          %get3A_313 = arith.index_cast %get3A_312 : i32 to index
          %get3A_314 = arith.index_cast %scan3A_179 : i32 to index
          %get3A_315 = arith.index_cast %mul3A_305 : i32 to index
          %get3A_316 = tpu.vector_load %arg9[%get3A_313, %get3A_314, %get3A_315] {strides = array<i32>} : memref<2x8x2048xf32, #tpu.memory_space<vmem>>, vector<1x1x16xf32>,
          %get3A_317 = vector.shape_cast %get3A_316 : vector<1x1x16xf32> to vector<16xf32>
          %add3A_318 = arith.addf %get3A_311, %get3A_317 : vector<16xf32>
          %swap3A_319 = arith.constant 0 : i32
          %swap3A_320 = arith.index_cast %swap3A_319 : i32 to index
          %swap3A_321 = arith.index_cast %scan3A_179 : i32 to index
          %swap3A_322 = arith.index_cast %mul3A_305 : i32 to index
          %swap3A_323 = tpu.vector_load %arg8[%swap3A_320, %swap3A_321, %swap3A_322] {strides = array<i32>} : memref<2x8x2048xf32, #tpu.memory_space<vmem>>, vector<1x1x16xf32>,
          %swap3A_324 = vector.shape_cast %swap3A_323 : vector<1x1x16xf32> to vector<16xf32>
          %swap3A_325 = vector.shape_cast %add3A_318 : vector<16xf32> to vector<1x1x16xf32>
          tpu.vector_store %arg8[%swap3A_320, %swap3A_321, %swap3A_322], %swap3A_325 {strides = array<i32>} : memref<2x8x2048xf32, #tpu.memory_space<vmem>>, vector<1x1x16xf32>,
          %scan3A_326 = arith.constant 6 : i32
          %scan3A_327 = arith.addi %scan3A_185, %scan3A_326 : i32
          %mul3A_328 = arith.constant 16 : i32
          %mul3A_329 = arith.muli %scan3A_327, %mul3A_328 : i32
          %get3A_330 = arith.constant 0 : i32
          %get3A_331 = arith.index_cast %get3A_330 : i32 to index
          %get3A_332 = arith.index_cast %scan3A_179 : i32 to index
          %get3A_333 = arith.index_cast %mul3A_329 : i32 to index
          %get3A_334 = tpu.vector_load %arg8[%get3A_331, %get3A_332, %get3A_333] {strides = array<i32>} : memref<2x8x2048xf32, #tpu.memory_space<vmem>>, vector<1x1x16xf32>,
          %get3A_335 = vector.shape_cast %get3A_334 : vector<1x1x16xf32> to vector<16xf32>
          %get3A_336 = arith.constant 0 : i32
          %get3A_337 = arith.index_cast %get3A_336 : i32 to index
          %get3A_338 = arith.index_cast %scan3A_179 : i32 to index
          %get3A_339 = arith.index_cast %mul3A_329 : i32 to index
          %get3A_340 = tpu.vector_load %arg9[%get3A_337, %get3A_338, %get3A_339] {strides = array<i32>} : memref<2x8x2048xf32, #tpu.memory_space<vmem>>, vector<1x1x16xf32>,
          %get3A_341 = vector.shape_cast %get3A_340 : vector<1x1x16xf32> to vector<16xf32>
          %add3A_342 = arith.addf %get3A_335, %get3A_341 : vector<16xf32>
          %swap3A_343 = arith.constant 0 : i32
          %swap3A_344 = arith.index_cast %swap3A_343 : i32 to index
          %swap3A_345 = arith.index_cast %scan3A_179 : i32 to index
          %swap3A_346 = arith.index_cast %mul3A_329 : i32 to index
          %swap3A_347 = tpu.vector_load %arg8[%swap3A_344, %swap3A_345, %swap3A_346] {strides = array<i32>} : memref<2x8x2048xf32, #tpu.memory_space<vmem>>, vector<1x1x16xf32>,
          %swap3A_348 = vector.shape_cast %swap3A_347 : vector<1x1x16xf32> to vector<16xf32>
          %swap3A_349 = vector.shape_cast %add3A_342 : vector<16xf32> to vector<1x1x16xf32>
          tpu.vector_store %arg8[%swap3A_344, %swap3A_345, %swap3A_346], %swap3A_349 {strides = array<i32>} : memref<2x8x2048xf32, #tpu.memory_space<vmem>>, vector<1x1x16xf32>,
          %scan3A_350 = arith.constant 7 : i32
          %scan3A_351 = arith.addi %scan3A_185, %scan3A_350 : i32
          %mul3A_352 = arith.constant 16 : i32
          %mul3A_353 = arith.muli %scan3A_351, %mul3A_352 : i32
          %get3A_354 = arith.constant 0 : i32
          %get3A_355 = arith.index_cast %get3A_354 : i32 to index
          %get3A_356 = arith.index_cast %scan3A_179 : i32 to index
          %get3A_357 = arith.index_cast %mul3A_353 : i32 to index
          %get3A_358 = tpu.vector_load %arg8[%get3A_355, %get3A_356, %get3A_357] {strides = array<i32>} : memref<2x8x2048xf32, #tpu.memory_space<vmem>>, vector<1x1x16xf32>,
          %get3A_359 = vector.shape_cast %get3A_358 : vector<1x1x16xf32> to vector<16xf32>
          %get3A_360 = arith.constant 0 : i32
          %get3A_361 = arith.index_cast %get3A_360 : i32 to index
          %get3A_362 = arith.index_cast %scan3A_179 : i32 to index
          %get3A_363 = arith.index_cast %mul3A_353 : i32 to index
          %get3A_364 = tpu.vector_load %arg9[%get3A_361, %get3A_362, %get3A_363] {strides = array<i32>} : memref<2x8x2048xf32, #tpu.memory_space<vmem>>, vector<1x1x16xf32>,
          %get3A_365 = vector.shape_cast %get3A_364 : vector<1x1x16xf32> to vector<16xf32>
          %add3A_366 = arith.addf %get3A_359, %get3A_365 : vector<16xf32>
          %swap3A_367 = arith.constant 0 : i32
          %swap3A_368 = arith.index_cast %swap3A_367 : i32 to index
          %swap3A_369 = arith.index_cast %scan3A_179 : i32 to index
          %swap3A_370 = arith.index_cast %mul3A_353 : i32 to index
          %swap3A_371 = tpu.vector_load %arg8[%swap3A_368, %swap3A_369, %swap3A_370] {strides = array<i32>} : memref<2x8x2048xf32, #tpu.memory_space<vmem>>, vector<1x1x16xf32>,
          %swap3A_372 = vector.shape_cast %swap3A_371 : vector<1x1x16xf32> to vector<16xf32>
          %swap3A_373 = vector.shape_cast %add3A_366 : vector<16xf32> to vector<1x1x16xf32>
          tpu.vector_store %arg8[%swap3A_368, %swap3A_369, %swap3A_370], %swap3A_373 {strides = array<i32>} : memref<2x8x2048xf32, #tpu.memory_space<vmem>>, vector<1x1x16xf32>,
        }
        %scan3A_184 = arith.constant 128 : i32
      }
      %scan3A_88 = arith.constant 8 : i32
      %add3A_89 = arith.constant 0 : i32
      %add3A_90 = arith.addi %mul3A_10, %add3A_89 : i32
      %mul3A_91 = arith.constant 8 : i32
      %mul3A_92 = arith.muli %add3A_90, %mul3A_91 : i32
      %add3A_93 = arith.addi %mul3A_2, %mul3A_92 : i32
      %dma_start3A_94 = arith.constant 0 : i32
      %dma_start3A_95 = arith.constant 0 : i32
      %dma_start3A_96 = arith.constant 0 : i32
      %dma_start3A_97 = tpu.memref_slice %arg8[%dma_start3A_94, %dma_start3A_95, %dma_start3A_96] : memref<2x8x2048xf32, #tpu.memory_space<vmem>> -> memref<1x8x2048xf32, #tpu.memory_space<vmem>>
      %dma_start3A_98 = tpu.memref_squeeze %dma_start3A_97 : memref<1x8x2048xf32, #tpu.memory_space<vmem>> -> memref<8x2048xf32, #tpu.memory_space<vmem>>
      %dma_start3A_99 = arith.constant 0 : i32
      %dma_start3A_100 = tpu.memref_slice %arg5[%add3A_93, %dma_start3A_99] : memref<4096x2048xf32, #tpu.memory_space<hbm>> -> memref<8x2048xf32, #tpu.memory_space<hbm>>
      %dma_start3A_101 = arith.constant 0 : i32
      %dma_start3A_102 = tpu.memref_slice %arg5[%add3A_93, %dma_start3A_101] : memref<4096x2048xf32, #tpu.memory_space<hbm>> -> memref<8x2048xf32, #tpu.memory_space<hbm>>
      %dma_start3A_103 = arith.constant 0 : i32
      %dma_start3A_104 = arith.constant 0 : i32
      %dma_start3A_105 = tpu.memref_slice %arg8[%dma_start3A_94, %dma_start3A_103, %dma_start3A_104] : memref<2x8x2048xf32, #tpu.memory_space<vmem>> -> memref<1x8x2048xf32, #tpu.memory_space<vmem>>
      %dma_start3A_106 = tpu.memref_squeeze %dma_start3A_105 : memref<1x8x2048xf32, #tpu.memory_space<vmem>> -> memref<8x2048xf32, #tpu.memory_space<vmem>>
      tpu.enqueue_dma source(%dma_start3A_106 : memref<8x2048xf32, #tpu.memory_space<vmem>>) target(%dma_start3A_102 : memref<8x2048xf32, #tpu.memory_space<hbm>>) target_semaphore(%arg14 : memref<!tpu.dma_semaphore, #tpu.memory_space<semaphore_mem>>)
      %dma_wait3A_107 = arith.constant 1 : i32
      %dma_wait3A_108 = arith.constant 0 : i32
      %dma_wait3A_109 = arith.constant 0 : i32
      %dma_wait3A_110 = tpu.memref_slice %arg8[%dma_wait3A_107, %dma_wait3A_108, %dma_wait3A_109] : memref<2x8x2048xf32, #tpu.memory_space<vmem>> -> memref<1x8x2048xf32, #tpu.memory_space<vmem>>
      %dma_wait3A_111 = tpu.memref_squeeze %dma_wait3A_110 : memref<1x8x2048xf32, #tpu.memory_space<vmem>> -> memref<8x2048xf32, #tpu.memory_space<vmem>>
      %dma_wait3A_112 = arith.constant 0 : i32
      %dma_wait3A_113 = tpu.memref_slice %arg6[%add3A_37, %dma_wait3A_112] : memref<16x8xi32, #tpu.memory_space<vmem>> -> memref<1x8xi32, #tpu.memory_space<vmem>>
      %dma_wait3A_114 = tpu.memref_squeeze %dma_wait3A_113 : memref<1x8xi32, #tpu.memory_space<vmem>> -> memref<8xi32, #tpu.memory_space<vmem>>
      %dma_wait3A_115 = arith.constant 0 : i32
      %dma_wait3A_116 = arith.constant 0 : i32
      %dma_wait3A_117 = tpu.memref_slice %arg2[%dma_wait3A_115, %dma_wait3A_116] : memref<10240x2048xf32, #tpu.memory_space<hbm>> -> memref<10240x2048xf32, #tpu.memory_space<hbm>>
      tpu.wait_indirect_dma semaphore(%arg11 : memref<!tpu.dma_semaphore, #tpu.memory_space<semaphore_mem>>) src(%dma_wait3A_117 : memref<10240x2048xf32, #tpu.memory_space<hbm>>) dst(%dma_wait3A_111 : memref<8x2048xf32, #tpu.memory_space<vmem>>)
      %dma_wait3A_118 = arith.constant 1 : i32
      %dma_wait3A_119 = arith.constant 0 : i32
      %dma_wait3A_120 = arith.constant 0 : i32
      %dma_wait3A_121 = tpu.memref_slice %arg9[%dma_wait3A_118, %dma_wait3A_119, %dma_wait3A_120] : memref<2x8x2048xf32, #tpu.memory_space<vmem>> -> memref<1x8x2048xf32, #tpu.memory_space<vmem>>
      %dma_wait3A_122 = tpu.memref_squeeze %dma_wait3A_121 : memref<1x8x2048xf32, #tpu.memory_space<vmem>> -> memref<8x2048xf32, #tpu.memory_space<vmem>>
      %dma_wait3A_123 = arith.constant 0 : i32
      %dma_wait3A_124 = tpu.memref_slice %arg7[%add3A_50, %dma_wait3A_123] : memref<16x8xi32, #tpu.memory_space<vmem>> -> memref<1x8xi32, #tpu.memory_space<vmem>>
      %dma_wait3A_125 = tpu.memref_squeeze %dma_wait3A_124 : memref<1x8xi32, #tpu.memory_space<vmem>> -> memref<8xi32, #tpu.memory_space<vmem>>
      %dma_wait3A_126 = arith.constant 0 : i32
      %dma_wait3A_127 = arith.constant 0 : i32
      %dma_wait3A_128 = tpu.memref_slice %arg2[%dma_wait3A_126, %dma_wait3A_127] : memref<10240x2048xf32, #tpu.memory_space<hbm>> -> memref<10240x2048xf32, #tpu.memory_space<hbm>>
      tpu.wait_indirect_dma semaphore(%arg13 : memref<!tpu.dma_semaphore, #tpu.memory_space<semaphore_mem>>) src(%dma_wait3A_128 : memref<10240x2048xf32, #tpu.memory_space<hbm>>) dst(%dma_wait3A_122 : memref<8x2048xf32, #tpu.memory_space<vmem>>)
      %scan3A_129 = arith.constant 0 : i32
      %scan3A_130 = arith.constant 0 : i32
      %scan3A_131 = arith.constant 8 : i32
      %scan3A_132 = arith.addi %scan3A_130, %scan3A_131 : i32
      %scan3A_133 = arith.constant 1 : i32
      scf.for %scan3A_179 = %scan3A_130 to %scan3A_132 step %scan3A_133  : i32 {
        %scan3A_180 = arith.constant 0 : i32
        %scan3A_181 = arith.constant 128 : i32
        %scan3A_182 = arith.addi %scan3A_180, %scan3A_181 : i32
        %scan3A_183 = arith.constant 8 : i32
        scf.for %scan3A_185 = %scan3A_180 to %scan3A_182 step %scan3A_183  : i32 {
          %mul3A_186 = arith.constant 16 : i32
          %mul3A_187 = arith.muli %scan3A_185, %mul3A_186 : i32
          %get3A = arith.constant 1 : i32
          %get3A_188 = arith.index_cast %get3A : i32 to index
          %get3A_189 = arith.index_cast %scan3A_179 : i32 to index
          %get3A_190 = arith.index_cast %mul3A_187 : i32 to index
          %get3A_191 = tpu.vector_load %arg8[%get3A_188, %get3A_189, %get3A_190] {strides = array<i32>} : memref<2x8x2048xf32, #tpu.memory_space<vmem>>, vector<1x1x16xf32>,
          %get3A_192 = vector.shape_cast %get3A_191 : vector<1x1x16xf32> to vector<16xf32>
          %get3A_193 = arith.constant 1 : i32
          %get3A_194 = arith.index_cast %get3A_193 : i32 to index
          %get3A_195 = arith.index_cast %scan3A_179 : i32 to index
          %get3A_196 = arith.index_cast %mul3A_187 : i32 to index
          %get3A_197 = tpu.vector_load %arg9[%get3A_194, %get3A_195, %get3A_196] {strides = array<i32>} : memref<2x8x2048xf32, #tpu.memory_space<vmem>>, vector<1x1x16xf32>,
          %get3A_198 = vector.shape_cast %get3A_197 : vector<1x1x16xf32> to vector<16xf32>
          %add3A_199 = arith.addf %get3A_192, %get3A_198 : vector<16xf32>
          %swap3A = arith.constant 1 : i32
          %swap3A_200 = arith.index_cast %swap3A : i32 to index
          %swap3A_201 = arith.index_cast %scan3A_179 : i32 to index
          %swap3A_202 = arith.index_cast %mul3A_187 : i32 to index
          %swap3A_203 = tpu.vector_load %arg8[%swap3A_200, %swap3A_201, %swap3A_202] {strides = array<i32>} : memref<2x8x2048xf32, #tpu.memory_space<vmem>>, vector<1x1x16xf32>,
          %swap3A_204 = vector.shape_cast %swap3A_203 : vector<1x1x16xf32> to vector<16xf32>
          %swap3A_205 = vector.shape_cast %add3A_199 : vector<16xf32> to vector<1x1x16xf32>
          tpu.vector_store %arg8[%swap3A_200, %swap3A_201, %swap3A_202], %swap3A_205 {strides = array<i32>} : memref<2x8x2048xf32, #tpu.memory_space<vmem>>, vector<1x1x16xf32>,
          %scan3A_206 = arith.constant 1 : i32
          %scan3A_207 = arith.addi %scan3A_185, %scan3A_206 : i32
          %mul3A_208 = arith.constant 16 : i32
          %mul3A_209 = arith.muli %scan3A_207, %mul3A_208 : i32
          %get3A_210 = arith.constant 1 : i32
          %get3A_211 = arith.index_cast %get3A_210 : i32 to index
          %get3A_212 = arith.index_cast %scan3A_179 : i32 to index
          %get3A_213 = arith.index_cast %mul3A_209 : i32 to index
          %get3A_214 = tpu.vector_load %arg8[%get3A_211, %get3A_212, %get3A_213] {strides = array<i32>} : memref<2x8x2048xf32, #tpu.memory_space<vmem>>, vector<1x1x16xf32>,
          %get3A_215 = vector.shape_cast %get3A_214 : vector<1x1x16xf32> to vector<16xf32>
          %get3A_216 = arith.constant 1 : i32
          %get3A_217 = arith.index_cast %get3A_216 : i32 to index
          %get3A_218 = arith.index_cast %scan3A_179 : i32 to index
          %get3A_219 = arith.index_cast %mul3A_209 : i32 to index
          %get3A_220 = tpu.vector_load %arg9[%get3A_217, %get3A_218, %get3A_219] {strides = array<i32>} : memref<2x8x2048xf32, #tpu.memory_space<vmem>>, vector<1x1x16xf32>,
          %get3A_221 = vector.shape_cast %get3A_220 : vector<1x1x16xf32> to vector<16xf32>
          %add3A_222 = arith.addf %get3A_215, %get3A_221 : vector<16xf32>
          %swap3A_223 = arith.constant 1 : i32
          %swap3A_224 = arith.index_cast %swap3A_223 : i32 to index
          %swap3A_225 = arith.index_cast %scan3A_179 : i32 to index
          %swap3A_226 = arith.index_cast %mul3A_209 : i32 to index
          %swap3A_227 = tpu.vector_load %arg8[%swap3A_224, %swap3A_225, %swap3A_226] {strides = array<i32>} : memref<2x8x2048xf32, #tpu.memory_space<vmem>>, vector<1x1x16xf32>,
          %swap3A_228 = vector.shape_cast %swap3A_227 : vector<1x1x16xf32> to vector<16xf32>
          %swap3A_229 = vector.shape_cast %add3A_222 : vector<16xf32> to vector<1x1x16xf32>
          tpu.vector_store %arg8[%swap3A_224, %swap3A_225, %swap3A_226], %swap3A_229 {strides = array<i32>} : memref<2x8x2048xf32, #tpu.memory_space<vmem>>, vector<1x1x16xf32>,
          %scan3A_230 = arith.constant 2 : i32
          %scan3A_231 = arith.addi %scan3A_185, %scan3A_230 : i32
          %mul3A_232 = arith.constant 16 : i32
          %mul3A_233 = arith.muli %scan3A_231, %mul3A_232 : i32
          %get3A_234 = arith.constant 1 : i32
          %get3A_235 = arith.index_cast %get3A_234 : i32 to index
          %get3A_236 = arith.index_cast %scan3A_179 : i32 to index
          %get3A_237 = arith.index_cast %mul3A_233 : i32 to index
          %get3A_238 = tpu.vector_load %arg8[%get3A_235, %get3A_236, %get3A_237] {strides = array<i32>} : memref<2x8x2048xf32, #tpu.memory_space<vmem>>, vector<1x1x16xf32>,
          %get3A_239 = vector.shape_cast %get3A_238 : vector<1x1x16xf32> to vector<16xf32>
          %get3A_240 = arith.constant 1 : i32
          %get3A_241 = arith.index_cast %get3A_240 : i32 to index
          %get3A_242 = arith.index_cast %scan3A_179 : i32 to index
          %get3A_243 = arith.index_cast %mul3A_233 : i32 to index
          %get3A_244 = tpu.vector_load %arg9[%get3A_241, %get3A_242, %get3A_243] {strides = array<i32>} : memref<2x8x2048xf32, #tpu.memory_space<vmem>>, vector<1x1x16xf32>,
          %get3A_245 = vector.shape_cast %get3A_244 : vector<1x1x16xf32> to vector<16xf32>
          %add3A_246 = arith.addf %get3A_239, %get3A_245 : vector<16xf32>
          %swap3A_247 = arith.constant 1 : i32
          %swap3A_248 = arith.index_cast %swap3A_247 : i32 to index
          %swap3A_249 = arith.index_cast %scan3A_179 : i32 to index
          %swap3A_250 = arith.index_cast %mul3A_233 : i32 to index
          %swap3A_251 = tpu.vector_load %arg8[%swap3A_248, %swap3A_249, %swap3A_250] {strides = array<i32>} : memref<2x8x2048xf32, #tpu.memory_space<vmem>>, vector<1x1x16xf32>,
          %swap3A_252 = vector.shape_cast %swap3A_251 : vector<1x1x16xf32> to vector<16xf32>
          %swap3A_253 = vector.shape_cast %add3A_246 : vector<16xf32> to vector<1x1x16xf32>
          tpu.vector_store %arg8[%swap3A_248, %swap3A_249, %swap3A_250], %swap3A_253 {strides = array<i32>} : memref<2x8x2048xf32, #tpu.memory_space<vmem>>, vector<1x1x16xf32>,
          %scan3A_254 = arith.constant 3 : i32
          %scan3A_255 = arith.addi %scan3A_185, %scan3A_254 : i32
          %mul3A_256 = arith.constant 16 : i32
          %mul3A_257 = arith.muli %scan3A_255, %mul3A_256 : i32
          %get3A_258 = arith.constant 1 : i32
          %get3A_259 = arith.index_cast %get3A_258 : i32 to index
          %get3A_260 = arith.index_cast %scan3A_179 : i32 to index
          %get3A_261 = arith.index_cast %mul3A_257 : i32 to index
          %get3A_262 = tpu.vector_load %arg8[%get3A_259, %get3A_260, %get3A_261] {strides = array<i32>} : memref<2x8x2048xf32, #tpu.memory_space<vmem>>, vector<1x1x16xf32>,
          %get3A_263 = vector.shape_cast %get3A_262 : vector<1x1x16xf32> to vector<16xf32>
          %get3A_264 = arith.constant 1 : i32
          %get3A_265 = arith.index_cast %get3A_264 : i32 to index
          %get3A_266 = arith.index_cast %scan3A_179 : i32 to index
          %get3A_267 = arith.index_cast %mul3A_257 : i32 to index
          %get3A_268 = tpu.vector_load %arg9[%get3A_265, %get3A_266, %get3A_267] {strides = array<i32>} : memref<2x8x2048xf32, #tpu.memory_space<vmem>>, vector<1x1x16xf32>,
          %get3A_269 = vector.shape_cast %get3A_268 : vector<1x1x16xf32> to vector<16xf32>
          %add3A_270 = arith.addf %get3A_263, %get3A_269 : vector<16xf32>
          %swap3A_271 = arith.constant 1 : i32
          %swap3A_272 = arith.index_cast %swap3A_271 : i32 to index
          %swap3A_273 = arith.index_cast %scan3A_179 : i32 to index
          %swap3A_274 = arith.index_cast %mul3A_257 : i32 to index
          %swap3A_275 = tpu.vector_load %arg8[%swap3A_272, %swap3A_273, %swap3A_274] {strides = array<i32>} : memref<2x8x2048xf32, #tpu.memory_space<vmem>>, vector<1x1x16xf32>,
          %swap3A_276 = vector.shape_cast %swap3A_275 : vector<1x1x16xf32> to vector<16xf32>
          %swap3A_277 = vector.shape_cast %add3A_270 : vector<16xf32> to vector<1x1x16xf32>
          tpu.vector_store %arg8[%swap3A_272, %swap3A_273, %swap3A_274], %swap3A_277 {strides = array<i32>} : memref<2x8x2048xf32, #tpu.memory_space<vmem>>, vector<1x1x16xf32>,
          %scan3A_278 = arith.constant 4 : i32
          %scan3A_279 = arith.addi %scan3A_185, %scan3A_278 : i32
          %mul3A_280 = arith.constant 16 : i32
          %mul3A_281 = arith.muli %scan3A_279, %mul3A_280 : i32
          %get3A_282 = arith.constant 1 : i32
          %get3A_283 = arith.index_cast %get3A_282 : i32 to index
          %get3A_284 = arith.index_cast %scan3A_179 : i32 to index
          %get3A_285 = arith.index_cast %mul3A_281 : i32 to index
          %get3A_286 = tpu.vector_load %arg8[%get3A_283, %get3A_284, %get3A_285] {strides = array<i32>} : memref<2x8x2048xf32, #tpu.memory_space<vmem>>, vector<1x1x16xf32>,
          %get3A_287 = vector.shape_cast %get3A_286 : vector<1x1x16xf32> to vector<16xf32>
          %get3A_288 = arith.constant 1 : i32
          %get3A_289 = arith.index_cast %get3A_288 : i32 to index
          %get3A_290 = arith.index_cast %scan3A_179 : i32 to index
          %get3A_291 = arith.index_cast %mul3A_281 : i32 to index
          %get3A_292 = tpu.vector_load %arg9[%get3A_289, %get3A_290, %get3A_291] {strides = array<i32>} : memref<2x8x2048xf32, #tpu.memory_space<vmem>>, vector<1x1x16xf32>,
          %get3A_293 = vector.shape_cast %get3A_292 : vector<1x1x16xf32> to vector<16xf32>
          %add3A_294 = arith.addf %get3A_287, %get3A_293 : vector<16xf32>
          %swap3A_295 = arith.constant 1 : i32
          %swap3A_296 = arith.index_cast %swap3A_295 : i32 to index
          %swap3A_297 = arith.index_cast %scan3A_179 : i32 to index
          %swap3A_298 = arith.index_cast %mul3A_281 : i32 to index
          %swap3A_299 = tpu.vector_load %arg8[%swap3A_296, %swap3A_297, %swap3A_298] {strides = array<i32>} : memref<2x8x2048xf32, #tpu.memory_space<vmem>>, vector<1x1x16xf32>,
          %swap3A_300 = vector.shape_cast %swap3A_299 : vector<1x1x16xf32> to vector<16xf32>
          %swap3A_301 = vector.shape_cast %add3A_294 : vector<16xf32> to vector<1x1x16xf32>
          tpu.vector_store %arg8[%swap3A_296, %swap3A_297, %swap3A_298], %swap3A_301 {strides = array<i32>} : memref<2x8x2048xf32, #tpu.memory_space<vmem>>, vector<1x1x16xf32>,
          %scan3A_302 = arith.constant 5 : i32
          %scan3A_303 = arith.addi %scan3A_185, %scan3A_302 : i32
          %mul3A_304 = arith.constant 16 : i32
          %mul3A_305 = arith.muli %scan3A_303, %mul3A_304 : i32
          %get3A_306 = arith.constant 1 : i32
          %get3A_307 = arith.index_cast %get3A_306 : i32 to index
          %get3A_308 = arith.index_cast %scan3A_179 : i32 to index
          %get3A_309 = arith.index_cast %mul3A_305 : i32 to index
          %get3A_310 = tpu.vector_load %arg8[%get3A_307, %get3A_308, %get3A_309] {strides = array<i32>} : memref<2x8x2048xf32, #tpu.memory_space<vmem>>, vector<1x1x16xf32>,
          %get3A_311 = vector.shape_cast %get3A_310 : vector<1x1x16xf32> to vector<16xf32>
          %get3A_312 = arith.constant 1 : i32
          %get3A_313 = arith.index_cast %get3A_312 : i32 to index
          %get3A_314 = arith.index_cast %scan3A_179 : i32 to index
          %get3A_315 = arith.index_cast %mul3A_305 : i32 to index
          %get3A_316 = tpu.vector_load %arg9[%get3A_313, %get3A_314, %get3A_315] {strides = array<i32>} : memref<2x8x2048xf32, #tpu.memory_space<vmem>>, vector<1x1x16xf32>,
          %get3A_317 = vector.shape_cast %get3A_316 : vector<1x1x16xf32> to vector<16xf32>
          %add3A_318 = arith.addf %get3A_311, %get3A_317 : vector<16xf32>
          %swap3A_319 = arith.constant 1 : i32
          %swap3A_320 = arith.index_cast %swap3A_319 : i32 to index
          %swap3A_321 = arith.index_cast %scan3A_179 : i32 to index
          %swap3A_322 = arith.index_cast %mul3A_305 : i32 to index
          %swap3A_323 = tpu.vector_load %arg8[%swap3A_320, %swap3A_321, %swap3A_322] {strides = array<i32>} : memref<2x8x2048xf32, #tpu.memory_space<vmem>>, vector<1x1x16xf32>,
          %swap3A_324 = vector.shape_cast %swap3A_323 : vector<1x1x16xf32> to vector<16xf32>
          %swap3A_325 = vector.shape_cast %add3A_318 : vector<16xf32> to vector<1x1x16xf32>
          tpu.vector_store %arg8[%swap3A_320, %swap3A_321, %swap3A_322], %swap3A_325 {strides = array<i32>} : memref<2x8x2048xf32, #tpu.memory_space<vmem>>, vector<1x1x16xf32>,
          %scan3A_326 = arith.constant 6 : i32
          %scan3A_327 = arith.addi %scan3A_185, %scan3A_326 : i32
          %mul3A_328 = arith.constant 16 : i32
          %mul3A_329 = arith.muli %scan3A_327, %mul3A_328 : i32
          %get3A_330 = arith.constant 1 : i32
          %get3A_331 = arith.index_cast %get3A_330 : i32 to index
          %get3A_332 = arith.index_cast %scan3A_179 : i32 to index
          %get3A_333 = arith.index_cast %mul3A_329 : i32 to index
          %get3A_334 = tpu.vector_load %arg8[%get3A_331, %get3A_332, %get3A_333] {strides = array<i32>} : memref<2x8x2048xf32, #tpu.memory_space<vmem>>, vector<1x1x16xf32>,
          %get3A_335 = vector.shape_cast %get3A_334 : vector<1x1x16xf32> to vector<16xf32>
          %get3A_336 = arith.constant 1 : i32
          %get3A_337 = arith.index_cast %get3A_336 : i32 to index
          %get3A_338 = arith.index_cast %scan3A_179 : i32 to index
          %get3A_339 = arith.index_cast %mul3A_329 : i32 to index
          %get3A_340 = tpu.vector_load %arg9[%get3A_337, %get3A_338, %get3A_339] {strides = array<i32>} : memref<2x8x2048xf32, #tpu.memory_space<vmem>>, vector<1x1x16xf32>,
          %get3A_341 = vector.shape_cast %get3A_340 : vector<1x1x16xf32> to vector<16xf32>
          %add3A_342 = arith.addf %get3A_335, %get3A_341 : vector<16xf32>
          %swap3A_343 = arith.constant 1 : i32
          %swap3A_344 = arith.index_cast %swap3A_343 : i32 to index
          %swap3A_345 = arith.index_cast %scan3A_179 : i32 to index
          %swap3A_346 = arith.index_cast %mul3A_329 : i32 to index
          %swap3A_347 = tpu.vector_load %arg8[%swap3A_344, %swap3A_345, %swap3A_346] {strides = array<i32>} : memref<2x8x2048xf32, #tpu.memory_space<vmem>>, vector<1x1x16xf32>,
          %swap3A_348 = vector.shape_cast %swap3A_347 : vector<1x1x16xf32> to vector<16xf32>
          %swap3A_349 = vector.shape_cast %add3A_342 : vector<16xf32> to vector<1x1x16xf32>
          tpu.vector_store %arg8[%swap3A_344, %swap3A_345, %swap3A_346], %swap3A_349 {strides = array<i32>} : memref<2x8x2048xf32, #tpu.memory_space<vmem>>, vector<1x1x16xf32>,
          %scan3A_350 = arith.constant 7 : i32
          %scan3A_351 = arith.addi %scan3A_185, %scan3A_350 : i32
          %mul3A_352 = arith.constant 16 : i32
          %mul3A_353 = arith.muli %scan3A_351, %mul3A_352 : i32
          %get3A_354 = arith.constant 1 : i32
          %get3A_355 = arith.index_cast %get3A_354 : i32 to index
          %get3A_356 = arith.index_cast %scan3A_179 : i32 to index
          %get3A_357 = arith.index_cast %mul3A_353 : i32 to index
          %get3A_358 = tpu.vector_load %arg8[%get3A_355, %get3A_356, %get3A_357] {strides = array<i32>} : memref<2x8x2048xf32, #tpu.memory_space<vmem>>, vector<1x1x16xf32>,
          %get3A_359 = vector.shape_cast %get3A_358 : vector<1x1x16xf32> to vector<16xf32>
          %get3A_360 = arith.constant 1 : i32
          %get3A_361 = arith.index_cast %get3A_360 : i32 to index
          %get3A_362 = arith.index_cast %scan3A_179 : i32 to index
          %get3A_363 = arith.index_cast %mul3A_353 : i32 to index
          %get3A_364 = tpu.vector_load %arg9[%get3A_361, %get3A_362, %get3A_363] {strides = array<i32>} : memref<2x8x2048xf32, #tpu.memory_space<vmem>>, vector<1x1x16xf32>,
          %get3A_365 = vector.shape_cast %get3A_364 : vector<1x1x16xf32> to vector<16xf32>
          %add3A_366 = arith.addf %get3A_359, %get3A_365 : vector<16xf32>
          %swap3A_367 = arith.constant 1 : i32
          %swap3A_368 = arith.index_cast %swap3A_367 : i32 to index
          %swap3A_369 = arith.index_cast %scan3A_179 : i32 to index
          %swap3A_370 = arith.index_cast %mul3A_353 : i32 to index
          %swap3A_371 = tpu.vector_load %arg8[%swap3A_368, %swap3A_369, %swap3A_370] {strides = array<i32>} : memref<2x8x2048xf32, #tpu.memory_space<vmem>>, vector<1x1x16xf32>,
          %swap3A_372 = vector.shape_cast %swap3A_371 : vector<1x1x16xf32> to vector<16xf32>
          %swap3A_373 = vector.shape_cast %add3A_366 : vector<16xf32> to vector<1x1x16xf32>
          tpu.vector_store %arg8[%swap3A_368, %swap3A_369, %swap3A_370], %swap3A_373 {strides = array<i32>} : memref<2x8x2048xf32, #tpu.memory_space<vmem>>, vector<1x1x16xf32>,
        }
        %scan3A_184 = arith.constant 128 : i32
      }
      %scan3A_134 = arith.constant 8 : i32
      %add3A_135 = arith.constant 1 : i32
      %add3A_136 = arith.addi %mul3A_10, %add3A_135 : i32
      %mul3A_137 = arith.constant 8 : i32
      %mul3A_138 = arith.muli %add3A_136, %mul3A_137 : i32
      %add3A_139 = arith.addi %mul3A_2, %mul3A_138 : i32
      %dma_start3A_140 = arith.constant 1 : i32
      %dma_start3A_141 = arith.constant 0 : i32
      %dma_start3A_142 = arith.constant 0 : i32
      %dma_start3A_143 = tpu.memref_slice %arg8[%dma_start3A_140, %dma_start3A_141, %dma_start3A_142] : memref<2x8x2048xf32, #tpu.memory_space<vmem>> -> memref<1x8x2048xf32, #tpu.memory_space<vmem>>
      %dma_start3A_144 = tpu.memref_squeeze %dma_start3A_143 : memref<1x8x2048xf32, #tpu.memory_space<vmem>> -> memref<8x2048xf32, #tpu.memory_space<vmem>>
      %dma_start3A_145 = arith.constant 0 : i32
      %dma_start3A_146 = tpu.memref_slice %arg5[%add3A_139, %dma_start3A_145] : memref<4096x2048xf32, #tpu.memory_space<hbm>> -> memref<8x2048xf32, #tpu.memory_space<hbm>>
      %dma_start3A_147 = arith.constant 0 : i32
      %dma_start3A_148 = tpu.memref_slice %arg5[%add3A_139, %dma_start3A_147] : memref<4096x2048xf32, #tpu.memory_space<hbm>> -> memref<8x2048xf32, #tpu.memory_space<hbm>>
      %dma_start3A_149 = arith.constant 0 : i32
      %dma_start3A_150 = arith.constant 0 : i32
      %dma_start3A_151 = tpu.memref_slice %arg8[%dma_start3A_140, %dma_start3A_149, %dma_start3A_150] : memref<2x8x2048xf32, #tpu.memory_space<vmem>> -> memref<1x8x2048xf32, #tpu.memory_space<vmem>>
      %dma_start3A_152 = tpu.memref_squeeze %dma_start3A_151 : memref<1x8x2048xf32, #tpu.memory_space<vmem>> -> memref<8x2048xf32, #tpu.memory_space<vmem>>
      tpu.enqueue_dma source(%dma_start3A_152 : memref<8x2048xf32, #tpu.memory_space<vmem>>) target(%dma_start3A_148 : memref<8x2048xf32, #tpu.memory_space<hbm>>) target_semaphore(%arg15 : memref<!tpu.dma_semaphore, #tpu.memory_space<semaphore_mem>>)
      %dma_wait3A_153 = arith.constant 0 : i32
      %dma_wait3A_154 = arith.constant 0 : i32
      %dma_wait3A_155 = arith.constant 0 : i32
      %dma_wait3A_156 = tpu.memref_slice %arg8[%dma_wait3A_153, %dma_wait3A_154, %dma_wait3A_155] : memref<2x8x2048xf32, #tpu.memory_space<vmem>> -> memref<1x8x2048xf32, #tpu.memory_space<vmem>>
      %dma_wait3A_157 = tpu.memref_squeeze %dma_wait3A_156 : memref<1x8x2048xf32, #tpu.memory_space<vmem>> -> memref<8x2048xf32, #tpu.memory_space<vmem>>
      %dma_wait3A_158 = arith.constant 0 : i32
      %dma_wait3A_159 = tpu.memref_slice %arg5[%add3A_93, %dma_wait3A_158] : memref<4096x2048xf32, #tpu.memory_space<hbm>> -> memref<8x2048xf32, #tpu.memory_space<hbm>>
      %dma_wait3A_160 = arith.constant 0 : i32
      %dma_wait3A_161 = tpu.memref_slice %arg5[%add3A_93, %dma_wait3A_160] : memref<4096x2048xf32, #tpu.memory_space<hbm>> -> memref<8x2048xf32, #tpu.memory_space<hbm>>
      %dma_wait3A_162 = arith.constant 0 : i32
      %dma_wait3A_163 = arith.constant 0 : i32
      %dma_wait3A_164 = tpu.memref_slice %arg8[%dma_wait3A_153, %dma_wait3A_162, %dma_wait3A_163] : memref<2x8x2048xf32, #tpu.memory_space<vmem>> -> memref<1x8x2048xf32, #tpu.memory_space<vmem>>
      %dma_wait3A_165 = tpu.memref_squeeze %dma_wait3A_164 : memref<1x8x2048xf32, #tpu.memory_space<vmem>> -> memref<8x2048xf32, #tpu.memory_space<vmem>>
      tpu.wait_dma2 semaphore(%arg14 : memref<!tpu.dma_semaphore, #tpu.memory_space<semaphore_mem>>) src(%dma_wait3A_165 : memref<8x2048xf32, #tpu.memory_space<vmem>>) dst(%dma_wait3A_161 : memref<8x2048xf32, #tpu.memory_space<hbm>>)
      %dma_wait3A_166 = arith.constant 1 : i32
      %dma_wait3A_167 = arith.constant 0 : i32
      %dma_wait3A_168 = arith.constant 0 : i32
      %dma_wait3A_169 = tpu.memref_slice %arg8[%dma_wait3A_166, %dma_wait3A_167, %dma_wait3A_168] : memref<2x8x2048xf32, #tpu.memory_space<vmem>> -> memref<1x8x2048xf32, #tpu.memory_space<vmem>>
      %dma_wait3A_170 = tpu.memref_squeeze %dma_wait3A_169 : memref<1x8x2048xf32, #tpu.memory_space<vmem>> -> memref<8x2048xf32, #tpu.memory_space<vmem>>
      %dma_wait3A_171 = arith.constant 0 : i32
      %dma_wait3A_172 = tpu.memref_slice %arg5[%add3A_139, %dma_wait3A_171] : memref<4096x2048xf32, #tpu.memory_space<hbm>> -> memref<8x2048xf32, #tpu.memory_space<hbm>>
      %dma_wait3A_173 = arith.constant 0 : i32
      %dma_wait3A_174 = tpu.memref_slice %arg5[%add3A_139, %dma_wait3A_173] : memref<4096x2048xf32, #tpu.memory_space<hbm>> -> memref<8x2048xf32, #tpu.memory_space<hbm>>
      %dma_wait3A_175 = arith.constant 0 : i32
      %dma_wait3A_176 = arith.constant 0 : i32
      %dma_wait3A_177 = tpu.memref_slice %arg8[%dma_wait3A_166, %dma_wait3A_175, %dma_wait3A_176] : memref<2x8x2048xf32, #tpu.memory_space<vmem>> -> memref<1x8x2048xf32, #tpu.memory_space<vmem>>
      %dma_wait3A_178 = tpu.memref_squeeze %dma_wait3A_177 : memref<1x8x2048xf32, #tpu.memory_space<vmem>> -> memref<8x2048xf32, #tpu.memory_space<vmem>>
      tpu.wait_dma2 semaphore(%arg15 : memref<!tpu.dma_semaphore, #tpu.memory_space<semaphore_mem>>) src(%dma_wait3A_178 : memref<8x2048xf32, #tpu.memory_space<vmem>>) dst(%dma_wait3A_174 : memref<8x2048xf32, #tpu.memory_space<hbm>>)
    }
    %scan3A_7 = arith.constant 8 : i32
    return
  }
}

module attributes {stable_mosaic.version = 14 : i64} {
  func.func @_router_body(%arg0: i32, %arg1: memref<512x2048xf32, #tpu.memory_space<vmem>>, %arg2: memref<8x2048xf32, #tpu.memory_space<vmem>>, %arg3: memref<512x8xf32, #tpu.memory_space<vmem>>, %arg4: memref<1x8xf32, #tpu.memory_space<vmem>>) attributes {dimension_semantics = [#tpu.dimension_semantics<arbitrary>], iteration_bounds = array<i64: 8>, scalar_prefetch = 0 : i64, scratch_operands = 0 : i64, tpu.core_type = #tpu.core_type<tc>, window_params = [{transform_indices = @transform_0, window_bounds = array<i64: 512, 2048>}, {pipeline_mode = #tpu.pipeline_mode<synchronous>, transform_indices = @transform_1, window_bounds = array<i64: 8, 2048>}, {transform_indices = @transform_2, window_bounds = array<i64: 512, 8>}, {pipeline_mode = #tpu.pipeline_mode<synchronous>, transform_indices = @transform_3, window_bounds = array<i64: 1, 8>}]} {
    %get3A = arith.constant 0 : index
    %get3A_0 = arith.constant 0 : index
    %get3A_1 = vector.load %arg1[%get3A, %get3A_0] : memref<512x2048xf32, #tpu.memory_space<vmem>>, vector<512x2048xf32>
    %get3A_2 = arith.constant 0 : index
    %get3A_3 = arith.constant 0 : index
    %get3A_4 = vector.load %arg2[%get3A_2, %get3A_3] : memref<8x2048xf32, #tpu.memory_space<vmem>>, vector<8x2048xf32>
    %dot_general3A = arith.constant dense<0.000000e+00> : vector<512x8xf32>
    %dot_general3A_5 = tpu.matmul %get3A_1, %get3A_4, %dot_general3A {dimension_numbers = #tpu.dot_dimension_numbers<[1], [1], [0], [0], [0, 0, 1, 0], [], []>, transpose_lhs_hint = false} : vector<512x2048xf32>, vector<8x2048xf32>, vector<512x8xf32> -> vector<512x8xf32>
    %swap3A = arith.constant 0 : index
    %swap3A_6 = arith.constant 0 : index
    %swap3A_7 = vector.load %arg3[%swap3A, %swap3A_6] : memref<512x8xf32, #tpu.memory_space<vmem>>, vector<512x8xf32>
    tpu.vector_store %arg3[%swap3A, %swap3A_6], %dot_general3A_5 {strides = array<i32>} : memref<512x8xf32, #tpu.memory_space<vmem>>, vector<512x8xf32>,
    %reduce_max3A = arith.constant dense<0xFF800000> : vector<512xf32>
    %reduce_max3A_8 = vector.multi_reduction <maximumf>, %dot_general3A_5, %reduce_max3A [1] : vector<512x8xf32> to vector<512xf32>
    %broadcast_in_dim3A = vector.shape_cast %reduce_max3A_8 : vector<512xf32> to vector<512x1xf32>
    %sub3A = vector.broadcast %broadcast_in_dim3A : vector<512x1xf32> to vector<512x8xf32>
    %sub3A_9 = arith.subf %dot_general3A_5, %sub3A : vector<512x8xf32>
    %exp3A = math.exp %sub3A_9 : vector<512x8xf32>
    %reduce_sum3A = arith.constant dense<0.000000e+00> : vector<512xf32>
    %reduce_sum3A_10 = vector.multi_reduction <add>, %exp3A, %reduce_sum3A [1] : vector<512x8xf32> to vector<512xf32>
    %broadcast_in_dim3A_11 = vector.shape_cast %reduce_sum3A_10 : vector<512xf32> to vector<512x1xf32>
    %div3A = vector.broadcast %broadcast_in_dim3A_11 : vector<512x1xf32> to vector<512x8xf32>
    %div3A_12 = arith.divf %exp3A, %div3A : vector<512x8xf32>
    %reduce_sum3A_13 = arith.constant dense<0.000000e+00> : vector<8xf32>
    %reduce_sum3A_14 = vector.multi_reduction <add>, %div3A_12, %reduce_sum3A_13 [0] : vector<512x8xf32> to vector<8xf32>
    %broadcast_in_dim3A_15 = vector.shape_cast %reduce_sum3A_14 : vector<8xf32> to vector<1x8xf32>
    %eq3A = arith.constant 0 : i32
    %eq3A_16 = arith.cmpi eq, %arg0, %eq3A : i32
    %convert_element_type3A = arith.extui %eq3A_16 : i1 to i32
    %cond3A = arith.constant 0 : i32
    %cond3A_17 = arith.cmpi ne, %convert_element_type3A, %cond3A : i32
    scf.if %cond3A_17 {
      %swap3A_22 = arith.constant 0 : index
      %swap3A_23 = arith.constant 0 : index
      %swap3A_24 = vector.load %arg4[%swap3A_22, %swap3A_23] : memref<1x8xf32, #tpu.memory_space<vmem>>, vector<1x8xf32>
      tpu.vector_store %arg4[%swap3A_22, %swap3A_23], %broadcast_in_dim3A_15 {strides = array<i32>} : memref<1x8xf32, #tpu.memory_space<vmem>>, vector<1x8xf32>,
    } else {
    }
    %gt3A = arith.constant 0 : i32
    %gt3A_18 = arith.cmpi sgt, %arg0, %gt3A : i32
    %convert_element_type3A_19 = arith.extui %gt3A_18 : i1 to i32
    %cond3A_20 = arith.constant 0 : i32
    %cond3A_21 = arith.cmpi ne, %convert_element_type3A_19, %cond3A_20 : i32
    scf.if %cond3A_21 {
      %get3A_22 = arith.constant 0 : index
      %get3A_23 = arith.constant 0 : index
      %get3A_24 = vector.load %arg4[%get3A_22, %get3A_23] : memref<1x8xf32, #tpu.memory_space<vmem>>, vector<1x8xf32>
      %add3A = arith.addf %get3A_24, %broadcast_in_dim3A_15 : vector<1x8xf32>
      %swap3A_25 = arith.constant 0 : index
      %swap3A_26 = arith.constant 0 : index
      %swap3A_27 = vector.load %arg4[%swap3A_25, %swap3A_26] : memref<1x8xf32, #tpu.memory_space<vmem>>, vector<1x8xf32>
      tpu.vector_store %arg4[%swap3A_25, %swap3A_26], %add3A {strides = array<i32>} : memref<1x8xf32, #tpu.memory_space<vmem>>, vector<1x8xf32>,
    } else {
    }
    return
  }
  func.func @transform_0(%arg0: i32) -> (i32, i32) {
    %c0_i32 = arith.constant 0 : i32
    %c0_i32_0 = arith.constant 0 : i32
    return %arg0, %c0_i32 : i32, i32
  }
  func.func @transform_1(%arg0: i32) -> (i32, i32) {
    %c0_i32 = arith.constant 0 : i32
    %c0_i32_0 = arith.constant 0 : i32
    %c0_i32_1 = arith.constant 0 : i32
    return %c0_i32, %c0_i32_0 : i32, i32
  }
  func.func @transform_2(%arg0: i32) -> (i32, i32) {
    %c0_i32 = arith.constant 0 : i32
    %c0_i32_0 = arith.constant 0 : i32
    return %arg0, %c0_i32 : i32, i32
  }
  func.func @transform_3(%arg0: i32) -> (i32, i32) {
    %c0_i32 = arith.constant 0 : i32
    %c0_i32_0 = arith.constant 0 : i32
    %c0_i32_1 = arith.constant 0 : i32
    return %c0_i32, %c0_i32_0 : i32, i32
  }
}

module attributes {stable_mosaic.version = 14 : i64} {
  func.func @_ffn_body(%arg0: i32, %arg1: memref<40xi32, #tpu.memory_space<smem>>, %arg2: memref<256x2048xf32, #tpu.memory_space<vmem>>, %arg3: memref<1x2048x2048xbf16, #tpu.memory_space<vmem>>, %arg4: memref<1x2048x2048xbf16, #tpu.memory_space<vmem>>, %arg5: memref<1x2048x2048xbf16, #tpu.memory_space<vmem>>, %arg6: memref<1x1x256xf32, #tpu.memory_space<vmem>>, %arg7: memref<256x2048xf32, #tpu.memory_space<vmem>>) attributes {dimension_semantics = [#tpu.dimension_semantics<arbitrary>], iteration_bounds = array<i64: 40>, scalar_prefetch = 1 : i64, scratch_operands = 0 : i64, tpu.core_type = #tpu.core_type<tc>, window_params = [{transform_indices = @transform_0, window_bounds = array<i64: 256, 2048>}, {transform_indices = @transform_1, window_bounds = array<i64: 1, 2048, 2048>}, {transform_indices = @transform_2, window_bounds = array<i64: 1, 2048, 2048>}, {transform_indices = @transform_3, window_bounds = array<i64: 1, 2048, 2048>}, {transform_indices = @transform_4, window_bounds = array<i64: 1, 1, 256>}, {transform_indices = @transform_5, window_bounds = array<i64: 256, 2048>}]} {
    %get3A = arith.constant 0 : index
    %get3A_0 = arith.constant 0 : index
    %get3A_1 = vector.load %arg2[%get3A, %get3A_0] : memref<256x2048xf32, #tpu.memory_space<vmem>>, vector<256x2048xf32>
    %convert_element_type3A = arith.truncf %get3A_1 : vector<256x2048xf32> to vector<256x2048xbf16>
    %get3A_2 = arith.constant 0 : index
    %get3A_3 = arith.constant 0 : index
    %get3A_4 = arith.constant 0 : index
    %get3A_5 = vector.load %arg3[%get3A_2, %get3A_3, %get3A_4] : memref<1x2048x2048xbf16, #tpu.memory_space<vmem>>, vector<1x2048x2048xbf16>
    %get3A_6 = vector.shape_cast %get3A_5 : vector<1x2048x2048xbf16> to vector<2048x2048xbf16>
    %dot_general3A = arith.constant dense<0.000000e+00> : vector<256x2048xf32>
    %dot_general3A_7 = tpu.matmul %convert_element_type3A, %get3A_6, %dot_general3A {dimension_numbers = #tpu.dot_dimension_numbers<[1], [1], [0], [0], [0, 0, 1, 0], [], []>, transpose_lhs_hint = false} : vector<256x2048xbf16>, vector<2048x2048xbf16>, vector<256x2048xf32> -> vector<256x2048xf32>
    %get3A_8 = arith.constant 0 : index
    %get3A_9 = arith.constant 0 : index
    %get3A_10 = arith.constant 0 : index
    %get3A_11 = vector.load %arg4[%get3A_8, %get3A_9, %get3A_10] : memref<1x2048x2048xbf16, #tpu.memory_space<vmem>>, vector<1x2048x2048xbf16>
    %get3A_12 = vector.shape_cast %get3A_11 : vector<1x2048x2048xbf16> to vector<2048x2048xbf16>
    %dot_general3A_13 = arith.constant dense<0.000000e+00> : vector<256x2048xf32>
    %dot_general3A_14 = tpu.matmul %convert_element_type3A, %get3A_12, %dot_general3A_13 {dimension_numbers = #tpu.dot_dimension_numbers<[1], [1], [0], [0], [0, 0, 1, 0], [], []>, transpose_lhs_hint = false} : vector<256x2048xbf16>, vector<2048x2048xbf16>, vector<256x2048xf32> -> vector<256x2048xf32>
    %mul3A = arith.mulf %dot_general3A_7, %dot_general3A_14 : vector<256x2048xf32>
    %neg3A = arith.constant 0.000000e+00 : f32
    %neg3A_15 = vector.broadcast %neg3A : f32 to vector<256x2048xf32>
    %neg3A_16 = arith.subf %neg3A_15, %dot_general3A_7 : vector<256x2048xf32>
    %exp3A = math.exp %neg3A_16 : vector<256x2048xf32>
    %add3A = arith.constant 1.000000e+00 : f32
    %add3A_17 = vector.broadcast %add3A : f32 to vector<256x2048xf32>
    %add3A_18 = arith.addf %add3A_17, %exp3A : vector<256x2048xf32>
    %div3A = arith.divf %mul3A, %add3A_18 : vector<256x2048xf32>
    %convert_element_type3A_19 = arith.truncf %div3A : vector<256x2048xf32> to vector<256x2048xbf16>
    %get3A_20 = arith.constant 0 : index
    %get3A_21 = arith.constant 0 : index
    %get3A_22 = arith.constant 0 : index
    %get3A_23 = vector.load %arg5[%get3A_20, %get3A_21, %get3A_22] : memref<1x2048x2048xbf16, #tpu.memory_space<vmem>>, vector<1x2048x2048xbf16>
    %get3A_24 = vector.shape_cast %get3A_23 : vector<1x2048x2048xbf16> to vector<2048x2048xbf16>
    %dot_general3A_25 = arith.constant dense<0.000000e+00> : vector<256x2048xf32>
    %dot_general3A_26 = tpu.matmul %convert_element_type3A_19, %get3A_24, %dot_general3A_25 {dimension_numbers = #tpu.dot_dimension_numbers<[1], [1], [0], [0], [0, 0, 1, 0], [], []>, transpose_lhs_hint = false} : vector<256x2048xbf16>, vector<2048x2048xbf16>, vector<256x2048xf32> -> vector<256x2048xf32>
    %get3A_27 = arith.constant 0 : index
    %get3A_28 = arith.constant 0 : index
    %get3A_29 = arith.constant 0 : index
    %get3A_30 = vector.load %arg6[%get3A_27, %get3A_28, %get3A_29] : memref<1x1x256xf32, #tpu.memory_space<vmem>>, vector<1x1x256xf32>
    %get3A_31 = vector.shape_cast %get3A_30 : vector<1x1x256xf32> to vector<256xf32>
    %broadcast_in_dim3A = vector.shape_cast %get3A_31 : vector<256xf32> to vector<256x1xf32>
    %mul3A_32 = vector.broadcast %broadcast_in_dim3A : vector<256x1xf32> to vector<256x2048xf32>
    %mul3A_33 = arith.mulf %dot_general3A_26, %mul3A_32 : vector<256x2048xf32>
    %swap3A = arith.constant 0 : index
    %swap3A_34 = arith.constant 0 : index
    %swap3A_35 = vector.load %arg7[%swap3A, %swap3A_34] : memref<256x2048xf32, #tpu.memory_space<vmem>>, vector<256x2048xf32>
    tpu.vector_store %arg7[%swap3A, %swap3A_34], %mul3A_33 {strides = array<i32>} : memref<256x2048xf32, #tpu.memory_space<vmem>>, vector<256x2048xf32>,
    return
  }
  func.func @transform_0(%arg0: i32, %arg1: memref<40xi32, #tpu.memory_space<smem>>) -> (i32, i32) {
    %c0_i32 = arith.constant 0 : i32
    %c0_i32_0 = arith.constant 0 : i32
    return %arg0, %c0_i32 : i32, i32
  }
  func.func @transform_1(%arg0: i32, %arg1: memref<40xi32, #tpu.memory_space<smem>>) -> (i32, i32, i32) {
    %get3A = arith.index_cast %arg0 : i32 to index
    %get3A_0 = memref.load %arg1[%get3A] : memref<40xi32, #tpu.memory_space<smem>>
    %c0_i32 = arith.constant 0 : i32
    %c0_i32_1 = arith.constant 0 : i32
    %c0_i32_2 = arith.constant 0 : i32
    return %get3A_0, %c0_i32, %c0_i32_1 : i32, i32, i32
  }
  func.func @transform_2(%arg0: i32, %arg1: memref<40xi32, #tpu.memory_space<smem>>) -> (i32, i32, i32) {
    %get3A = arith.index_cast %arg0 : i32 to index
    %get3A_0 = memref.load %arg1[%get3A] : memref<40xi32, #tpu.memory_space<smem>>
    %c0_i32 = arith.constant 0 : i32
    %c0_i32_1 = arith.constant 0 : i32
    %c0_i32_2 = arith.constant 0 : i32
    return %get3A_0, %c0_i32, %c0_i32_1 : i32, i32, i32
  }
  func.func @transform_3(%arg0: i32, %arg1: memref<40xi32, #tpu.memory_space<smem>>) -> (i32, i32, i32) {
    %get3A = arith.index_cast %arg0 : i32 to index
    %get3A_0 = memref.load %arg1[%get3A] : memref<40xi32, #tpu.memory_space<smem>>
    %c0_i32 = arith.constant 0 : i32
    %c0_i32_1 = arith.constant 0 : i32
    %c0_i32_2 = arith.constant 0 : i32
    return %get3A_0, %c0_i32, %c0_i32_1 : i32, i32, i32
  }
  func.func @transform_4(%arg0: i32, %arg1: memref<40xi32, #tpu.memory_space<smem>>) -> (i32, i32, i32) {
    %c0_i32 = arith.constant 0 : i32
    %c0_i32_0 = arith.constant 0 : i32
    %c0_i32_1 = arith.constant 0 : i32
    return %arg0, %c0_i32, %c0_i32_0 : i32, i32, i32
  }
  func.func @transform_5(%arg0: i32, %arg1: memref<40xi32, #tpu.memory_space<smem>>) -> (i32, i32) {
    %c0_i32 = arith.constant 0 : i32
    %c0_i32_0 = arith.constant 0 : i32
    return %arg0, %c0_i32 : i32, i32
  }
}

</mosaic_0001>

<sc_bundles>
// kernel: gather_offload_async_start.1
scs
__scs_entry_jumppad:
0x0: {  	(pc) =	sbr.rel $0x88, $3  }
0x1: {  	(tag) =	ssettag $0x0;
	lr =	simm.s32 $0x1  }
0x2: {  	[smem:$0x3F9C] =	sst lr;
	_ =	strace $0xD0000000  }
0x3: {  	_ = 	snop  }
0x4: {  	_ = 	snop  }
0x5: {  	_ = 	snop  }
0x6: {  	_ = 	snop  }
0x7: {  	_ = 	snop  }
__scs_overlays_trampoline_lowered:
0x8: {  	[smem:$0x3FAB] =	sst s0  }
0x9: {  	[smem:$0x3FAC] =	sst s1  }
0xa: {  	[smem:$0x3FAD] =	sst s2  }
0xb: {  	[smem:$0x3FAE] =	sst s3  }
0xc: {  	[smem:$0x3FAF] =	sst s4  }
0xd: {  	[smem:$0x3FB0] =	sst s5  }
0xe: {  	[smem:$0x3FB1] =	sst s6  }
0xf: {  	[smem:$0x3FB2] =	sst s7  }
0x10: {  	[smem:$0x3FB3] =	sst s8  }
0x11: {  	[smem:$0x3FB4] =	sst s9;
	s0 =	simm.s32 @!p0 $0x0  }
0x12: {  	s1 =	sld [smem:$0x3F9A];
	s0 =	simm.s32 @p0 $0x1  }
0x13: {  	[smem:$0x3FB5] =	sst s0;
	s0 =	simm.s32 @!p1 $0x0  }
0x14: {  	s2 =	sld [smem:$0x3F99];
	s0 =	simm.s32 @p1 $0x1  }
0x15: {  	[smem:$0x3FB6] =	sst s0;
	s0 =	simm.s32 @!p2 $0x0  }
0x16: {  	s3 =	sld [smem:$0x3FDB];
	s0 =	simm.s32 @p2 $0x1  }
0x17: {  	s4 =	simm.s32 $0x1BF5;
	[smem:$0x3FB8] =	sst s0  }
0x18: {  	s0 =	sld [smem:$0x3F9B];
	_ =	swait.ge [sflag:s4], $0x0  }
0x19: {  	s7 =	sld [smem:$0x3F9C]  }
0x1a: {  	s8 =	sadd.s32 $0xFFFFE003, lr  }
0x1b: {  	s9 =	sadd.s32 $0xFFFFFEF7, lr;
	s5 =	simm.s32 $0xFFFFFFFF;
	p2 =	slt.u32 s8, $0xFFFFF086  }
0x1c: {  	p1 =	slt.u32 s9, $0xF7A;
	s5 =	simm.s32 @!p2 $0x0  }
0x1d: {  	s5 =	simm.s32 @p1 $0x1;
	p0 =	seq.s32 s7, s2  }
0x1e: {  	s7 =	smul.u32 @!p0 $0xF7A, s2;
	p2 =	seq.s32 @!p0 s5, $0x0  }
0x1f: {  	s9 =	smul.u32 $0xF7A, s1;
	s8 =	simm.s32 @!p0 $0x1BF5;
	p2 =	por !p2, p0  }
0x20: {  	[sflag:s8] =	ssyncset.s32 @!p0 $0xFFFFF086;
	s6 =	sadd.s32 @!p0 s3, s7;
	s7 =	simm.s32 @!p0 $0x108  }
0x21: {  	s3 =	sadd.s32 s3, s9;
	s6 =	sadd.s32 @!p0 $0x88, s6;
	s7 =	simm.s32 @p2 $0x1082  }
0x22: {  	[simem:s7], [sflag:s8] =	dma.local @!p0 [hbm:s6], $0xF7A  }
0x23: {  	s9 =	sor.u32 $0xD0000000, s2;
	s6 =	simm.s32 $0x108;
	_ =	swait.ge @!p0 [sflag:s8], $0x0  }
0x24: {  	s3 =	sadd.s32 $0x88, s3;
	s6 =	simm.s32 @!p1 $0x1082;
	[sflag:s4] =	ssyncset.s32 $0xFFFFF086  }
0x25: {  	[simem:s6], [sflag:s4] =	dma.local [hbm:s3], $0xF7A  }
0x26: {  	[smem:$0x3F9C] =	sst s1;
	(tag) =	ssettag s2;
	_ =	strace s9  }
0x27: {  	s1 =	sld [smem:$0x3FAC]  }
0x28: {  	s2 =	sld [smem:$0x3FAD]  }
0x29: {  	s4 =	sld [smem:$0x3FAF]  }
0x2a: {  	p0 =	seq.s32 s5, $0x0;
	s5 =	sld [smem:$0x3FB0]  }
0x2b: {  	s6 =	sld [smem:$0x3FB1]  }
0x2c: {  	s7 =	sld [smem:$0x3FB2]  }
0x2d: {  	s3 =	simm.s32 $0x108;
	s8 =	sld [smem:$0x3FB3]  }
0x2e: {  	s3 =	simm.s32 @!p0 $0x1082;
	s9 =	sld [smem:$0x3FB4]  }
0x2f: {  	lr =	sadd.s32 s0, s3;
	s0 =	sld [smem:$0x3FAB]  }
0x30: {  	s3 =	sld [smem:$0x3FAE]  }
0x31: {  	[smem:$0x3FB7] =	sst s10  }
0x32: {  	s10 =	sld [smem:$0x3FB5];
	_ =	sdelay $0x3  }
0x33: {  	p0 =	seq.s32 s10, $0x1;
	s10 =	sld [smem:$0x3FB7];
	_ =	sdelay $0x3  }
0x34: {  	[smem:$0x3FB7] =	sst s10  }
0x35: {  	s10 =	sld [smem:$0x3FB6];
	_ =	sdelay $0x3  }
0x36: {  	p1 =	seq.s32 s10, $0x1;
	s10 =	sld [smem:$0x3FB7];
	_ =	sdelay $0x3  }
0x37: {  	[smem:$0x3FB7] =	sst s10  }
0x38: {  	s10 =	sld [smem:$0x3FB8]  }
0x39: {  	_ = 	snop;
	(pc) =	sbr.ind lr, $3  }
0x3a: {  	_ = 	snop  }
0x3b: {  	_ = 	snop  }
0x3c: {  	p2 =	seq.s32 s10, $0x1;
	s10 =	sld [smem:$0x3FB7]  }
0x3d: {  	_ =	shalt  }
0x3e: {  	_ =	shalt  }
0x3f: {  	_ =	shalt  }
0x40: {  	_ =	shalt  }
0x41: {  	_ =	shalt  }
0x42: {  	_ =	shalt  }
0x43: {  	_ =	shalt  }
0x44: {  	_ =	shalt  }
0x45: {  	_ =	shalt  }
0x46: {  	_ =	shalt  }
0x47: {  	_ =	shalt  }
0x48: {  	_ =	shalt  }
0x49: {  	_ =	shalt  }
0x4a: {  	_ =	shalt  }
0x4b: {  	_ =	shalt  }
0x4c: {  	_ =	shalt  }
0x4d: {  	_ =	shalt  }
0x4e: {  	_ =	shalt  }
0x4f: {  	_ =	shalt  }
0x50: {  	_ =	shalt  }
0x51: {  	_ =	shalt  }
0x52: {  	_ =	shalt  }
0x53: {  	_ =	shalt  }
0x54: {  	_ =	shalt  }
0x55: {  	_ =	shalt  }
0x56: {  	_ =	shalt  }
0x57: {  	_ =	shalt  }
0x58: {  	_ =	shalt  }
0x59: {  	_ =	shalt  }
0x5a: {  	_ =	shalt  }
0x5b: {  	_ =	shalt  }
0x5c: {  	_ =	shalt  }
0x5d: {  	_ =	shalt  }
0x5e: {  	_ =	shalt  }
0x5f: {  	_ =	shalt  }
0x60: {  	_ =	shalt  }
0x61: {  	_ =	shalt  }
0x62: {  	_ =	shalt  }
0x63: {  	_ =	shalt  }
0x64: {  	_ =	shalt  }
0x65: {  	_ =	shalt  }
0x66: {  	_ =	shalt  }
0x67: {  	_ =	shalt  }
0x68: {  	_ =	shalt  }
0x69: {  	_ =	shalt  }
0x6a: {  	_ =	shalt  }
0x6b: {  	_ =	shalt  }
0x6c: {  	_ =	shalt  }
0x6d: {  	_ =	shalt  }
0x6e: {  	_ =	shalt  }
0x6f: {  	_ =	shalt  }
0x70: {  	_ =	shalt  }
0x71: {  	_ =	shalt  }
0x72: {  	_ =	shalt  }
0x73: {  	_ =	shalt  }
0x74: {  	_ =	shalt  }
0x75: {  	_ =	shalt  }
0x76: {  	_ =	shalt  }
0x77: {  	_ =	shalt  }
0x78: {  	_ =	shalt  }
0x79: {  	_ =	shalt  }
0x7a: {  	_ =	shalt  }
0x7b: {  	_ =	shalt  }
0x7c: {  	_ =	shalt  }
0x7d: {  	_ =	shalt  }
0x7e: {  	_ =	shalt  }
0x7f: {  	_ =	shalt  }
0x80: {  	_ =	shalt  }
0x81: {  	_ =	shalt  }
0x82: {  	_ =	shalt  }
0x83: {  	_ =	shalt  }
0x84: {  	_ =	shalt  }
0x85: {  	_ =	shalt  }
0x86: {  	_ =	shalt  }
0x87: {  	_ =	shalt  }
.Lfunc_end0:
.L_simem_size_0:
called_computation.2_lowered:
.L_overlay_start_0:
0x88: {  	s2 =	sld [smem:$0x3FD9]  }
0x89: {  	s3 =	sld [smem:$0x3FFE];
	_ =	sdelay $0x1  }
0x8a: {  	s1 =	srdreg.scid  }
0x8b: {  	s0 =	sand.u32 $0x1, s1  }
0x8c: {  	s16 =	sshll.u32 s0, $0xA;
	s2 =	sadd.s32 s3, s2  }
0x8d: {  	s2 =	sadd.s32 s2, s16  }
0x8e: {  	[smem:$0x3FC3] =	sst s2  }
0x8f: {  	_ = 	snop  }
0x90: {  	(tm) =	ssettm $0x1  }
0x91: {  	s17 =	sld [smem:$0x3FFB];
	_ =	sdelay $0x3  }
0x92: {  	_ =	strace s17  }
0x93: {  	s2 =	sld [smem:$0x3FFC];
	_ =	sdelay $0x3  }
0x94: {  	_ =	strace s2  }
0x95: {  	s2 =	sld [smem:$0x3FFD];
	_ =	sdelay $0x3  }
0x96: {  	_ =	strace s2  }
0x97: {  	_ =	strace $0x8FFFFFFF  }
0x98: {  	s18 =	sld [smem:$0x3FDB];
	_ =	sdelay $0x1  }
0x99: {  	s19 =	simm.s32 $_scs_section_size  }
0x9a: {  	s4 =	simm.s32 $_size__tile_overlayer_lowered;
	s5 =	simm.s32 $_tile_overlayer_lowered  }
0x9b: {  	s22 =	simm.s32 $0x1BFF;
	s21 =	sshll.u32 s5, $0x1;
	s2 =	sadd.s32 s19, s18  }
0x9c: {  	s6 =	simm.s32 $0x0;
	s20 =	sshll.u32 s4, $0x1;
	s4 =	sadd.s32 s21, s2  }
0x9d: {  	[timem:s6], [sflag:s22] =	dma.local [hbm:s4], s20  }
0x9e: {  	_ =	swait.ge [sflag:s22], s20  }
0x9f: {  	s3 =	ssub.s32 $0x0, s20;
	[sflag:s22] =	ssyncset.done $0x0  }
0xa0: {  	[sflag:s22] =	ssyncadd.s32 s3;
	_ =	sdelay $0x1  }
0xa1: {  	s23 =	simm.s32 $0x1B8B  }
0xa2: {  	_ =	swait.ge [sflag:s23], $0x1  }
0xa3: {  	[sflag:s23] =	ssyncset.done $0x0  }
0xa4: {  	s25 =	simm.s32 $0x1B8E;
	s24 =	sld [smem:$0x3FFE];
	[sflag:s23] =	ssyncadd.s32 $0xFFFFFFFF  }
0xa5: {  	s26 =	simm.s32 $execute0_lowered;
	[smem:$0x3FD2] =	sst s25  }
0xa6: {  	s4 =	sshll.u32 s26, $0x1;
	_ =	strace $0x8000004C;
	[dreg:$0x1] =	wrdreg $0xFFFFFFFF  }
0xa7: {  	s28 =	simm.s32 $_size_execute0_lowered;
	s2 =	sadd.s32 s2, s4;
	[dreg:$0x0] =	wrdreg $0x0  }
0xa8: {  	s4 =	sshll.u32 s28, $0x1;
	[dreg:$0x2] =	wrdreg s2  }
0xa9: {  	[dreg:$0x3] =	wrdreg s4  }
0xaa: {  	[dreg:$0x4] =	wrdreg $0xC0  }
0xab: {  	_ =	task [dreg:s6], $0x5FFFF  }
0xac: {  	[dreg:$0x1] =	wrdreg $0xFFFFFFFF  }
0xad: {  	[dreg:$0x0] =	wrdreg $0x60  }
0xae: {  	[dreg:$0x2] =	wrdreg s24  }
0xaf: {  	[dreg:$0x3] =	wrdreg $0x9  }
0xb0: {  	_ =	task.clear_ibuf [dreg:s6], $0x4FFFF;
	_ =	strace $0x9000004C  }
0xb1: {  	s29 =	simm.s32 $0x9;
	_ =	strace $0x8000004E  }
0xb2: {  	_ =	swait.ge [sflag:s29], $0x1  }
0xb3: {  	[sflag:s29] =	ssyncadd.s32 $0xFFFFFFFF  }
0xb4: {  	_ =	strace $0x9000004E  }
0xb5: {  	_ =	sfence  }
0xb6: {  	s30 =	sld [smem:$0x0];
	_ =	sdelay $0x2  }
0xb7: {  	s31 =	sshll.u32 s1, $0xD;
	s1 =	sshrl.u32 s1, $0x2  }
0xb8: {  	s3 =	sand.u32 $0x4000, s31;
	s1 =	sadd.s32 s1, s30  }
0xb9: {  	s0 =	sor.u32 s3, s0;
	s1 =	sshll.u32 s1, $0x11  }
0xba: {  	s0 =	sor.u32 s1, s0  }
0xbb: {  	s0 =	sadd.s32 $0x8F2B, s0  }
0xbc: {  	[sflag:s0] =	ssyncadd.remote.s32 $0x1  }
0xbd: {  	_ =	sfence.sel $0xFFFF  }
0xbe: {  	[dreg:$0x0] =	wrdreg $0xFFFFFFFF;
	(pc) =	sbr.abs _section_cstart, $3  }
0xbf: {  	[dreg:$0x1] =	wrdreg $0xFFFFFFFF  }
0xc0: {  	_ =	task.clear_ibuf [dreg:s6], $0x2FFFF;
	_ =	strace $0x9FFFFFFF  }
0xc1: {  	(tm) =	ssettm $0x7FFFFFFF  }
tec
execute0_lowered:
.L_overlay_start_1:
0x0: {  	(tag) =	ssettag $0x1  }
0x1: {  	s0 =	srdreg.scid;
	s5 =	rddreg [dreg:$0x0]  }
0x2: {  	s1 =	stileid.u32;
	s6 =	simm.s32 $0x1;
	s9 =	simm.s32 $0x1  }
0x3: {  	s10 =	simm.s32 $0x3;
	s13 =	simm.s32 $0x0;
	s2 =	sshll.u32 s0, $0x7  }
0x4: {  	s12 =	simm.s32 $0x0;
	s3 =	sshll.u32 s1, $0x8;
	s2 =	sand.u32 $0x80, s2  }
0x5: {  	s0 =	rddreg [dreg:$0x1];
	_ =	strace $0x8000004D;
	s2 =	sor.u32 s3, s2  }
0x6: {  	s4 =	sadd.s32 $0xA00, s5;
	[sflag:s6] =	ssyncpa.u1 $0x0;
	s8 =	ssub.s32 $0x2000, s2  }
.Ltmp0:
0x7: {  	s3 =	sadd.s32 $0x1400, s5;
	s7 =	sand.u32 $0xF80, s8;
	(pc) =	sbr.rel .LBB2_1-.Ltmp0, $4  }
0x8: {  	s5 =	sadd.s32 $0x1800, s5;
	s11 =	smov.u32 s2;
	p0 =	sne.s32 s7, $0x0  }
0x9: {  	s8 =	sshrl.u32 s8, $0xC;
	s7 =	simm.s32 $0x2;
	s9 =	simm.s32 @!p0 $0x0  }
0xa: {  	[sflag:s7] =	ssyncpa.u1 $0x0;
	p0 =	por $0x0, $0x0;
	s8 =	sadd.s32 s9, s8  }
0xb: {  	vm0 =	vmmov $0xffff;
	[sflag:s10] =	ssyncpa.u1 $0x0;
	s10 =	simm.s32 $0x0;
	s9 =	sadd.s32 $0x1, s8  }
.LBB2_4:
0xc: {  	v2 =	vnsel vm1, $0x0, v2  }
0xd: {  	vm1 =	vgt.s32 v0, $0x0;
	v2 =	vmin.u32 v2, $0x1FFF  }
0xe: {  	v0 =	vnsel vm1, $0x0, v0  }
0xf: {  	v0 =	vmin.u32 v0, $0x1FFF  }
0x10: {  	[tilespmem:s15], [sflag:$0x1] =	stream.indirect_vreg.gather [hbm4b:s3+s10], $0x1, v1, vm0, $0x4038;
	[tilespmem:$0x200] =	vst v63  }
0x11: {  	(ifvalue) =	ssetifvalue $0x7FFFFFFF  }
0x12: {  	[tilespmem:s16], [sflag:$0x1] =	stream.indirect_vreg.gather [hbm4b:s3+s10], $0x1, v2, vm0, $0x4038;
	[tilespmem:$0x200] =	vst v63  }
0x13: {  	s29 =	sadd.s32 $0x10, s16;
	(ifvalue) =	ssetifvalue $0x7FFFFFFF  }
0x14: {  	[tilespmem:s29], [sflag:$0x1] =	stream.indirect_vreg.gather [hbm4b:s3+s10], $0x1, v0, vm0, $0x4038;
	[tilespmem:$0x200] =	vst v63  }
0x15: {  	_ =	swait.ge [sflag:s6], $0x80  }
0x16: {  	s30 =	sshrl.u32 s13, $0x3;
	[sflag:s6] =	ssyncset.done $0x0  }
0x17: {  	s31 =	sand.u32 $0x7, s13;
	s15 =	sadd.s32 s5, s30;
	[sflag:s6] =	ssyncadd.s32 $0xFFFFFF80  }
0x18: {  	[hbm4b:s15+s31] =	stream.linear.scatter [tilespmem:s14], [sflag:$0x3], $0x80, $0x38;
	[tilespmem:$0x200] =	vst v63  }
.LBB2_5:
0x19: {  	s15 =	sadd.s32 $0x1000, s11  }
0x1a: {  	p2 =	sgt.s32 s15, $0x1FFF  }
0x1b: {  	s15 =	smov.u32 @p2 s2;
	p2 =	sne.s32 s12, s9  }
.Ltmp1:
0x1c: {  	p1 =	slt.u32 s12, $0x2;
	(pc) =	sbr.rel @!p2 .LBB2_6-.Ltmp1, $4  }
0x1d: {  	s14 =	simm.s32 @!p1 $0x3  }
0x1e: {  	s16 =	sadd.s32 $0x1, s12;
	_ =	swait.ge @!p1 [sflag:s14], $0x80  }
0x1f: {  	s13 =	smov.u32 s11;
	p0 =	por !p0, !p0;
	[sflag:s14] =	ssyncset.done @!p1 $0x0  }
0x20: {  	s12 =	smov.u32 s16;
	s11 =	smov.u32 s15;
	[sflag:s14] =	ssyncadd.s32 @!p1 $0xFFFFFF80  }
.LBB2_1:
0x21: {  	p1 =	sge.u32 s12, s8  }
0x22: {  	s14 =	sxor.u32 @!p1 $0xFFFFFFFF, s12  }
0x23: {  	s31 =	sadd.s32 $0xFFFFFFFF, s12;
	s15 =	sshrl.u32 @!p1 s11, $0x3;
	s14 =	sshll.u32 @!p1 s14, $0x7  }
0x24: {  	s16 =	sand.u32 @!p1 $0x7, s11;
	s15 =	sadd.s32 @!p1 s4, s15;
	s14 =	sand.u32 @!p1 $0x80, s14  }
0x25: {  	[tilespmem:s14], [sflag:$0x2] =	stream.linear.gather @!p1 [hbm4b:s15+s16], $0x80, $0x38;
	[tilespmem:$0x200] =	vst v63  }
0x26: {  	p1 =	sge.u32 s31, s8  }
.Ltmp2:
0x27: {  	_ = 	snop;
	(pc) =	sbr.rel @p1 .LBB2_5-.Ltmp2, $1  }
0x28: {  	_ =	sdelay $0x3  }
0x29: {  	s14 =	simm.s32 $0x1  }
0x2a: {  	_ =	swait.ge [sflag:s7], $0x80;
	s14 =	simm.s32 @!p0 $0x0  }
0x2b: {  	[sflag:s7] =	ssyncset.done $0x0;
	s14 =	sshll.u32 s14, $0x7  }
0x2c: {  	[sflag:s7] =	ssyncadd.s32 $0xFFFFFF80;
	(ifvalue) =	ssetifvalue $0x7FFFFFFF;
	v0 =	vld.msk [tilespmem:s14+$0x0 ss:$0x1], $0xffff;
	_ =	sdelay $0x4  }
0x2d: {  	s15 =	sadd.s32 $0x10, s14;
	vm1 =	vgt.s32 v0, $0x0  }
0x2e: {  	v2 =	vld.msk [tilespmem:s15+$0x0 ss:$0x1], $0xffff;
	v1 =	vnsel vm1, $0x0, v0  }
0x2f: {  	v1 =	vmin.u32 v1, $0x1FFF;
	_ =	sdelay $0x1  }
0x30: {  	s16 =	sshll.u32 s12, $0x7;
	s18 =	simm.s32 $0x20  }
0x31: {  	s16 =	sand.u32 $0x80, s16;
	s17 =	sadd.s32 $0x10, s15;
	s15 =	sor.u32 $0x100, s14  }
0x32: {  	s14 =	sor.u32 $0x100, s16;
	s16 =	sadd.s32 $0x10, s15;
	v0 =	vld.msk [tilespmem:s17+$0x0 ss:$0x1], $0xffff;
	vm1 =	vgt.s32 v2, $0x0;
	(ifvalue) =	ssetifvalue $0x7FFFFFFF  }
.LBB2_3:
0x33: {  	[tilespmem:s15], [sflag:$0x1] =	stream.indirect_vreg.gather [hbm4b:s3+s10], $0x1, v1, vm0, $0x4038;
	[tilespmem:$0x200] =	vst v63  }
0x34: {  	s18 =	sadd.s32 $0x10, s18  }
0x35: {  	v2 =	vnsel vm1, $0x0, v2;
	p1 =	slt.u32 s18, $0x70  }
.Ltmp3:
0x36: {  	s15 =	smov.u32 s16;
	v1 =	vmin.u32 v2, $0x1FFF;
	(pc) =	sbr.rel @p1 .LBB2_3-.Ltmp3, $3  }
0x37: {  	_ =	sdelay $0x1  }
0x38: {  	s17 =	sadd.s32 $0x10, s17  }
0x39: {  	vm1 =	vgt.s32 v0, $0x0;
	s16 =	sadd.s32 $0x10, s16;
	v2 =	vmov v0;
	(ifvalue) =	ssetifvalue $0x7FFFFFFF;
	v0 =	vld.msk [tilespmem:s17+$0x0 ss:$0x1], $0xffff  }
.Ltmp4:
0x3a: {  	_ = 	snop;
	(pc) =	sbr.rel .LBB2_4-.Ltmp4, $1  }
0x3b: {  	_ =	sdelay $0x3  }
.LBB2_6:
0x3c: {  	_ =	sfence.sel $0x180000  }
0x3d: {  	s2 =	simm.s32 $0x2;
	[bflag:$0x0] =	sbarrier.arrive $0xFFFF  }
0x3e: {  	s30 =	simm.s32 $0x3;
	[sflag:s2] =	ssyncpa.u1 $0x1  }
0x3f: {  	s31 =	simm.s32 $0x1;
	[sflag:s30] =	ssyncpa.u1 $0x1  }
0x40: {  	[sflag:s31] =	ssyncpa.u1 $0x1  }
0x41: {  	p0 =	sne.s32 s1, $0x0;
	_ =	strace $0x9000004D  }
0x42: {  	s0 =	sadd.s32 @!p0 $0x100000, s0;
	[bflag:$0x2] =	sbarrier.arrive $0xFFFF  }
0x43: {  	[sflag:s0] =	ssyncadd.tile.s32 @!p0 $0x1;
	_ =	shalt  }
.Lfunc_end2:
_tile_overlayer_lowered:
.L_overlay_start_2:
0x44: {  	(tag) =	ssettag $0x2  }
0x45: {  	s0 =	rddreg [dreg:$0x0];
	s2 =	stileid.u32  }
0x46: {  	s1 =	rddreg [dreg:$0x1];
	p0 =	sne.s32 s2, $0x0  }
0x47: {  	s3 =	rddreg [dreg:$0x2];
	[bflag:$0x3] =	sbarrier.arrive $0xFFFF;
	s2 =	simm.s32 @!p0 $0x1C01  }
0x48: {  	[timem:s3], [sflag:s2] =	dma.local @!p0 [hbm:s0], s1  }
0x49: {  	s0 =	simm.s32 @!p0 $0x1  }
0x4a: {  	_ =	swait.ge @!p0 [sflag:s0], s1  }
0x4b: {  	s1 =	ssub.s32 @!p0 $0x0, s1;
	[sflag:s0] =	ssyncset.done @!p0 $0x0  }
0x4c: {  	[sflag:s0] =	ssyncadd.s32 @!p0 s1  }
0x4d: {  	[bflag:$0x3] =	sbarrier.arrive $0xFFFF  }
0x4e: {  	_ =	shalt  }

// kernel: gather_offload_async_start
scs
__scs_entry_jumppad:
0x0: {  	(pc) =	sbr.rel $0x88, $3  }
0x1: {  	(tag) =	ssettag $0x0;
	lr =	simm.s32 $0x1  }
0x2: {  	[smem:$0x3F9C] =	sst lr;
	_ =	strace $0xD0000000  }
0x3: {  	_ = 	snop  }
0x4: {  	_ = 	snop  }
0x5: {  	_ = 	snop  }
0x6: {  	_ = 	snop  }
0x7: {  	_ = 	snop  }
__scs_overlays_trampoline_lowered:
0x8: {  	[smem:$0x3FAB] =	sst s0  }
0x9: {  	[smem:$0x3FAC] =	sst s1  }
0xa: {  	[smem:$0x3FAD] =	sst s2  }
0xb: {  	[smem:$0x3FAE] =	sst s3  }
0xc: {  	[smem:$0x3FAF] =	sst s4  }
0xd: {  	[smem:$0x3FB0] =	sst s5  }
0xe: {  	[smem:$0x3FB1] =	sst s6  }
0xf: {  	[smem:$0x3FB2] =	sst s7  }
0x10: {  	[smem:$0x3FB3] =	sst s8  }
0x11: {  	[smem:$0x3FB4] =	sst s9;
	s0 =	simm.s32 @!p0 $0x0  }
0x12: {  	s1 =	sld [smem:$0x3F9A];
	s0 =	simm.s32 @p0 $0x1  }
0x13: {  	[smem:$0x3FB5] =	sst s0;
	s0 =	simm.s32 @!p1 $0x0  }
0x14: {  	s2 =	sld [smem:$0x3F99];
	s0 =	simm.s32 @p1 $0x1  }
0x15: {  	[smem:$0x3FB6] =	sst s0;
	s0 =	simm.s32 @!p2 $0x0  }
0x16: {  	s3 =	sld [smem:$0x3FDB];
	s0 =	simm.s32 @p2 $0x1  }
0x17: {  	s4 =	simm.s32 $0x1BF5;
	[smem:$0x3FB8] =	sst s0  }
0x18: {  	s0 =	sld [smem:$0x3F9B];
	_ =	swait.ge [sflag:s4], $0x0  }
0x19: {  	s7 =	sld [smem:$0x3F9C]  }
0x1a: {  	s8 =	sadd.s32 $0xFFFFE003, lr  }
0x1b: {  	s9 =	sadd.s32 $0xFFFFFEF7, lr;
	s5 =	simm.s32 $0xFFFFFFFF;
	p2 =	slt.u32 s8, $0xFFFFF086  }
0x1c: {  	p1 =	slt.u32 s9, $0xF7A;
	s5 =	simm.s32 @!p2 $0x0  }
0x1d: {  	s5 =	simm.s32 @p1 $0x1;
	p0 =	seq.s32 s7, s2  }
0x1e: {  	s7 =	smul.u32 @!p0 $0xF7A, s2;
	p2 =	seq.s32 @!p0 s5, $0x0  }
0x1f: {  	s9 =	smul.u32 $0xF7A, s1;
	s8 =	simm.s32 @!p0 $0x1BF5;
	p2 =	por !p2, p0  }
0x20: {  	[sflag:s8] =	ssyncset.s32 @!p0 $0xFFFFF086;
	s6 =	sadd.s32 @!p0 s3, s7;
	s7 =	simm.s32 @!p0 $0x108  }
0x21: {  	s3 =	sadd.s32 s3, s9;
	s6 =	sadd.s32 @!p0 $0x88, s6;
	s7 =	simm.s32 @p2 $0x1082  }
0x22: {  	[simem:s7], [sflag:s8] =	dma.local @!p0 [hbm:s6], $0xF7A  }
0x23: {  	s9 =	sor.u32 $0xD0000000, s2;
	s6 =	simm.s32 $0x108;
	_ =	swait.ge @!p0 [sflag:s8], $0x0  }
0x24: {  	s3 =	sadd.s32 $0x88, s3;
	s6 =	simm.s32 @!p1 $0x1082;
	[sflag:s4] =	ssyncset.s32 $0xFFFFF086  }
0x25: {  	[simem:s6], [sflag:s4] =	dma.local [hbm:s3], $0xF7A  }
0x26: {  	[smem:$0x3F9C] =	sst s1;
	(tag) =	ssettag s2;
	_ =	strace s9  }
0x27: {  	s1 =	sld [smem:$0x3FAC]  }
0x28: {  	s2 =	sld [smem:$0x3FAD]  }
0x29: {  	s4 =	sld [smem:$0x3FAF]  }
0x2a: {  	p0 =	seq.s32 s5, $0x0;
	s5 =	sld [smem:$0x3FB0]  }
0x2b: {  	s6 =	sld [smem:$0x3FB1]  }
0x2c: {  	s7 =	sld [smem:$0x3FB2]  }
0x2d: {  	s3 =	simm.s32 $0x108;
	s8 =	sld [smem:$0x3FB3]  }
0x2e: {  	s3 =	simm.s32 @!p0 $0x1082;
	s9 =	sld [smem:$0x3FB4]  }
0x2f: {  	lr =	sadd.s32 s0, s3;
	s0 =	sld [smem:$0x3FAB]  }
0x30: {  	s3 =	sld [smem:$0x3FAE]  }
0x31: {  	[smem:$0x3FB7] =	sst s10  }
0x32: {  	s10 =	sld [smem:$0x3FB5];
	_ =	sdelay $0x3  }
0x33: {  	p0 =	seq.s32 s10, $0x1;
	s10 =	sld [smem:$0x3FB7];
	_ =	sdelay $0x3  }
0x34: {  	[smem:$0x3FB7] =	sst s10  }
0x35: {  	s10 =	sld [smem:$0x3FB6];
	_ =	sdelay $0x3  }
0x36: {  	p1 =	seq.s32 s10, $0x1;
	s10 =	sld [smem:$0x3FB7];
	_ =	sdelay $0x3  }
0x37: {  	[smem:$0x3FB7] =	sst s10  }
0x38: {  	s10 =	sld [smem:$0x3FB8]  }
0x39: {  	_ = 	snop;
	(pc) =	sbr.ind lr, $3  }
0x3a: {  	_ = 	snop  }
0x3b: {  	_ = 	snop  }
0x3c: {  	p2 =	seq.s32 s10, $0x1;
	s10 =	sld [smem:$0x3FB7]  }
0x3d: {  	_ =	shalt  }
0x3e: {  	_ =	shalt  }
0x3f: {  	_ =	shalt  }
0x40: {  	_ =	shalt  }
0x41: {  	_ =	shalt  }
0x42: {  	_ =	shalt  }
0x43: {  	_ =	shalt  }
0x44: {  	_ =	shalt  }
0x45: {  	_ =	shalt  }
0x46: {  	_ =	shalt  }
0x47: {  	_ =	shalt  }
0x48: {  	_ =	shalt  }
0x49: {  	_ =	shalt  }
0x4a: {  	_ =	shalt  }
0x4b: {  	_ =	shalt  }
0x4c: {  	_ =	shalt  }
0x4d: {  	_ =	shalt  }
0x4e: {  	_ =	shalt  }
0x4f: {  	_ =	shalt  }
0x50: {  	_ =	shalt  }
0x51: {  	_ =	shalt  }
0x52: {  	_ =	shalt  }
0x53: {  	_ =	shalt  }
0x54: {  	_ =	shalt  }
0x55: {  	_ =	shalt  }
0x56: {  	_ =	shalt  }
0x57: {  	_ =	shalt  }
0x58: {  	_ =	shalt  }
0x59: {  	_ =	shalt  }
0x5a: {  	_ =	shalt  }
0x5b: {  	_ =	shalt  }
0x5c: {  	_ =	shalt  }
0x5d: {  	_ =	shalt  }
0x5e: {  	_ =	shalt  }
0x5f: {  	_ =	shalt  }
0x60: {  	_ =	shalt  }
0x61: {  	_ =	shalt  }
0x62: {  	_ =	shalt  }
0x63: {  	_ =	shalt  }
0x64: {  	_ =	shalt  }
0x65: {  	_ =	shalt  }
0x66: {  	_ =	shalt  }
0x67: {  	_ =	shalt  }
0x68: {  	_ =	shalt  }
0x69: {  	_ =	shalt  }
0x6a: {  	_ =	shalt  }
0x6b: {  	_ =	shalt  }
0x6c: {  	_ =	shalt  }
0x6d: {  	_ =	shalt  }
0x6e: {  	_ =	shalt  }
0x6f: {  	_ =	shalt  }
0x70: {  	_ =	shalt  }
0x71: {  	_ =	shalt  }
0x72: {  	_ =	shalt  }
0x73: {  	_ =	shalt  }
0x74: {  	_ =	shalt  }
0x75: {  	_ =	shalt  }
0x76: {  	_ =	shalt  }
0x77: {  	_ =	shalt  }
0x78: {  	_ =	shalt  }
0x79: {  	_ =	shalt  }
0x7a: {  	_ =	shalt  }
0x7b: {  	_ =	shalt  }
0x7c: {  	_ =	shalt  }
0x7d: {  	_ =	shalt  }
0x7e: {  	_ =	shalt  }
0x7f: {  	_ =	shalt  }
0x80: {  	_ =	shalt  }
0x81: {  	_ =	shalt  }
0x82: {  	_ =	shalt  }
0x83: {  	_ =	shalt  }
0x84: {  	_ =	shalt  }
0x85: {  	_ =	shalt  }
0x86: {  	_ =	shalt  }
0x87: {  	_ =	shalt  }
.Lfunc_end0:
.L_simem_size_0:
called_computation.1_lowered:
.L_overlay_start_0:
0x88: {  	s2 =	sld [smem:$0x3FD9]  }
0x89: {  	s3 =	sld [smem:$0x3FFE];
	_ =	sdelay $0x1  }
0x8a: {  	s1 =	srdreg.scid  }
0x8b: {  	s0 =	sand.u32 $0x1, s1  }
0x8c: {  	s14 =	sshll.u32 s0, $0xA;
	s2 =	sadd.s32 s3, s2  }
0x8d: {  	s2 =	sadd.s32 s2, s14  }
0x8e: {  	[smem:$0x3FC3] =	sst s2  }
0x8f: {  	_ = 	snop  }
0x90: {  	s2 =	sld [smem:$0x3FD0];
	_ =	sdelay $0x2  }
0x91: {  	s15 =	simm.s32 $0xB;
	s4 =	simm.s32 $0x10  }
0x92: {  	[smem:s4], [sflag:s15] =	dma.local [hbm:s2], $0x1  }
0x93: {  	_ =	swait.eq [sflag:s15], $0x1  }
0x94: {  	[sflag:s15] =	ssyncset.done $0x0  }
0x95: {  	[sflag:s15] =	ssyncadd.s32 $0xFFFFFFFF  }
0x96: {  	s16 =	sld [smem:$0x10];
	(tm) =	ssettm $0x1  }
0x97: {  	s17 =	sld [smem:$0x3FFB];
	_ =	sdelay $0x3  }
0x98: {  	_ =	strace s17  }
0x99: {  	s3 =	sld [smem:$0x3FFC];
	_ =	sdelay $0x3  }
0x9a: {  	_ =	strace s3  }
0x9b: {  	s3 =	sld [smem:$0x3FFD];
	_ =	sdelay $0x3  }
0x9c: {  	_ =	strace s3  }
0x9d: {  	_ =	strace $0x8FFFFFFF  }
0x9e: {  	s18 =	sld [smem:$0x3FDB];
	_ =	sdelay $0x1  }
0x9f: {  	s19 =	simm.s32 $_scs_section_size  }
0xa0: {  	s5 =	simm.s32 $_size__tile_overlayer_lowered;
	s6 =	simm.s32 $_tile_overlayer_lowered  }
0xa1: {  	s22 =	simm.s32 $0x1BFF;
	s21 =	sshll.u32 s6, $0x1;
	s3 =	sadd.s32 s19, s18  }
0xa2: {  	s7 =	simm.s32 $0x0;
	s20 =	sshll.u32 s5, $0x1;
	s5 =	sadd.s32 s21, s3  }
0xa3: {  	[timem:s7], [sflag:s22] =	dma.local [hbm:s5], s20  }
0xa4: {  	_ =	swait.ge [sflag:s22], s20  }
0xa5: {  	s4 =	ssub.s32 $0x0, s20;
	[sflag:s22] =	ssyncset.done $0x0  }
0xa6: {  	[sflag:s22] =	ssyncadd.s32 s4;
	_ =	sdelay $0x1  }
0xa7: {  	s23 =	simm.s32 $0x1B8B  }
0xa8: {  	_ =	swait.ge [sflag:s23], $0x1  }
0xa9: {  	[sflag:s23] =	ssyncset.done $0x0  }
0xaa: {  	s25 =	simm.s32 $0x1B8E;
	s24 =	sld [smem:$0x3FFE];
	[sflag:s23] =	ssyncadd.s32 $0xFFFFFFFF  }
0xab: {  	s26 =	simm.s32 $execute0_lowered;
	[smem:$0x3FD2] =	sst s25  }
0xac: {  	s5 =	sshll.u32 s26, $0x1;
	_ =	strace $0x80000049;
	[dreg:$0x1] =	wrdreg $0xFFFFFFFF  }
0xad: {  	s28 =	simm.s32 $_size_execute0_lowered;
	s3 =	sadd.s32 s3, s5;
	[dreg:$0x0] =	wrdreg $0x0  }
0xae: {  	s5 =	sshll.u32 s28, $0x1;
	[dreg:$0x2] =	wrdreg s3  }
0xaf: {  	[dreg:$0x3] =	wrdreg s5  }
0xb0: {  	[dreg:$0x4] =	wrdreg $0xC0  }
0xb1: {  	_ =	task [dreg:s7], $0x5FFFF  }
0xb2: {  	[dreg:$0x1] =	wrdreg $0xFFFFFFFF  }
0xb3: {  	[dreg:$0x0] =	wrdreg $0x60  }
0xb4: {  	[dreg:$0x2] =	wrdreg s24  }
0xb5: {  	[dreg:$0x3] =	wrdreg s16  }
0xb6: {  	[dreg:$0x4] =	wrdreg $0x9  }
0xb7: {  	_ =	task.clear_ibuf [dreg:s7], $0x5FFFF;
	_ =	strace $0x90000049  }
0xb8: {  	s29 =	simm.s32 $0x9;
	_ =	strace $0x8000004B  }
0xb9: {  	_ =	swait.ge [sflag:s29], $0x1  }
0xba: {  	[sflag:s29] =	ssyncadd.s32 $0xFFFFFFFF  }
0xbb: {  	_ =	strace $0x9000004B  }
0xbc: {  	_ =	sfence  }
0xbd: {  	s30 =	sld [smem:$0x0];
	_ =	sdelay $0x2  }
0xbe: {  	s31 =	sshll.u32 s1, $0xD;
	s1 =	sshrl.u32 s1, $0x2  }
0xbf: {  	s3 =	sand.u32 $0x4000, s31;
	s1 =	sadd.s32 s1, s30  }
0xc0: {  	s0 =	sor.u32 s3, s0;
	s1 =	sshll.u32 s1, $0x11  }
0xc1: {  	s0 =	sor.u32 s1, s0  }
0xc2: {  	s0 =	sadd.s32 $0x8F2B, s0  }
0xc3: {  	[sflag:s0] =	ssyncadd.remote.s32 $0x1  }
0xc4: {  	_ =	sfence.sel $0xFFFF  }
0xc5: {  	[dreg:$0x0] =	wrdreg $0xFFFFFFFF;
	(pc) =	sbr.abs _section_cstart, $3  }
0xc6: {  	[dreg:$0x1] =	wrdreg $0xFFFFFFFF  }
0xc7: {  	_ =	task.clear_ibuf [dreg:s7], $0x2FFFF;
	_ =	strace $0x9FFFFFFF  }
0xc8: {  	(tm) =	ssettm $0x7FFFFFFF  }
0xc9: {  	_ =	shalt  }
tec
execute0_lowered:
.L_overlay_start_1:
0x0: {  	(tag) =	ssettag $0x1  }
0x1: {  	s1 =	srdreg.scid;
	s5 =	rddreg [dreg:$0x0]  }
0x2: {  	s0 =	stileid.u32;
	s2 =	rddreg [dreg:$0x1];
	s6 =	simm.s32 $0x1  }
0x3: {  	s9 =	simm.s32 $0x1;
	s10 =	simm.s32 $0x3;
	s1 =	sshll.u32 s1, $0x7  }
0x4: {  	s13 =	simm.s32 $0x0;
	s3 =	sshll.u32 s0, $0x8;
	s4 =	sand.u32 $0x80, s1  }
0x5: {  	s12 =	simm.s32 $0x0;
	s1 =	rddreg [dreg:$0x2];
	s3 =	sor.u32 s3, s4  }
0x6: {  	_ =	strace $0x8000004A;
	s4 =	sadd.s32 $0x200, s5;
	s8 =	ssub.s32 $0x2000, s3  }
.Ltmp0:
0x7: {  	s5 =	sadd.s32 $0xA00, s5;
	s7 =	sand.u32 $0xF80, s8;
	(pc) =	sbr.rel .LBB2_1-.Ltmp0, $4  }
0x8: {  	[sflag:s6] =	ssyncpa.u1 $0x0;
	s11 =	smov.u32 s3;
	p0 =	sne.s32 s7, $0x0  }
0x9: {  	s8 =	sshrl.u32 s8, $0xC;
	s7 =	simm.s32 $0x2;
	s9 =	simm.s32 @!p0 $0x0  }
0xa: {  	[sflag:s7] =	ssyncpa.u1 $0x0;
	p0 =	por $0x0, $0x0;
	s8 =	sadd.s32 s9, s8  }
0xb: {  	vm0 =	vmmov $0xffff;
	[sflag:s10] =	ssyncpa.u1 $0x0;
	s10 =	simm.s32 $0x0;
	s9 =	sadd.s32 $0x1, s8  }
.LBB2_4:
0xc: {  	v2 =	vnsel vm1, $0x0, v2  }
0xd: {  	vm1 =	vgt.s32 v0, $0x0;
	v2 =	vmin.u32 v2, $0x1FFF  }
0xe: {  	v0 =	vnsel vm1, $0x0, v0  }
0xf: {  	v0 =	vmin.u32 v0, $0x1FFF  }
0x10: {  	[tilespmem:s15], [sflag:$0x1] =	stream.indirect_vreg.gather [hbm4b:s4+s10], $0x1, v1, vm0, $0x4038;
	[tilespmem:$0x200] =	vst v63  }
0x11: {  	(ifvalue) =	ssetifvalue $0x7FFFFFFF  }
0x12: {  	[tilespmem:s16], [sflag:$0x1] =	stream.indirect_vreg.gather [hbm4b:s4+s10], $0x1, v2, vm0, $0x4038;
	[tilespmem:$0x200] =	vst v63  }
0x13: {  	s29 =	sadd.s32 $0x10, s16;
	(ifvalue) =	ssetifvalue $0x7FFFFFFF  }
0x14: {  	[tilespmem:s29], [sflag:$0x1] =	stream.indirect_vreg.gather [hbm4b:s4+s10], $0x1, v0, vm0, $0x4038;
	[tilespmem:$0x200] =	vst v63  }
0x15: {  	_ =	swait.ge [sflag:s6], $0x80  }
0x16: {  	s30 =	sshrl.u32 s13, $0x3;
	[sflag:s6] =	ssyncset.done $0x0  }
0x17: {  	s31 =	sand.u32 $0x7, s13;
	s15 =	sadd.s32 s2, s30;
	[sflag:s6] =	ssyncadd.s32 $0xFFFFFF80  }
0x18: {  	[hbm4b:s15+s31] =	stream.linear.scatter [tilespmem:s14], [sflag:$0x3], $0x80, $0x38;
	[tilespmem:$0x200] =	vst v63  }
.LBB2_5:
0x19: {  	s15 =	sadd.s32 $0x1000, s11  }
0x1a: {  	p2 =	sgt.s32 s15, $0x1FFF  }
0x1b: {  	s15 =	smov.u32 @p2 s3;
	p2 =	sne.s32 s12, s9  }
.Ltmp1:
0x1c: {  	p1 =	slt.u32 s12, $0x2;
	(pc) =	sbr.rel @!p2 .LBB2_6-.Ltmp1, $4  }
0x1d: {  	s14 =	simm.s32 @!p1 $0x3  }
0x1e: {  	s16 =	sadd.s32 $0x1, s12;
	_ =	swait.ge @!p1 [sflag:s14], $0x80  }
0x1f: {  	s13 =	smov.u32 s11;
	p0 =	por !p0, !p0;
	[sflag:s14] =	ssyncset.done @!p1 $0x0  }
0x20: {  	s12 =	smov.u32 s16;
	s11 =	smov.u32 s15;
	[sflag:s14] =	ssyncadd.s32 @!p1 $0xFFFFFF80  }
.LBB2_1:
0x21: {  	p1 =	sge.u32 s12, s8  }
0x22: {  	s14 =	sxor.u32 @!p1 $0xFFFFFFFF, s12  }
0x23: {  	s31 =	sadd.s32 $0xFFFFFFFF, s12;
	s15 =	sshrl.u32 @!p1 s11, $0x3;
	s14 =	sshll.u32 @!p1 s14, $0x7  }
0x24: {  	s16 =	sand.u32 @!p1 $0x7, s11;
	s15 =	sadd.s32 @!p1 s5, s15;
	s14 =	sand.u32 @!p1 $0x80, s14  }
0x25: {  	[tilespmem:s14], [sflag:$0x2] =	stream.linear.gather @!p1 [hbm4b:s15+s16], $0x80, $0x38;
	[tilespmem:$0x200] =	vst v63  }
0x26: {  	p1 =	sge.u32 s31, s8  }
.Ltmp2:
0x27: {  	_ = 	snop;
	(pc) =	sbr.rel @p1 .LBB2_5-.Ltmp2, $1  }
0x28: {  	_ =	sdelay $0x3  }
0x29: {  	s14 =	simm.s32 $0x1  }
0x2a: {  	_ =	swait.ge [sflag:s7], $0x80;
	s14 =	simm.s32 @!p0 $0x0  }
0x2b: {  	[sflag:s7] =	ssyncset.done $0x0;
	s14 =	sshll.u32 s14, $0x7  }
0x2c: {  	[sflag:s7] =	ssyncadd.s32 $0xFFFFFF80;
	(ifvalue) =	ssetifvalue $0x7FFFFFFF;
	v0 =	vld.msk [tilespmem:s14+$0x0 ss:$0x1], $0xffff;
	_ =	sdelay $0x4  }
0x2d: {  	s15 =	sadd.s32 $0x10, s14;
	vm1 =	vgt.s32 v0, $0x0  }
0x2e: {  	v2 =	vld.msk [tilespmem:s15+$0x0 ss:$0x1], $0xffff;
	v1 =	vnsel vm1, $0x0, v0  }
0x2f: {  	v1 =	vmin.u32 v1, $0x1FFF;
	_ =	sdelay $0x1  }
0x30: {  	s16 =	sshll.u32 s12, $0x7;
	s18 =	simm.s32 $0x20  }
0x31: {  	s16 =	sand.u32 $0x80, s16;
	s17 =	sadd.s32 $0x10, s15;
	s15 =	sor.u32 $0x100, s14  }
0x32: {  	s14 =	sor.u32 $0x100, s16;
	s16 =	sadd.s32 $0x10, s15;
	v0 =	vld.msk [tilespmem:s17+$0x0 ss:$0x1], $0xffff;
	vm1 =	vgt.s32 v2, $0x0;
	(ifvalue) =	ssetifvalue $0x7FFFFFFF  }
.LBB2_3:
0x33: {  	[tilespmem:s15], [sflag:$0x1] =	stream.indirect_vreg.gather [hbm4b:s4+s10], $0x1, v1, vm0, $0x4038;
	[tilespmem:$0x200] =	vst v63  }
0x34: {  	s18 =	sadd.s32 $0x10, s18  }
0x35: {  	v2 =	vnsel vm1, $0x0, v2;
	p1 =	slt.u32 s18, $0x70  }
.Ltmp3:
0x36: {  	s15 =	smov.u32 s16;
	v1 =	vmin.u32 v2, $0x1FFF;
	(pc) =	sbr.rel @p1 .LBB2_3-.Ltmp3, $3  }
0x37: {  	_ =	sdelay $0x1  }
0x38: {  	s17 =	sadd.s32 $0x10, s17  }
0x39: {  	vm1 =	vgt.s32 v0, $0x0;
	s16 =	sadd.s32 $0x10, s16;
	v2 =	vmov v0;
	(ifvalue) =	ssetifvalue $0x7FFFFFFF;
	v0 =	vld.msk [tilespmem:s17+$0x0 ss:$0x1], $0xffff  }
.Ltmp4:
0x3a: {  	_ = 	snop;
	(pc) =	sbr.rel .LBB2_4-.Ltmp4, $1  }
0x3b: {  	_ =	sdelay $0x3  }
.LBB2_6:
0x3c: {  	_ =	sfence.sel $0x180000  }
0x3d: {  	s2 =	simm.s32 $0x2;
	[bflag:$0x0] =	sbarrier.arrive $0xFFFF  }
0x3e: {  	s30 =	simm.s32 $0x3;
	[sflag:s2] =	ssyncpa.u1 $0x1  }
0x3f: {  	s31 =	simm.s32 $0x1;
	[sflag:s30] =	ssyncpa.u1 $0x1  }
0x40: {  	[sflag:s31] =	ssyncpa.u1 $0x1  }
0x41: {  	p0 =	sne.s32 s0, $0x0;
	_ =	strace $0x9000004A  }
0x42: {  	s0 =	sadd.s32 @!p0 $0x100000, s1;
	[bflag:$0x2] =	sbarrier.arrive $0xFFFF  }
0x43: {  	[sflag:s0] =	ssyncadd.tile.s32 @!p0 $0x1;
	_ =	shalt  }
.Lfunc_end2:
_tile_overlayer_lowered:
.L_overlay_start_2:
0x44: {  	(tag) =	ssettag $0x2  }
0x45: {  	s0 =	rddreg [dreg:$0x0];
	s2 =	stileid.u32  }
0x46: {  	s1 =	rddreg [dreg:$0x1];
	p0 =	sne.s32 s2, $0x0  }
0x47: {  	s3 =	rddreg [dreg:$0x2];
	[bflag:$0x3] =	sbarrier.arrive $0xFFFF;
	s2 =	simm.s32 @!p0 $0x1C01  }
0x48: {  	[timem:s3], [sflag:s2] =	dma.local @!p0 [hbm:s0], s1  }
0x49: {  	s0 =	simm.s32 @!p0 $0x1  }
0x4a: {  	_ =	swait.ge @!p0 [sflag:s0], s1  }
0x4b: {  	s1 =	ssub.s32 @!p0 $0x0, s1;
	[sflag:s0] =	ssyncset.done @!p0 $0x0  }
0x4c: {  	[sflag:s0] =	ssyncadd.s32 @!p0 s1  }
0x4d: {  	[bflag:$0x3] =	sbarrier.arrive $0xFFFF  }
0x4e: {  	_ =	shalt  }

// kernel: kernel.6.cloned.1.call-start
scs
__scs_entry_jumppad:
0x0: {  	(pc) =	sbr.rel $0x88, $3  }
0x1: {  	(tag) =	ssettag $0x0;
	lr =	simm.s32 $0x1  }
0x2: {  	[smem:$0x3F9C] =	sst lr;
	_ =	strace $0xD0000000  }
0x3: {  	_ = 	snop  }
0x4: {  	_ = 	snop  }
0x5: {  	_ = 	snop  }
0x6: {  	_ = 	snop  }
0x7: {  	_ = 	snop  }
__scs_overlays_trampoline_lowered:
0x8: {  	[smem:$0x3FAB] =	sst s0  }
0x9: {  	[smem:$0x3FAC] =	sst s1  }
0xa: {  	[smem:$0x3FAD] =	sst s2  }
0xb: {  	[smem:$0x3FAE] =	sst s3  }
0xc: {  	[smem:$0x3FAF] =	sst s4  }
0xd: {  	[smem:$0x3FB0] =	sst s5  }
0xe: {  	[smem:$0x3FB1] =	sst s6  }
0xf: {  	[smem:$0x3FB2] =	sst s7  }
0x10: {  	[smem:$0x3FB3] =	sst s8  }
0x11: {  	[smem:$0x3FB4] =	sst s9;
	s0 =	simm.s32 @!p0 $0x0  }
0x12: {  	s1 =	sld [smem:$0x3F9A];
	s0 =	simm.s32 @p0 $0x1  }
0x13: {  	[smem:$0x3FB5] =	sst s0;
	s0 =	simm.s32 @!p1 $0x0  }
0x14: {  	s2 =	sld [smem:$0x3F99];
	s0 =	simm.s32 @p1 $0x1  }
0x15: {  	[smem:$0x3FB6] =	sst s0;
	s0 =	simm.s32 @!p2 $0x0  }
0x16: {  	s3 =	sld [smem:$0x3FDB];
	s0 =	simm.s32 @p2 $0x1  }
0x17: {  	s4 =	simm.s32 $0x1BF5;
	[smem:$0x3FB8] =	sst s0  }
0x18: {  	s0 =	sld [smem:$0x3F9B];
	_ =	swait.ge [sflag:s4], $0x0  }
0x19: {  	s7 =	sld [smem:$0x3F9C]  }
0x1a: {  	s8 =	sadd.s32 $0xFFFFE003, lr  }
0x1b: {  	s9 =	sadd.s32 $0xFFFFFEF7, lr;
	s5 =	simm.s32 $0xFFFFFFFF;
	p2 =	slt.u32 s8, $0xFFFFF086  }
0x1c: {  	p1 =	slt.u32 s9, $0xF7A;
	s5 =	simm.s32 @!p2 $0x0  }
0x1d: {  	s5 =	simm.s32 @p1 $0x1;
	p0 =	seq.s32 s7, s2  }
0x1e: {  	s7 =	smul.u32 @!p0 $0xF7A, s2;
	p2 =	seq.s32 @!p0 s5, $0x0  }
0x1f: {  	s9 =	smul.u32 $0xF7A, s1;
	s8 =	simm.s32 @!p0 $0x1BF5;
	p2 =	por !p2, p0  }
0x20: {  	[sflag:s8] =	ssyncset.s32 @!p0 $0xFFFFF086;
	s6 =	sadd.s32 @!p0 s3, s7;
	s7 =	simm.s32 @!p0 $0x108  }
0x21: {  	s3 =	sadd.s32 s3, s9;
	s6 =	sadd.s32 @!p0 $0x88, s6;
	s7 =	simm.s32 @p2 $0x1082  }
0x22: {  	[simem:s7], [sflag:s8] =	dma.local @!p0 [hbm:s6], $0xF7A  }
0x23: {  	s9 =	sor.u32 $0xD0000000, s2;
	s6 =	simm.s32 $0x108;
	_ =	swait.ge @!p0 [sflag:s8], $0x0  }
0x24: {  	s3 =	sadd.s32 $0x88, s3;
	s6 =	simm.s32 @!p1 $0x1082;
	[sflag:s4] =	ssyncset.s32 $0xFFFFF086  }
0x25: {  	[simem:s6], [sflag:s4] =	dma.local [hbm:s3], $0xF7A  }
0x26: {  	[smem:$0x3F9C] =	sst s1;
	(tag) =	ssettag s2;
	_ =	strace s9  }
0x27: {  	s1 =	sld [smem:$0x3FAC]  }
0x28: {  	s2 =	sld [smem:$0x3FAD]  }
0x29: {  	s4 =	sld [smem:$0x3FAF]  }
0x2a: {  	p0 =	seq.s32 s5, $0x0;
	s5 =	sld [smem:$0x3FB0]  }
0x2b: {  	s6 =	sld [smem:$0x3FB1]  }
0x2c: {  	s7 =	sld [smem:$0x3FB2]  }
0x2d: {  	s3 =	simm.s32 $0x108;
	s8 =	sld [smem:$0x3FB3]  }
0x2e: {  	s3 =	simm.s32 @!p0 $0x1082;
	s9 =	sld [smem:$0x3FB4]  }
0x2f: {  	lr =	sadd.s32 s0, s3;
	s0 =	sld [smem:$0x3FAB]  }
0x30: {  	s3 =	sld [smem:$0x3FAE]  }
0x31: {  	[smem:$0x3FB7] =	sst s10  }
0x32: {  	s10 =	sld [smem:$0x3FB5];
	_ =	sdelay $0x3  }
0x33: {  	p0 =	seq.s32 s10, $0x1;
	s10 =	sld [smem:$0x3FB7];
	_ =	sdelay $0x3  }
0x34: {  	[smem:$0x3FB7] =	sst s10  }
0x35: {  	s10 =	sld [smem:$0x3FB6];
	_ =	sdelay $0x3  }
0x36: {  	p1 =	seq.s32 s10, $0x1;
	s10 =	sld [smem:$0x3FB7];
	_ =	sdelay $0x3  }
0x37: {  	[smem:$0x3FB7] =	sst s10  }
0x38: {  	s10 =	sld [smem:$0x3FB8]  }
0x39: {  	_ = 	snop;
	(pc) =	sbr.ind lr, $3  }
0x3a: {  	_ = 	snop  }
0x3b: {  	_ = 	snop  }
0x3c: {  	p2 =	seq.s32 s10, $0x1;
	s10 =	sld [smem:$0x3FB7]  }
0x3d: {  	_ =	shalt  }
0x3e: {  	_ =	shalt  }
0x3f: {  	_ =	shalt  }
0x40: {  	_ =	shalt  }
0x41: {  	_ =	shalt  }
0x42: {  	_ =	shalt  }
0x43: {  	_ =	shalt  }
0x44: {  	_ =	shalt  }
0x45: {  	_ =	shalt  }
0x46: {  	_ =	shalt  }
0x47: {  	_ =	shalt  }
0x48: {  	_ =	shalt  }
0x49: {  	_ =	shalt  }
0x4a: {  	_ =	shalt  }
0x4b: {  	_ =	shalt  }
0x4c: {  	_ =	shalt  }
0x4d: {  	_ =	shalt  }
0x4e: {  	_ =	shalt  }
0x4f: {  	_ =	shalt  }
0x50: {  	_ =	shalt  }
0x51: {  	_ =	shalt  }
0x52: {  	_ =	shalt  }
0x53: {  	_ =	shalt  }
0x54: {  	_ =	shalt  }
0x55: {  	_ =	shalt  }
0x56: {  	_ =	shalt  }
0x57: {  	_ =	shalt  }
0x58: {  	_ =	shalt  }
0x59: {  	_ =	shalt  }
0x5a: {  	_ =	shalt  }
0x5b: {  	_ =	shalt  }
0x5c: {  	_ =	shalt  }
0x5d: {  	_ =	shalt  }
0x5e: {  	_ =	shalt  }
0x5f: {  	_ =	shalt  }
0x60: {  	_ =	shalt  }
0x61: {  	_ =	shalt  }
0x62: {  	_ =	shalt  }
0x63: {  	_ =	shalt  }
0x64: {  	_ =	shalt  }
0x65: {  	_ =	shalt  }
0x66: {  	_ =	shalt  }
0x67: {  	_ =	shalt  }
0x68: {  	_ =	shalt  }
0x69: {  	_ =	shalt  }
0x6a: {  	_ =	shalt  }
0x6b: {  	_ =	shalt  }
0x6c: {  	_ =	shalt  }
0x6d: {  	_ =	shalt  }
0x6e: {  	_ =	shalt  }
0x6f: {  	_ =	shalt  }
0x70: {  	_ =	shalt  }
0x71: {  	_ =	shalt  }
0x72: {  	_ =	shalt  }
0x73: {  	_ =	shalt  }
0x74: {  	_ =	shalt  }
0x75: {  	_ =	shalt  }
0x76: {  	_ =	shalt  }
0x77: {  	_ =	shalt  }
0x78: {  	_ =	shalt  }
0x79: {  	_ =	shalt  }
0x7a: {  	_ =	shalt  }
0x7b: {  	_ =	shalt  }
0x7c: {  	_ =	shalt  }
0x7d: {  	_ =	shalt  }
0x7e: {  	_ =	shalt  }
0x7f: {  	_ =	shalt  }
0x80: {  	_ =	shalt  }
0x81: {  	_ =	shalt  }
0x82: {  	_ =	shalt  }
0x83: {  	_ =	shalt  }
0x84: {  	_ =	shalt  }
0x85: {  	_ =	shalt  }
0x86: {  	_ =	shalt  }
0x87: {  	_ =	shalt  }
.Lfunc_end0:
.L_simem_size_0:
called_computation.3_lowered:
.L_overlay_start_0:
0x88: {  	s2 =	sld [smem:$0x3FD9]  }
0x89: {  	s3 =	sld [smem:$0x3FFE];
	_ =	sdelay $0x1  }
0x8a: {  	s1 =	srdreg.scid  }
0x8b: {  	s0 =	sand.u32 $0x1, s1  }
0x8c: {  	s15 =	sshll.u32 s0, $0xA;
	s2 =	sadd.s32 s3, s2  }
0x8d: {  	s2 =	sadd.s32 s2, s15  }
0x8e: {  	[smem:$0x3FC3] =	sst s2  }
0x8f: {  	_ = 	snop  }
0x90: {  	s16 =	sld [smem:$0x3FD0];
	_ =	sdelay $0x2  }
0x91: {  	s4 =	simm.s32 $0xB;
	s5 =	simm.s32 $0x10;
	s2 =	sld [smem:$0x3FC9]  }
0x92: {  	[smem:s5], [sflag:s4] =	dma.local [hbm:s16], $0x1  }
0x93: {  	_ =	swait.eq [sflag:s4], $0x1  }
0x94: {  	[sflag:s4] =	ssyncset.done $0x0  }
0x95: {  	[sflag:s4] =	ssyncadd.s32 $0xFFFFFFFF  }
0x96: {  	s17 =	sld [smem:$0x10];
	(tm) =	ssettm $0x1  }
0x97: {  	s18 =	sld [smem:$0x3FFB];
	_ =	sdelay $0x3  }
0x98: {  	_ =	strace s18  }
0x99: {  	s3 =	sld [smem:$0x3FFC];
	_ =	sdelay $0x3  }
0x9a: {  	_ =	strace s3  }
0x9b: {  	s3 =	sld [smem:$0x3FFD];
	_ =	sdelay $0x3  }
0x9c: {  	_ =	strace s3  }
0x9d: {  	_ =	strace $0x8FFFFFFF  }
0x9e: {  	s19 =	sld [smem:$0x3FDB];
	_ =	sdelay $0x1  }
0x9f: {  	s20 =	simm.s32 $_scs_section_size  }
0xa0: {  	s6 =	simm.s32 $_size__tile_overlayer_lowered;
	s7 =	simm.s32 $_tile_overlayer_lowered  }
0xa1: {  	s8 =	simm.s32 $0x1BFF;
	s21 =	sshll.u32 s7, $0x1;
	s5 =	sadd.s32 s20, s19  }
0xa2: {  	s22 =	simm.s32 $0x0;
	s6 =	sshll.u32 s6, $0x1;
	s7 =	sadd.s32 s21, s5  }
0xa3: {  	[timem:s22], [sflag:s8] =	dma.local [hbm:s7], s6  }
0xa4: {  	_ =	swait.ge [sflag:s8], s6  }
0xa5: {  	s6 =	ssub.s32 $0x0, s6;
	[sflag:s8] =	ssyncset.done $0x0  }
0xa6: {  	[sflag:s8] =	ssyncadd.s32 s6;
	_ =	sdelay $0x1  }
0xa7: {  	s23 =	simm.s32 $0x1B8B  }
0xa8: {  	_ =	swait.ge [sflag:s23], $0x1  }
0xa9: {  	[sflag:s23] =	ssyncset.done $0x0  }
0xaa: {  	[sflag:s23] =	ssyncadd.s32 $0xFFFFFFFF  }
0xab: {  	s6 =	sld [smem:$0x0]  }
0xac: {  	s7 =	sand.u32 $0xFFFFFFFE, s1  }
0xad: {  	p0 =	sne.s32 s1, s7  }
0xae: {  	s7 =	sshll.u32 @p0 s7, $0xE  }
0xaf: {  	s7 =	sadd.s32 @p0 $0x11B8D, s7;
	s8 =	sshll.u32 @p0 s6, $0x11  }
0xb0: {  	s7 =	sor.u32 @p0 s8, s7  }
0xb1: {  	[sflag:s7] =	ssyncadd.remote.s32 @p0 $0x1;
	_ =	sdelay $0x1  }
0xb2: {  	s7 =	simm.s32 @p0 $0x1B8D  }
0xb3: {  	_ =	swait.eq @p0 [sflag:s7], $0x1  }
0xb4: {  	[sflag:s7] =	ssyncadd.s32 @p0 $0xFFFFFFFF  }
0xb5: {  	s8 =	sshll.u32 @!p0 s1, $0xE  }
0xb6: {  	s8 =	sor.u32 @!p0 $0x4000, s8;
	s7 =	simm.s32 @!p0 $0x1B8D  }
0xb7: {  	s6 =	sshll.u32 @!p0 s6, $0x11;
	s8 =	sadd.s32 @!p0 $0x11B8D, s8;
	_ =	swait.eq @!p0 [sflag:s7], $0x1  }
0xb8: {  	s6 =	sor.u32 @!p0 s6, s8;
	[sflag:s7] =	ssyncadd.s32 @!p0 $0xFFFFFFFF  }
0xb9: {  	s25 =	simm.s32 $0x1B8E;
	s24 =	sld [smem:$0x3FFE];
	[sflag:s6] =	ssyncadd.remote.s32 @!p0 $0x1  }
0xba: {  	s26 =	simm.s32 $execute0_lowered;
	[smem:$0x3FD2] =	sst s25  }
0xbb: {  	s7 =	sshll.u32 s26, $0x1;
	_ =	strace $0x8000004F;
	[dreg:$0x1] =	wrdreg $0xFFFFFFFF  }
0xbc: {  	s28 =	simm.s32 $_size_execute0_lowered;
	s5 =	sadd.s32 s5, s7;
	[dreg:$0x0] =	wrdreg $0x0  }
0xbd: {  	s7 =	sshll.u32 s28, $0x1;
	[dreg:$0x2] =	wrdreg s5  }
0xbe: {  	[dreg:$0x3] =	wrdreg s7  }
0xbf: {  	[dreg:$0x4] =	wrdreg $0xC0  }
0xc0: {  	_ =	task [dreg:s22], $0x5FFFF  }
0xc1: {  	[dreg:$0x1] =	wrdreg $0xFFFFFFFF  }
0xc2: {  	[dreg:$0x0] =	wrdreg $0x60  }
0xc3: {  	[dreg:$0x2] =	wrdreg s2  }
0xc4: {  	[dreg:$0x3] =	wrdreg s17  }
0xc5: {  	[dreg:$0x4] =	wrdreg s24  }
0xc6: {  	[dreg:$0x5] =	wrdreg $0xA  }
0xc7: {  	_ =	task.clear_ibuf [dreg:s22], $0x6FFFF;
	_ =	strace $0x9000004F  }
0xc8: {  	s29 =	simm.s32 $0xA;
	_ =	strace $0x80000051  }
0xc9: {  	_ =	swait.ge [sflag:s29], $0x1  }
0xca: {  	[sflag:s29] =	ssyncadd.s32 $0xFFFFFFFF  }
0xcb: {  	_ =	strace $0x90000051  }
0xcc: {  	_ =	sfence  }
0xcd: {  	s30 =	sld [smem:$0x0];
	_ =	sdelay $0x2  }
0xce: {  	s31 =	sshll.u32 s1, $0xD;
	s1 =	sshrl.u32 s1, $0x2  }
0xcf: {  	s4 =	sand.u32 $0x4000, s31;
	s1 =	sadd.s32 s1, s30  }
0xd0: {  	s0 =	sor.u32 s4, s0;
	s1 =	sshll.u32 s1, $0x11  }
0xd1: {  	s0 =	sor.u32 s1, s0  }
0xd2: {  	s0 =	sadd.s32 $0x8F2B, s0  }
0xd3: {  	[sflag:s0] =	ssyncadd.remote.s32 $0x1  }
0xd4: {  	_ =	sfence.sel $0xFFFF  }
0xd5: {  	[dreg:$0x0] =	wrdreg $0xFFFFFFFF;
	(pc) =	sbr.abs _section_cstart, $3  }
0xd6: {  	[dreg:$0x1] =	wrdreg $0xFFFFFFFF  }
0xd7: {  	_ =	task.clear_ibuf [dreg:s22], $0x2FFFF;
	_ =	strace $0x9FFFFFFF  }
0xd8: {  	(tm) =	ssettm $0x7FFFFFFF  }
0xd9: {  	_ =	shalt  }
tec
execute0_lowered:
.L_overlay_start_1:
0x0: {  	(tag) =	ssettag $0x1  }
0x1: {  	s1 =	rddreg [dreg:$0x0]  }
0x2: {  	s2 =	rddreg [dreg:$0x1]  }
0x3: {  	s0 =	srdreg.scid;
	s5 =	rddreg [dreg:$0x2];
	s3 =	simm.s32 $0x0  }
0x4: {  	s7 =	stileid.u32;
	s25 =	simm.s32 $0x1400;
	[smem:$0x7FF] =	sst s3  }
0x5: {  	s26 =	simm.s32 $0x1C00;
	_ =	strace $0x80000050;
	[dreg:$0x6] =	wrdreg s25  }
0x6: {  	s9 =	simm.s32 $0x3400;
	s11 =	simm.s32 $0x3C00;
	[dreg:$0x7] =	wrdreg s26  }
0x7: {  	s12 =	simm.s32 $0x4400;
	s13 =	simm.s32 $0x4C00;
	[dreg:$0xa] =	wrdreg s9  }
0x8: {  	s14 =	simm.s32 $0x5400;
	s15 =	simm.s32 $0x5C00;
	[dreg:$0xb] =	wrdreg s11  }
0x9: {  	s16 =	simm.s32 $0x6400;
	s17 =	simm.s32 $0x6C00;
	[dreg:$0xc] =	wrdreg s12  }
0xa: {  	s18 =	simm.s32 $0x7400;
	s19 =	simm.s32 $0x7C00;
	[dreg:$0xd] =	wrdreg s13  }
0xb: {  	s20 =	simm.s32 $0x8400;
	s21 =	simm.s32 $0x9400;
	[dreg:$0xe] =	wrdreg s14  }
0xc: {  	s22 =	simm.s32 $0x9C00;
	s23 =	simm.s32 $0xA400;
	[dreg:$0xf] =	wrdreg s15  }
0xd: {  	s28 =	simm.s32 $0x2;
	s29 =	simm.s32 $0x3;
	[dreg:$0x10] =	wrdreg s16  }
0xe: {  	s30 =	simm.s32 $0x4;
	s31 =	simm.s32 $0x0;
	[dreg:$0x11] =	wrdreg s17  }
0xf: {  	s0 =	sand.u32 $0x1, s0;
	s4 =	smul.u32 $0x140000, s7;
	[dreg:$0x12] =	wrdreg s18  }
0x10: {  	s5 =	sadd.s32 $0x2000, s5;
	s7 =	sshll.u32 s7, $0x1;
	[dreg:$0x13] =	wrdreg s19  }
0x11: {  	s6 =	smul.u32 $0xA0000, s0;
	s8 =	ssub.s32 $0x2, s0;
	[dreg:$0x14] =	wrdreg s20  }
0x12: {  	s0 =	sor.u32 s0, s7;
	s7 =	sadd.s32 $0x300, s1;
	[dreg:$0x15] =	wrdreg s21  }
0x13: {  	s9 =	sadd.s32 $0x500, s1;
	s11 =	sadd.s32 $0x700, s1;
	[dreg:$0x16] =	wrdreg s22  }
0x14: {  	[dreg:$0x17] =	wrdreg s23;
	s25 =	simm.s32 $0xAC00;
	s13 =	simm.s32 $0x5  }
0x15: {  	s26 =	simm.s32 $0xB400;
	s14 =	simm.s32 $0xC00;
	s15 =	simm.s32 $0x8C00  }
0x16: {  	s16 =	simm.s32 $0xBC00;
	s17 =	simm.s32 $0xC400;
	s18 =	simm.s32 $0xCC00  }
0x17: {  	s19 =	simm.s32 $0xD400;
	s20 =	simm.s32 $0xDC00;
	s21 =	simm.s32 $0xE400  }
0x18: {  	s22 =	simm.s32 $0xEC00;
	s23 =	simm.s32 $0xF400;
	[dreg:$0x18] =	wrdreg s25  }
0x19: {  	s10 =	sshrl.u32 s8, $0x1;
	s0 =	smul.u32 $0x180, s0;
	[dreg:$0x19] =	wrdreg s26  }
0x1a: {  	s25 =	simm.s32 $0x10400;
	s26 =	simm.s32 $0x1;
	s4 =	sadd.s32 s6, s4  }
0x1b: {  	s12 =	ssub.s32 s8, s10;
	s6 =	sshrl.u32 s4, $0x3;
	s0 =	sadd.s32 s2, s0  }
0x1c: {  	s4 =	sor.u32 $0x8000, s4;
	s24 =	smax.u32 s12, $0x1;
	[dreg:$0x1a] =	wrdreg s0  }
0x1d: {  	s6 =	sadd.s32 s6, s5;
	s4 =	sshrl.u32 s4, $0x3;
	[dreg:$0x1b] =	wrdreg s24  }
0x1e: {  	s8 =	sadd.s32 $0x400, s1;
	[dreg:$0x4] =	wrdreg s6;
	s4 =	sadd.s32 s4, s5  }
0x1f: {  	v2 =	vlaneseq.u32;
	s10 =	sadd.s32 $0x600, s1;
	s5 =	simm.s32 $0x2400;
	[dreg:$0x5] =	wrdreg s4  }
0x20: {  	vm0 =	vmmov $0xffff;
	v1 =	vshrl.u32 v2, $0x3;
	s24 =	simm.s32 $0xFC00;
	s6 =	simm.s32 $0x2C00;
	[dreg:$0x8] =	wrdreg s5  }
0x21: {  	v0 =	vand.u32 $0x7, v2;
	v2 =	vor.u32 $0x8, v2;
	v1 =	vmul.u32 $0x8, v1;
	[dreg:$0x9] =	wrdreg s6;
	s5 =	sadd.s32 $0x100, s1;
	s6 =	sadd.s32 $0x200, s1  }
.LBB2_1:
0x22: {  	s0 =	rddreg [dreg:$0x1a]  }
0x23: {  	[tilespmem:s3], [sflag:$0x5] =	stream.linear.gather [hbm4b:s0+s3], $0xA00, $0x38;
	[tilespmem:$0x10C00] =	vst v63  }
0x24: {  	_ =	swait.ge [sflag:s13], $0xA00  }
0x25: {  	[sflag:s13] =	ssyncset.done $0x0  }
0x26: {  	s2 =	simm.s32 $0x80;
	s0 =	simm.s32 $0x0;
	[sflag:s13] =	ssyncadd.s32 $0xFFFFF600  }
.LBB2_2:
0x27: {  	v3 =	vld [tilespmem:s2+$0xFFFFFF80];
	_ =	sdelay $0x4  }
0x28: {  	v4 =	vshll.u32 v3, $0x4  }
0x29: {  	v3 =	vand.u32 $0x7, v3;
	v4 =	vand.u32 $0xFFFFFF80, v4  }
0x2a: {  	v3 =	vor.u32 v3, v4  }
0x2b: {  	v4 =	vperm.xlane v3, v0;
	_ =	sdelay $0x1  }
0x2c: {  	v4 =	vadd.s32 v1, v4;
	_ =	sdelay $0x4  }
0x2d: {  	[tilespmem:s14], [sflag:$0x1] =	stream.indirect_vreg.gather [hbm4b:s1+s3], $0x80, v4, vm0, $0xb8;
	[tilespmem:$0x10C00] =	vst v63  }
0x2e: {  	s4 =	rddreg [dreg:$0x6]  }
0x2f: {  	[tilespmem:s4], [sflag:$0x1] =	stream.indirect_vreg.gather [hbm4b:s5+s3], $0x80, v4, vm0, $0xb8;
	[tilespmem:$0x10C00] =	vst v63  }
0x30: {  	s12 =	rddreg [dreg:$0x7]  }
0x31: {  	[tilespmem:s12], [sflag:$0x1] =	stream.indirect_vreg.gather [hbm4b:s6+s3], $0x80, v4, vm0, $0xb8;
	[tilespmem:$0x10C00] =	vst v63  }
0x32: {  	s4 =	rddreg [dreg:$0x8]  }
0x33: {  	[tilespmem:s4], [sflag:$0x1] =	stream.indirect_vreg.gather [hbm4b:s7+s3], $0x80, v4, vm0, $0xb8;
	[tilespmem:$0x10C00] =	vst v63  }
0x34: {  	s12 =	rddreg [dreg:$0x9]  }
0x35: {  	[tilespmem:s12], [sflag:$0x1] =	stream.indirect_vreg.gather [hbm4b:s8+s3], $0x80, v4, vm0, $0xb8;
	[tilespmem:$0x10C00] =	vst v63  }
0x36: {  	v3 =	vperm.xlane v3, v2;
	s4 =	rddreg [dreg:$0xa]  }
0x37: {  	[tilespmem:s4], [sflag:$0x1] =	stream.indirect_vreg.gather [hbm4b:s9+s3], $0x80, v4, vm0, $0xb8;
	[tilespmem:$0x10C00] =	vst v63  }
0x38: {  	v3 =	vadd.s32 v1, v3;
	s12 =	rddreg [dreg:$0xb]  }
0x39: {  	[tilespmem:s12], [sflag:$0x1] =	stream.indirect_vreg.gather [hbm4b:s10+s3], $0x80, v4, vm0, $0xb8;
	[tilespmem:$0x10C00] =	vst v63  }
0x3a: {  	s4 =	rddreg [dreg:$0xc]  }
0x3b: {  	[tilespmem:s4], [sflag:$0x1] =	stream.indirect_vreg.gather [hbm4b:s11+s3], $0x80, v4, vm0, $0xb8;
	[tilespmem:$0x10C00] =	vst v63  }
0x3c: {  	s12 =	rddreg [dreg:$0xd]  }
0x3d: {  	[tilespmem:s12], [sflag:$0x1] =	stream.indirect_vreg.gather [hbm4b:s1+s3], $0x80, v3, vm0, $0xb8;
	[tilespmem:$0x10C00] =	vst v63  }
0x3e: {  	s4 =	rddreg [dreg:$0xe]  }
0x3f: {  	[tilespmem:s4], [sflag:$0x1] =	stream.indirect_vreg.gather [hbm4b:s5+s3], $0x80, v3, vm0, $0xb8;
	[tilespmem:$0x10C00] =	vst v63  }
0x40: {  	s12 =	rddreg [dreg:$0xf]  }
0x41: {  	[tilespmem:s12], [sflag:$0x1] =	stream.indirect_vreg.gather [hbm4b:s6+s3], $0x80, v3, vm0, $0xb8;
	[tilespmem:$0x10C00] =	vst v63  }
0x42: {  	s4 =	rddreg [dreg:$0x10]  }
0x43: {  	[tilespmem:s4], [sflag:$0x1] =	stream.indirect_vreg.gather [hbm4b:s7+s3], $0x80, v3, vm0, $0xb8;
	[tilespmem:$0x10C00] =	vst v63  }
0x44: {  	s12 =	rddreg [dreg:$0x11]  }
0x45: {  	[tilespmem:s12], [sflag:$0x1] =	stream.indirect_vreg.gather [hbm4b:s8+s3], $0x80, v3, vm0, $0xb8;
	[tilespmem:$0x10C00] =	vst v63  }
0x46: {  	s4 =	rddreg [dreg:$0x12]  }
0x47: {  	[tilespmem:s4], [sflag:$0x1] =	stream.indirect_vreg.gather [hbm4b:s9+s3], $0x80, v3, vm0, $0xb8;
	[tilespmem:$0x10C00] =	vst v63  }
0x48: {  	s12 =	rddreg [dreg:$0x13]  }
0x49: {  	[tilespmem:s12], [sflag:$0x1] =	stream.indirect_vreg.gather [hbm4b:s10+s3], $0x80, v3, vm0, $0xb8;
	[tilespmem:$0x10C00] =	vst v63  }
0x4a: {  	s4 =	rddreg [dreg:$0x14]  }
0x4b: {  	[tilespmem:s4], [sflag:$0x1] =	stream.indirect_vreg.gather [hbm4b:s11+s3], $0x80, v3, vm0, $0xb8;
	[tilespmem:$0x10C00] =	vst v63  }
0x4c: {  	v3 =	vld [tilespmem:s2+$0x0];
	_ =	sdelay $0x4  }
0x4d: {  	v63 =	vshll.u32 v3, $0x4  }
0x4e: {  	v3 =	vand.u32 $0x7, v3;
	v4 =	vand.u32 $0xFFFFFF80, v63  }
0x4f: {  	v3 =	vor.u32 v3, v4  }
0x50: {  	v4 =	vperm.xlane v3, v0;
	_ =	sdelay $0x1  }
0x51: {  	v4 =	vadd.s32 v1, v4;
	_ =	sdelay $0x4  }
0x52: {  	[tilespmem:s15], [sflag:$0x2] =	stream.indirect_vreg.gather [hbm4b:s1+s3], $0x80, v4, vm0, $0xb8;
	[tilespmem:$0x10C00] =	vst v63  }
0x53: {  	s4 =	rddreg [dreg:$0x15]  }
0x54: {  	[tilespmem:s4], [sflag:$0x2] =	stream.indirect_vreg.gather [hbm4b:s5+s3], $0x80, v4, vm0, $0xb8;
	[tilespmem:$0x10C00] =	vst v63  }
0x55: {  	s12 =	rddreg [dreg:$0x16]  }
0x56: {  	[tilespmem:s12], [sflag:$0x2] =	stream.indirect_vreg.gather [hbm4b:s6+s3], $0x80, v4, vm0, $0xb8;
	[tilespmem:$0x10C00] =	vst v63  }
0x57: {  	s4 =	rddreg [dreg:$0x17]  }
0x58: {  	[tilespmem:s4], [sflag:$0x2] =	stream.indirect_vreg.gather [hbm4b:s7+s3], $0x80, v4, vm0, $0xb8;
	[tilespmem:$0x10C00] =	vst v63  }
0x59: {  	s12 =	rddreg [dreg:$0x18]  }
0x5a: {  	[tilespmem:s12], [sflag:$0x2] =	stream.indirect_vreg.gather [hbm4b:s8+s3], $0x80, v4, vm0, $0xb8;
	[tilespmem:$0x10C00] =	vst v63  }
0x5b: {  	v3 =	vperm.xlane v3, v2;
	s4 =	rddreg [dreg:$0x19]  }
0x5c: {  	[tilespmem:s4], [sflag:$0x2] =	stream.indirect_vreg.gather [hbm4b:s9+s3], $0x80, v4, vm0, $0xb8;
	[tilespmem:$0x10C00] =	vst v63  }
0x5d: {  	v3 =	vadd.s32 v1, v3  }
0x5e: {  	[tilespmem:s16], [sflag:$0x2] =	stream.indirect_vreg.gather [hbm4b:s10+s3], $0x80, v4, vm0, $0xb8;
	[tilespmem:$0x10C00] =	vst v63  }
0x5f: {  	_ = 	snop  }
0x60: {  	[tilespmem:s17], [sflag:$0x2] =	stream.indirect_vreg.gather [hbm4b:s11+s3], $0x80, v4, vm0, $0xb8;
	[tilespmem:$0x10C00] =	vst v63  }
0x61: {  	_ = 	snop  }
0x62: {  	[tilespmem:s18], [sflag:$0x2] =	stream.indirect_vreg.gather [hbm4b:s1+s3], $0x80, v3, vm0, $0xb8;
	[tilespmem:$0x10C00] =	vst v63  }
0x63: {  	_ = 	snop  }
0x64: {  	[tilespmem:s19], [sflag:$0x2] =	stream.indirect_vreg.gather [hbm4b:s5+s3], $0x80, v3, vm0, $0xb8;
	[tilespmem:$0x10C00] =	vst v63  }
0x65: {  	_ = 	snop  }
0x66: {  	[tilespmem:s20], [sflag:$0x2] =	stream.indirect_vreg.gather [hbm4b:s6+s3], $0x80, v3, vm0, $0xb8;
	[tilespmem:$0x10C00] =	vst v63  }
0x67: {  	_ = 	snop  }
0x68: {  	[tilespmem:s21], [sflag:$0x2] =	stream.indirect_vreg.gather [hbm4b:s7+s3], $0x80, v3, vm0, $0xb8;
	[tilespmem:$0x10C00] =	vst v63  }
0x69: {  	_ = 	snop  }
0x6a: {  	[tilespmem:s22], [sflag:$0x2] =	stream.indirect_vreg.gather [hbm4b:s8+s3], $0x80, v3, vm0, $0xb8;
	[tilespmem:$0x10C00] =	vst v63  }
0x6b: {  	_ = 	snop  }
0x6c: {  	[tilespmem:s23], [sflag:$0x2] =	stream.indirect_vreg.gather [hbm4b:s9+s3], $0x80, v3, vm0, $0xb8;
	[tilespmem:$0x10C00] =	vst v63  }
0x6d: {  	_ = 	snop  }
0x6e: {  	[tilespmem:s24], [sflag:$0x2] =	stream.indirect_vreg.gather [hbm4b:s10+s3], $0x80, v3, vm0, $0xb8;
	[tilespmem:$0x10C00] =	vst v63  }
0x6f: {  	_ = 	snop  }
0x70: {  	[tilespmem:s25], [sflag:$0x2] =	stream.indirect_vreg.gather [hbm4b:s11+s3], $0x80, v3, vm0, $0xb8;
	[tilespmem:$0x10C00] =	vst v63  }
0x71: {  	_ =	swait.ge [sflag:s26], $0x8000  }
0x72: {  	s12 =	rddreg [dreg:$0x4];
	[sflag:s26] =	ssyncset.done $0x0  }
0x73: {  	[sflag:s26] =	ssyncadd.s32 $0xFFFF8000;
	s4 =	sadd.s32 s0, s12  }
0x74: {  	[hbm4b:s4+s3] =	stream.linear.scatter [tilespmem:s14], [sflag:$0x3], $0x8000, $0x38;
	[tilespmem:$0x10C00] =	vst v63  }
0x75: {  	_ =	swait.ge [sflag:s28], $0x8000  }
0x76: {  	s12 =	rddreg [dreg:$0x5];
	[sflag:s28] =	ssyncset.done $0x0  }
0x77: {  	[sflag:s28] =	ssyncadd.s32 $0xFFFF8000;
	s4 =	sadd.s32 s0, s12  }
0x78: {  	[hbm4b:s4+s3] =	stream.linear.scatter [tilespmem:s15], [sflag:$0x4], $0x8000, $0x38;
	[tilespmem:$0x10C00] =	vst v63  }
0x79: {  	p0 =	sne.s32 s0, $0x12000;
	_ =	swait.ge [sflag:s29], $0x8000  }
.Ltmp0:
0x7a: {  	[sflag:s29] =	ssyncset.done $0x0;
	(pc) =	sbr.rel @p0 .LBB2_2-.Ltmp0, $4  }
0x7b: {  	[sflag:s29] =	ssyncadd.s32 $0xFFFF8000  }
0x7c: {  	_ =	swait.ge [sflag:s30], $0x8000  }
0x7d: {  	[sflag:s30] =	ssyncset.done $0x0  }
0x7e: {  	s2 =	sadd.s32 $0x100, s2;
	s0 =	sadd.s32 $0x2000, s0;
	[sflag:s30] =	ssyncadd.s32 $0xFFFF8000  }
0x7f: {  	s31 =	sadd.s32 $0x1, s31;
	s0 =	rddreg [dreg:$0x1b]  }
0x80: {  	p0 =	sne.s32 s31, s0  }
.Ltmp1:
0x81: {  	_ = 	snop;
	(pc) =	sbr.rel @p0 .LBB2_1-.Ltmp1, $1  }
0x82: {  	_ =	sdelay $0x3  }
0x83: {  	_ =	sfence.sel $0x180000  }
0x84: {  	[bflag:$0x0] =	sbarrier.arrive $0xFFFF  }
0x85: {  	_ =	strace $0x90000050  }
0x86: {  	s0 =	stileid.u32;
	[bflag:$0x2] =	sbarrier.arrive $0xFFFF  }
0x87: {  	p0 =	sne.s32 s0, $0x0;
	s0 =	rddreg [dreg:$0x3]  }
0x88: {  	s0 =	sadd.s32 @!p0 $0x100000, s0  }
0x89: {  	[sflag:s0] =	ssyncadd.tile.s32 @!p0 $0x1;
	_ =	shalt  }
.Lfunc_end2:
_tile_overlayer_lowered:
.L_overlay_start_2:
0x8a: {  	(tag) =	ssettag $0x2  }
0x8b: {  	s0 =	rddreg [dreg:$0x0];
	s2 =	stileid.u32  }
0x8c: {  	s1 =	rddreg [dreg:$0x1];
	p0 =	sne.s32 s2, $0x0  }
0x8d: {  	s3 =	rddreg [dreg:$0x2];
	[bflag:$0x3] =	sbarrier.arrive $0xFFFF;
	s2 =	simm.s32 @!p0 $0x1C05  }
0x8e: {  	[timem:s3], [sflag:s2] =	dma.local @!p0 [hbm:s0], s1  }
0x8f: {  	s0 =	simm.s32 @!p0 $0x5  }
0x90: {  	_ =	swait.ge @!p0 [sflag:s0], s1  }
0x91: {  	s1 =	ssub.s32 @!p0 $0x0, s1;
	[sflag:s0] =	ssyncset.done @!p0 $0x0  }
0x92: {  	[sflag:s0] =	ssyncadd.s32 @!p0 s1  }
0x93: {  	[bflag:$0x3] =	sbarrier.arrive $0xFFFF  }
0x94: {  	_ =	shalt  }

// kernel: kernel.9.cloned.1.call-start
scs
__scs_entry_jumppad:
0x0: {  	(pc) =	sbr.rel $0x88, $3  }
0x1: {  	(tag) =	ssettag $0x0;
	lr =	simm.s32 $0x1  }
0x2: {  	[smem:$0x3F9C] =	sst lr;
	_ =	strace $0xD0000000  }
0x3: {  	_ = 	snop  }
0x4: {  	_ = 	snop  }
0x5: {  	_ = 	snop  }
0x6: {  	_ = 	snop  }
0x7: {  	_ = 	snop  }
__scs_overlays_trampoline_lowered:
0x8: {  	[smem:$0x3FAB] =	sst s0  }
0x9: {  	[smem:$0x3FAC] =	sst s1  }
0xa: {  	[smem:$0x3FAD] =	sst s2  }
0xb: {  	[smem:$0x3FAE] =	sst s3  }
0xc: {  	[smem:$0x3FAF] =	sst s4  }
0xd: {  	[smem:$0x3FB0] =	sst s5  }
0xe: {  	[smem:$0x3FB1] =	sst s6  }
0xf: {  	[smem:$0x3FB2] =	sst s7  }
0x10: {  	[smem:$0x3FB3] =	sst s8  }
0x11: {  	[smem:$0x3FB4] =	sst s9;
	s0 =	simm.s32 @!p0 $0x0  }
0x12: {  	s1 =	sld [smem:$0x3F9A];
	s0 =	simm.s32 @p0 $0x1  }
0x13: {  	[smem:$0x3FB5] =	sst s0;
	s0 =	simm.s32 @!p1 $0x0  }
0x14: {  	s2 =	sld [smem:$0x3F99];
	s0 =	simm.s32 @p1 $0x1  }
0x15: {  	[smem:$0x3FB6] =	sst s0;
	s0 =	simm.s32 @!p2 $0x0  }
0x16: {  	s3 =	sld [smem:$0x3FDB];
	s0 =	simm.s32 @p2 $0x1  }
0x17: {  	s4 =	simm.s32 $0x1BF5;
	[smem:$0x3FB8] =	sst s0  }
0x18: {  	s0 =	sld [smem:$0x3F9B];
	_ =	swait.ge [sflag:s4], $0x0  }
0x19: {  	s7 =	sld [smem:$0x3F9C]  }
0x1a: {  	s8 =	sadd.s32 $0xFFFFE003, lr  }
0x1b: {  	s9 =	sadd.s32 $0xFFFFFEF7, lr;
	s5 =	simm.s32 $0xFFFFFFFF;
	p2 =	slt.u32 s8, $0xFFFFF086  }
0x1c: {  	p1 =	slt.u32 s9, $0xF7A;
	s5 =	simm.s32 @!p2 $0x0  }
0x1d: {  	s5 =	simm.s32 @p1 $0x1;
	p0 =	seq.s32 s7, s2  }
0x1e: {  	s7 =	smul.u32 @!p0 $0xF7A, s2;
	p2 =	seq.s32 @!p0 s5, $0x0  }
0x1f: {  	s9 =	smul.u32 $0xF7A, s1;
	s8 =	simm.s32 @!p0 $0x1BF5;
	p2 =	por !p2, p0  }
0x20: {  	[sflag:s8] =	ssyncset.s32 @!p0 $0xFFFFF086;
	s6 =	sadd.s32 @!p0 s3, s7;
	s7 =	simm.s32 @!p0 $0x108  }
0x21: {  	s3 =	sadd.s32 s3, s9;
	s6 =	sadd.s32 @!p0 $0x88, s6;
	s7 =	simm.s32 @p2 $0x1082  }
0x22: {  	[simem:s7], [sflag:s8] =	dma.local @!p0 [hbm:s6], $0xF7A  }
0x23: {  	s9 =	sor.u32 $0xD0000000, s2;
	s6 =	simm.s32 $0x108;
	_ =	swait.ge @!p0 [sflag:s8], $0x0  }
0x24: {  	s3 =	sadd.s32 $0x88, s3;
	s6 =	simm.s32 @!p1 $0x1082;
	[sflag:s4] =	ssyncset.s32 $0xFFFFF086  }
0x25: {  	[simem:s6], [sflag:s4] =	dma.local [hbm:s3], $0xF7A  }
0x26: {  	[smem:$0x3F9C] =	sst s1;
	(tag) =	ssettag s2;
	_ =	strace s9  }
0x27: {  	s1 =	sld [smem:$0x3FAC]  }
0x28: {  	s2 =	sld [smem:$0x3FAD]  }
0x29: {  	s4 =	sld [smem:$0x3FAF]  }
0x2a: {  	p0 =	seq.s32 s5, $0x0;
	s5 =	sld [smem:$0x3FB0]  }
0x2b: {  	s6 =	sld [smem:$0x3FB1]  }
0x2c: {  	s7 =	sld [smem:$0x3FB2]  }
0x2d: {  	s3 =	simm.s32 $0x108;
	s8 =	sld [smem:$0x3FB3]  }
0x2e: {  	s3 =	simm.s32 @!p0 $0x1082;
	s9 =	sld [smem:$0x3FB4]  }
0x2f: {  	lr =	sadd.s32 s0, s3;
	s0 =	sld [smem:$0x3FAB]  }
0x30: {  	s3 =	sld [smem:$0x3FAE]  }
0x31: {  	[smem:$0x3FB7] =	sst s10  }
0x32: {  	s10 =	sld [smem:$0x3FB5];
	_ =	sdelay $0x3  }
0x33: {  	p0 =	seq.s32 s10, $0x1;
	s10 =	sld [smem:$0x3FB7];
	_ =	sdelay $0x3  }
0x34: {  	[smem:$0x3FB7] =	sst s10  }
0x35: {  	s10 =	sld [smem:$0x3FB6];
	_ =	sdelay $0x3  }
0x36: {  	p1 =	seq.s32 s10, $0x1;
	s10 =	sld [smem:$0x3FB7];
	_ =	sdelay $0x3  }
0x37: {  	[smem:$0x3FB7] =	sst s10  }
0x38: {  	s10 =	sld [smem:$0x3FB8]  }
0x39: {  	_ = 	snop;
	(pc) =	sbr.ind lr, $3  }
0x3a: {  	_ = 	snop  }
0x3b: {  	_ = 	snop  }
0x3c: {  	p2 =	seq.s32 s10, $0x1;
	s10 =	sld [smem:$0x3FB7]  }
0x3d: {  	_ =	shalt  }
0x3e: {  	_ =	shalt  }
0x3f: {  	_ =	shalt  }
0x40: {  	_ =	shalt  }
0x41: {  	_ =	shalt  }
0x42: {  	_ =	shalt  }
0x43: {  	_ =	shalt  }
0x44: {  	_ =	shalt  }
0x45: {  	_ =	shalt  }
0x46: {  	_ =	shalt  }
0x47: {  	_ =	shalt  }
0x48: {  	_ =	shalt  }
0x49: {  	_ =	shalt  }
0x4a: {  	_ =	shalt  }
0x4b: {  	_ =	shalt  }
0x4c: {  	_ =	shalt  }
0x4d: {  	_ =	shalt  }
0x4e: {  	_ =	shalt  }
0x4f: {  	_ =	shalt  }
0x50: {  	_ =	shalt  }
0x51: {  	_ =	shalt  }
0x52: {  	_ =	shalt  }
0x53: {  	_ =	shalt  }
0x54: {  	_ =	shalt  }
0x55: {  	_ =	shalt  }
0x56: {  	_ =	shalt  }
0x57: {  	_ =	shalt  }
0x58: {  	_ =	shalt  }
0x59: {  	_ =	shalt  }
0x5a: {  	_ =	shalt  }
0x5b: {  	_ =	shalt  }
0x5c: {  	_ =	shalt  }
0x5d: {  	_ =	shalt  }
0x5e: {  	_ =	shalt  }
0x5f: {  	_ =	shalt  }
0x60: {  	_ =	shalt  }
0x61: {  	_ =	shalt  }
0x62: {  	_ =	shalt  }
0x63: {  	_ =	shalt  }
0x64: {  	_ =	shalt  }
0x65: {  	_ =	shalt  }
0x66: {  	_ =	shalt  }
0x67: {  	_ =	shalt  }
0x68: {  	_ =	shalt  }
0x69: {  	_ =	shalt  }
0x6a: {  	_ =	shalt  }
0x6b: {  	_ =	shalt  }
0x6c: {  	_ =	shalt  }
0x6d: {  	_ =	shalt  }
0x6e: {  	_ =	shalt  }
0x6f: {  	_ =	shalt  }
0x70: {  	_ =	shalt  }
0x71: {  	_ =	shalt  }
0x72: {  	_ =	shalt  }
0x73: {  	_ =	shalt  }
0x74: {  	_ =	shalt  }
0x75: {  	_ =	shalt  }
0x76: {  	_ =	shalt  }
0x77: {  	_ =	shalt  }
0x78: {  	_ =	shalt  }
0x79: {  	_ =	shalt  }
0x7a: {  	_ =	shalt  }
0x7b: {  	_ =	shalt  }
0x7c: {  	_ =	shalt  }
0x7d: {  	_ =	shalt  }
0x7e: {  	_ =	shalt  }
0x7f: {  	_ =	shalt  }
0x80: {  	_ =	shalt  }
0x81: {  	_ =	shalt  }
0x82: {  	_ =	shalt  }
0x83: {  	_ =	shalt  }
0x84: {  	_ =	shalt  }
0x85: {  	_ =	shalt  }
0x86: {  	_ =	shalt  }
0x87: {  	_ =	shalt  }
.Lfunc_end0:
.L_simem_size_0:
called_computation.4_lowered:
.L_overlay_start_0:
0x88: {  	s2 =	sld [smem:$0x3FD9]  }
0x89: {  	s3 =	sld [smem:$0x3FFE];
	_ =	sdelay $0x1  }
0x8a: {  	s1 =	srdreg.scid  }
0x8b: {  	s0 =	sand.u32 $0x1, s1  }
0x8c: {  	s14 =	sshll.u32 s0, $0xA;
	s2 =	sadd.s32 s3, s2  }
0x8d: {  	s2 =	sadd.s32 s2, s14  }
0x8e: {  	[smem:$0x3FC3] =	sst s2  }
0x8f: {  	_ = 	snop  }
0x90: {  	s2 =	sld [smem:$0x3FD0];
	_ =	sdelay $0x2  }
0x91: {  	s15 =	simm.s32 $0xB;
	s4 =	simm.s32 $0x10  }
0x92: {  	[smem:s4], [sflag:s15] =	dma.local [hbm:s2], $0x1  }
0x93: {  	_ =	swait.eq [sflag:s15], $0x1  }
0x94: {  	[sflag:s15] =	ssyncset.done $0x0  }
0x95: {  	[sflag:s15] =	ssyncadd.s32 $0xFFFFFFFF  }
0x96: {  	s16 =	sld [smem:$0x10];
	(tm) =	ssettm $0x1  }
0x97: {  	s17 =	sld [smem:$0x3FFB];
	_ =	sdelay $0x3  }
0x98: {  	_ =	strace s17  }
0x99: {  	s3 =	sld [smem:$0x3FFC];
	_ =	sdelay $0x3  }
0x9a: {  	_ =	strace s3  }
0x9b: {  	s3 =	sld [smem:$0x3FFD];
	_ =	sdelay $0x3  }
0x9c: {  	_ =	strace s3  }
0x9d: {  	_ =	strace $0x8FFFFFFF  }
0x9e: {  	s18 =	sld [smem:$0x3FDB];
	_ =	sdelay $0x1  }
0x9f: {  	s19 =	simm.s32 $_scs_section_size  }
0xa0: {  	s5 =	simm.s32 $_size__tile_overlayer_lowered;
	s6 =	simm.s32 $_tile_overlayer_lowered  }
0xa1: {  	s22 =	simm.s32 $0x1BFF;
	s21 =	sshll.u32 s6, $0x1;
	s3 =	sadd.s32 s19, s18  }
0xa2: {  	s7 =	simm.s32 $0x0;
	s20 =	sshll.u32 s5, $0x1;
	s5 =	sadd.s32 s21, s3  }
0xa3: {  	[timem:s7], [sflag:s22] =	dma.local [hbm:s5], s20  }
0xa4: {  	_ =	swait.ge [sflag:s22], s20  }
0xa5: {  	s4 =	ssub.s32 $0x0, s20;
	[sflag:s22] =	ssyncset.done $0x0  }
0xa6: {  	[sflag:s22] =	ssyncadd.s32 s4;
	_ =	sdelay $0x1  }
0xa7: {  	s23 =	simm.s32 $0x1B8B  }
0xa8: {  	_ =	swait.ge [sflag:s23], $0x1  }
0xa9: {  	[sflag:s23] =	ssyncset.done $0x0  }
0xaa: {  	s25 =	simm.s32 $0x1B8E;
	s24 =	sld [smem:$0x3FFE];
	[sflag:s23] =	ssyncadd.s32 $0xFFFFFFFF  }
0xab: {  	s26 =	simm.s32 $execute0_lowered;
	[smem:$0x3FD2] =	sst s25  }
0xac: {  	s5 =	sshll.u32 s26, $0x1;
	_ =	strace $0x80000052;
	[dreg:$0x1] =	wrdreg $0xFFFFFFFF  }
0xad: {  	s28 =	simm.s32 $_size_execute0_lowered;
	s3 =	sadd.s32 s3, s5;
	[dreg:$0x0] =	wrdreg $0x0  }
0xae: {  	s5 =	sshll.u32 s28, $0x1;
	[dreg:$0x2] =	wrdreg s3  }
0xaf: {  	[dreg:$0x3] =	wrdreg s5  }
0xb0: {  	[dreg:$0x4] =	wrdreg $0xC0  }
0xb1: {  	_ =	task [dreg:s7], $0x5FFFF  }
0xb2: {  	[dreg:$0x1] =	wrdreg $0xFFFFFFFF  }
0xb3: {  	[dreg:$0x0] =	wrdreg $0x60  }
0xb4: {  	[dreg:$0x2] =	wrdreg s24  }
0xb5: {  	[dreg:$0x3] =	wrdreg s16  }
0xb6: {  	[dreg:$0x4] =	wrdreg $0x9  }
0xb7: {  	_ =	task.clear_ibuf [dreg:s7], $0x5FFFF;
	_ =	strace $0x90000052  }
0xb8: {  	s29 =	simm.s32 $0x9;
	_ =	strace $0x80000054  }
0xb9: {  	_ =	swait.ge [sflag:s29], $0x1  }
0xba: {  	[sflag:s29] =	ssyncadd.s32 $0xFFFFFFFF  }
0xbb: {  	_ =	strace $0x90000054  }
0xbc: {  	_ =	sfence  }
0xbd: {  	s30 =	sld [smem:$0x0];
	_ =	sdelay $0x2  }
0xbe: {  	s31 =	sshll.u32 s1, $0xD;
	s1 =	sshrl.u32 s1, $0x2  }
0xbf: {  	s3 =	sand.u32 $0x4000, s31;
	s1 =	sadd.s32 s1, s30  }
0xc0: {  	s0 =	sor.u32 s3, s0;
	s1 =	sshll.u32 s1, $0x11  }
0xc1: {  	s0 =	sor.u32 s1, s0  }
0xc2: {  	s0 =	sadd.s32 $0x8F2B, s0  }
0xc3: {  	[sflag:s0] =	ssyncadd.remote.s32 $0x1  }
0xc4: {  	_ =	sfence.sel $0xFFFF  }
0xc5: {  	[dreg:$0x0] =	wrdreg $0xFFFFFFFF;
	(pc) =	sbr.abs _section_cstart, $3  }
0xc6: {  	[dreg:$0x1] =	wrdreg $0xFFFFFFFF  }
0xc7: {  	_ =	task.clear_ibuf [dreg:s7], $0x2FFFF;
	_ =	strace $0x9FFFFFFF  }
0xc8: {  	(tm) =	ssettm $0x7FFFFFFF  }
0xc9: {  	_ =	shalt  }
tec
execute0_lowered:
.L_overlay_start_1:
0x0: {  	(tag) =	ssettag $0x1  }
0x1: {  	s0 =	rddreg [dreg:$0x0]  }
0x2: {  	s1 =	srdreg.scid;
	s3 =	stileid.u32  }
0x3: {  	s2 =	rddreg [dreg:$0x1];
	s5 =	simm.s32 $0x0;
	s17 =	simm.s32 $0x1000  }
0x4: {  	s16 =	simm.s32 $0x5000;
	s28 =	simm.s32 $0x10800;
	s29 =	simm.s32 $0x1  }
0x5: {  	s30 =	simm.s32 $0x3;
	s31 =	simm.s32 $0x2;
	[smem:$0x7FF] =	sst s5  }
0x6: {  	s23 =	simm.s32 $0x0;
	s7 =	sadd.s32 $0x886400, s0;
	s8 =	sadd.s32 $0x886500, s0  }
0x7: {  	s1 =	sand.u32 $0x1, s1;
	s9 =	sadd.s32 $0x886600, s0;
	s10 =	sadd.s32 $0x886700, s0  }
0x8: {  	s3 =	sshll.u32 s3, $0x1;
	s11 =	sadd.s32 $0x886800, s0;
	s12 =	sadd.s32 $0x886900, s0  }
0x9: {  	s4 =	sor.u32 s1, s3;
	_ =	strace $0x80000053;
	s1 =	ssub.s32 $0x2, s1  }
0xa: {  	s3 =	sadd.s32 $0x886200, s0;
	s24 =	sshll.u32 s4, $0x8;
	s25 =	sshrl.u32 s1, $0x1  }
0xb: {  	s4 =	sshll.u32 s4, $0xF;
	s5 =	sadd.s32 s24, s0;
	s1 =	ssub.s32 s1, s25  }
0xc: {  	s13 =	sadd.s32 s2, s4;
	s24 =	simm.s32 $0xF000;
	s6 =	sadd.s32 $0x882200, s5  }
0xd: {  	s25 =	simm.s32 $0xF800;
	s5 =	sadd.s32 $0x884200, s5;
	[dreg:$0x3] =	wrdreg s6  }
0xe: {  	v0 =	vlaneseq.u32;
	s4 =	simm.s32 $0x6;
	s26 =	smax.u32 s1, $0x1;
	[dreg:$0x4] =	wrdreg s5  }
0xf: {  	v1 =	vshrl.u32 v0, $0x3;
	s1 =	simm.s32 $0x4;
	s6 =	sadd.s32 $0x886300, s0;
	[dreg:$0x5] =	wrdreg s26  }
0x10: {  	vm0 =	vmmov $0xffff;
	v0 =	vand.u32 $0x7, v0;
	v1 =	vmul.u32 $0x8, v1;
	s26 =	simm.s32 $0x10000;
	s0 =	simm.s32 $0x5;
	s5 =	simm.s32 $0x0  }
.LBB2_1:
0x11: {  	[dreg:$0x6] =	wrdreg s5  }
0x12: {  	s2 =	simm.s32 $0x0;
	s21 =	rddreg [dreg:$0x3];
	s14 =	simm.s32 $0x7  }
0x13: {  	[tilespmem:s2], [sflag:$0x7] =	stream.linear.gather [hbm4b:s21+s2], $0x800, $0x38;
	[tilespmem:$0x11000] =	vst v63  }
0x14: {  	_ =	swait.ge [sflag:s14], $0x800  }
0x15: {  	[sflag:s14] =	ssyncset.done $0x0  }
0x16: {  	s15 =	simm.s32 $0x800;
	s22 =	rddreg [dreg:$0x4];
	[sflag:s14] =	ssyncadd.s32 $0xFFFFF800  }
0x17: {  	[tilespmem:s15], [sflag:$0x7] =	stream.linear.gather [hbm4b:s22+s2], $0x800, $0x38;
	[tilespmem:$0x11000] =	vst v63  }
0x18: {  	_ =	swait.ge [sflag:s14], $0x800  }
0x19: {  	[sflag:s14] =	ssyncset.done $0x0  }
0x1a: {  	s5 =	simm.s32 $0x0;
	[sflag:s14] =	ssyncadd.s32 $0xFFFFF800  }
.LBB2_2:
0x1b: {  	s2 =	sshll.u32 s5, $0x8  }
0x1c: {  	v2 =	vld.msk [tilespmem:s2+$0x0], $0xff;
	_ =	sdelay $0x4  }
0x1d: {  	v3 =	vshll.u32 v2, $0x4  }
0x1e: {  	v2 =	vand.u32 $0x7, v2;
	v3 =	vand.u32 $0xFFFFFF80, v3  }
0x1f: {  	v2 =	vor.u32 v2, v3  }
0x20: {  	v2 =	vperm.xlane v2, v0;
	_ =	sdelay $0x1  }
0x21: {  	v2 =	vadd.s32 v1, v2;
	_ =	sdelay $0x3  }
0x22: {  	s15 =	simm.s32 $0x0  }
0x23: {  	[tilespmem:s17], [sflag:$0x1] =	stream.indirect_vreg.gather [hbm4b:s3+s15], $0x80, v2, vm0, $0xb8;
	[tilespmem:$0x11000] =	vst v63  }
0x24: {  	s14 =	simm.s32 $0x1800  }
0x25: {  	[tilespmem:s14], [sflag:$0x1] =	stream.indirect_vreg.gather [hbm4b:s6+s15], $0x80, v2, vm0, $0xb8;
	[tilespmem:$0x11000] =	vst v63  }
0x26: {  	s18 =	simm.s32 $0x2000  }
0x27: {  	[tilespmem:s18], [sflag:$0x1] =	stream.indirect_vreg.gather [hbm4b:s7+s15], $0x80, v2, vm0, $0xb8;
	[tilespmem:$0x11000] =	vst v63  }
0x28: {  	s19 =	simm.s32 $0x2800  }
0x29: {  	[tilespmem:s19], [sflag:$0x1] =	stream.indirect_vreg.gather [hbm4b:s8+s15], $0x80, v2, vm0, $0xb8;
	[tilespmem:$0x11000] =	vst v63  }
0x2a: {  	s20 =	simm.s32 $0x3000  }
0x2b: {  	[tilespmem:s20], [sflag:$0x1] =	stream.indirect_vreg.gather [hbm4b:s9+s15], $0x80, v2, vm0, $0xb8;
	[tilespmem:$0x11000] =	vst v63  }
0x2c: {  	s21 =	simm.s32 $0x3800  }
0x2d: {  	[tilespmem:s21], [sflag:$0x1] =	stream.indirect_vreg.gather [hbm4b:s10+s15], $0x80, v2, vm0, $0xb8;
	[tilespmem:$0x11000] =	vst v63  }
0x2e: {  	s22 =	simm.s32 $0x4000  }
0x2f: {  	[tilespmem:s22], [sflag:$0x1] =	stream.indirect_vreg.gather [hbm4b:s11+s15], $0x80, v2, vm0, $0xb8;
	[tilespmem:$0x11000] =	vst v63  }
0x30: {  	s18 =	simm.s32 $0x4800  }
0x31: {  	[tilespmem:s18], [sflag:$0x1] =	stream.indirect_vreg.gather [hbm4b:s12+s15], $0x80, v2, vm0, $0xb8;
	[tilespmem:$0x11000] =	vst v63  }
0x32: {  	v2 =	vld.msk [tilespmem:s2+$0x800], $0xff;
	_ =	sdelay $0x4  }
0x33: {  	v3 =	vshll.u32 v2, $0x4  }
0x34: {  	v2 =	vand.u32 $0x7, v2;
	v3 =	vand.u32 $0xFFFFFF80, v3  }
0x35: {  	v2 =	vor.u32 v2, v3  }
0x36: {  	v2 =	vperm.xlane v2, v0;
	_ =	sdelay $0x1  }
0x37: {  	v2 =	vadd.s32 v1, v2;
	_ =	sdelay $0x3  }
0x38: {  	s19 =	simm.s32 $0x9000  }
0x39: {  	[tilespmem:s19], [sflag:$0x3] =	stream.indirect_vreg.gather [hbm4b:s3+s15], $0x80, v2, vm0, $0xb8;
	[tilespmem:$0x11000] =	vst v63  }
0x3a: {  	s20 =	simm.s32 $0x9800  }
0x3b: {  	[tilespmem:s20], [sflag:$0x3] =	stream.indirect_vreg.gather [hbm4b:s6+s15], $0x80, v2, vm0, $0xb8;
	[tilespmem:$0x11000] =	vst v63  }
0x3c: {  	s21 =	simm.s32 $0xA000  }
0x3d: {  	[tilespmem:s21], [sflag:$0x3] =	stream.indirect_vreg.gather [hbm4b:s7+s15], $0x80, v2, vm0, $0xb8;
	[tilespmem:$0x11000] =	vst v63  }
0x3e: {  	s22 =	simm.s32 $0xA800  }
0x3f: {  	[tilespmem:s22], [sflag:$0x3] =	stream.indirect_vreg.gather [hbm4b:s8+s15], $0x80, v2, vm0, $0xb8;
	[tilespmem:$0x11000] =	vst v63  }
0x40: {  	s14 =	simm.s32 $0xB000  }
0x41: {  	[tilespmem:s14], [sflag:$0x3] =	stream.indirect_vreg.gather [hbm4b:s9+s15], $0x80, v2, vm0, $0xb8;
	[tilespmem:$0x11000] =	vst v63  }
0x42: {  	s18 =	simm.s32 $0xB800  }
0x43: {  	[tilespmem:s18], [sflag:$0x3] =	stream.indirect_vreg.gather [hbm4b:s10+s15], $0x80, v2, vm0, $0xb8;
	[tilespmem:$0x11000] =	vst v63  }
0x44: {  	s19 =	simm.s32 $0xC000;
	s14 =	sshllo.u32 s5, $0x1  }
0x45: {  	[tilespmem:s19], [sflag:$0x3] =	stream.indirect_vreg.gather [hbm4b:s11+s15], $0x80, v2, vm0, $0xb8;
	[tilespmem:$0x11000] =	vst v63  }
0x46: {  	s20 =	simm.s32 $0xC800;
	s2 =	sshll.u32 s14, $0x7  }
0x47: {  	[tilespmem:s20], [sflag:$0x3] =	stream.indirect_vreg.gather [hbm4b:s12+s15], $0x80, v2, vm0, $0xb8;
	[tilespmem:$0x11000] =	vst v63  }
0x48: {  	v2 =	vld.msk [tilespmem:s2+$0x0], $0xff;
	_ =	sdelay $0x4  }
0x49: {  	v3 =	vshll.u32 v2, $0x4  }
0x4a: {  	v2 =	vand.u32 $0x7, v2;
	v3 =	vand.u32 $0xFFFFFF80, v3  }
0x4b: {  	v2 =	vor.u32 v2, v3  }
0x4c: {  	v2 =	vperm.xlane v2, v0;
	_ =	sdelay $0x1  }
0x4d: {  	v2 =	vadd.s32 v1, v2;
	_ =	sdelay $0x4  }
0x4e: {  	[tilespmem:s16], [sflag:$0x2] =	stream.indirect_vreg.gather [hbm4b:s3+s15], $0x80, v2, vm0, $0xb8;
	[tilespmem:$0x11000] =	vst v63  }
0x4f: {  	s18 =	simm.s32 $0x5800  }
0x50: {  	[tilespmem:s18], [sflag:$0x2] =	stream.indirect_vreg.gather [hbm4b:s6+s15], $0x80, v2, vm0, $0xb8;
	[tilespmem:$0x11000] =	vst v63  }
0x51: {  	s21 =	simm.s32 $0x6000  }
0x52: {  	[tilespmem:s21], [sflag:$0x2] =	stream.indirect_vreg.gather [hbm4b:s7+s15], $0x80, v2, vm0, $0xb8;
	[tilespmem:$0x11000] =	vst v63  }
0x53: {  	s22 =	simm.s32 $0x6800  }
0x54: {  	[tilespmem:s22], [sflag:$0x2] =	stream.indirect_vreg.gather [hbm4b:s8+s15], $0x80, v2, vm0, $0xb8;
	[tilespmem:$0x11000] =	vst v63  }
0x55: {  	s19 =	simm.s32 $0x7000  }
0x56: {  	[tilespmem:s19], [sflag:$0x2] =	stream.indirect_vreg.gather [hbm4b:s9+s15], $0x80, v2, vm0, $0xb8;
	[tilespmem:$0x11000] =	vst v63  }
0x57: {  	s20 =	simm.s32 $0x7800  }
0x58: {  	[tilespmem:s20], [sflag:$0x2] =	stream.indirect_vreg.gather [hbm4b:s10+s15], $0x80, v2, vm0, $0xb8;
	[tilespmem:$0x11000] =	vst v63  }
0x59: {  	s21 =	simm.s32 $0x8000  }
0x5a: {  	[tilespmem:s21], [sflag:$0x2] =	stream.indirect_vreg.gather [hbm4b:s11+s15], $0x80, v2, vm0, $0xb8;
	[tilespmem:$0x11000] =	vst v63  }
0x5b: {  	s22 =	simm.s32 $0x8800  }
0x5c: {  	[tilespmem:s22], [sflag:$0x2] =	stream.indirect_vreg.gather [hbm4b:s12+s15], $0x80, v2, vm0, $0xb8;
	[tilespmem:$0x11000] =	vst v63  }
0x5d: {  	v2 =	vld.msk [tilespmem:s2+$0x800], $0xff;
	_ =	sdelay $0x4  }
0x5e: {  	v3 =	vshll.u32 v2, $0x4  }
0x5f: {  	v2 =	vand.u32 $0x7, v2;
	v3 =	vand.u32 $0xFFFFFF80, v3  }
0x60: {  	v2 =	vor.u32 v2, v3  }
0x61: {  	v2 =	vperm.xlane v2, v0;
	_ =	sdelay $0x1  }
0x62: {  	v2 =	vadd.s32 v1, v2;
	_ =	sdelay $0x3  }
0x63: {  	s19 =	simm.s32 $0xD000  }
0x64: {  	[tilespmem:s19], [sflag:$0x4] =	stream.indirect_vreg.gather [hbm4b:s3+s15], $0x80, v2, vm0, $0xb8;
	[tilespmem:$0x11000] =	vst v63  }
0x65: {  	s20 =	simm.s32 $0xD800  }
0x66: {  	[tilespmem:s20], [sflag:$0x4] =	stream.indirect_vreg.gather [hbm4b:s6+s15], $0x80, v2, vm0, $0xb8;
	[tilespmem:$0x11000] =	vst v63  }
0x67: {  	s21 =	simm.s32 $0xE000  }
0x68: {  	[tilespmem:s21], [sflag:$0x4] =	stream.indirect_vreg.gather [hbm4b:s7+s15], $0x80, v2, vm0, $0xb8;
	[tilespmem:$0x11000] =	vst v63  }
0x69: {  	s22 =	simm.s32 $0xE800  }
0x6a: {  	[tilespmem:s22], [sflag:$0x4] =	stream.indirect_vreg.gather [hbm4b:s8+s15], $0x80, v2, vm0, $0xb8;
	[tilespmem:$0x11000] =	vst v63  }
0x6b: {  	_ = 	snop  }
0x6c: {  	[tilespmem:s24], [sflag:$0x4] =	stream.indirect_vreg.gather [hbm4b:s9+s15], $0x80, v2, vm0, $0xb8;
	[tilespmem:$0x11000] =	vst v63  }
0x6d: {  	_ = 	snop  }
0x6e: {  	[tilespmem:s25], [sflag:$0x4] =	stream.indirect_vreg.gather [hbm4b:s10+s15], $0x80, v2, vm0, $0xb8;
	[tilespmem:$0x11000] =	vst v63  }
0x6f: {  	_ = 	snop  }
0x70: {  	[tilespmem:s26], [sflag:$0x4] =	stream.indirect_vreg.gather [hbm4b:s11+s15], $0x80, v2, vm0, $0xb8;
	[tilespmem:$0x11000] =	vst v63  }
0x71: {  	_ = 	snop  }
0x72: {  	[tilespmem:s28], [sflag:$0x4] =	stream.indirect_vreg.gather [hbm4b:s12+s15], $0x80, v2, vm0, $0xb8;
	[tilespmem:$0x11000] =	vst v63  }
0x73: {  	_ =	swait.ge [sflag:s29], $0x4000  }
0x74: {  	[sflag:s29] =	ssyncset.done $0x0  }
0x75: {  	[sflag:s29] =	ssyncadd.s32 $0xFFFFC000  }
0x76: {  	_ =	swait.ge [sflag:s30], $0x4000  }
0x77: {  	[sflag:s30] =	ssyncset.done $0x0  }
0x78: {  	s2 =	simm.s32 $0x1040;
	s22 =	simm.s32 $0x9040;
	[sflag:s30] =	ssyncadd.s32 $0xFFFFC000  }
.LBB2_3:
0x79: {  	v2 =	vld [tilespmem:s2+$0xFFFFFFC0]  }
0x7a: {  	v3 =	vld [tilespmem:s22+$0xFFFFFFC0];
	_ =	sdelay $0x4  }
0x7b: {  	v2 =	vadd.f32 v3, v2;
	_ =	sdelay $0x1  }
0x7c: {  	[tilespmem:s2+$0xFFFFFFC0] =	vst v2;
	v2 =	vld [tilespmem:s2+$0xFFFFFFD0]  }
0x7d: {  	v3 =	vld [tilespmem:s22+$0xFFFFFFD0];
	_ =	sdelay $0x4  }
0x7e: {  	v2 =	vadd.f32 v3, v2;
	_ =	sdelay $0x1  }
0x7f: {  	[tilespmem:s2+$0xFFFFFFD0] =	vst v2;
	v2 =	vld [tilespmem:s2+$0xFFFFFFE0]  }
0x80: {  	v3 =	vld [tilespmem:s22+$0xFFFFFFE0];
	_ =	sdelay $0x4  }
0x81: {  	v2 =	vadd.f32 v3, v2;
	_ =	sdelay $0x1  }
0x82: {  	[tilespmem:s2+$0xFFFFFFE0] =	vst v2;
	v2 =	vld [tilespmem:s2+$0xFFFFFFF0]  }
0x83: {  	v3 =	vld [tilespmem:s22+$0xFFFFFFF0];
	_ =	sdelay $0x4  }
0x84: {  	v2 =	vadd.f32 v3, v2;
	_ =	sdelay $0x1  }
0x85: {  	[tilespmem:s2+$0xFFFFFFF0] =	vst v2;
	v2 =	vld [tilespmem:s2+$0x0]  }
0x86: {  	v3 =	vld [tilespmem:s22+$0x0];
	_ =	sdelay $0x4  }
0x87: {  	v2 =	vadd.f32 v3, v2;
	_ =	sdelay $0x1  }
0x88: {  	[tilespmem:s2+$0x0] =	vst v2;
	v2 =	vld [tilespmem:s2+$0x10]  }
0x89: {  	v3 =	vld [tilespmem:s22+$0x10];
	_ =	sdelay $0x4  }
0x8a: {  	v2 =	vadd.f32 v3, v2;
	_ =	sdelay $0x1  }
0x8b: {  	[tilespmem:s2+$0x10] =	vst v2;
	v2 =	vld [tilespmem:s2+$0x20]  }
0x8c: {  	v3 =	vld [tilespmem:s22+$0x20];
	_ =	sdelay $0x4  }
0x8d: {  	v2 =	vadd.f32 v3, v2;
	_ =	sdelay $0x1  }
0x8e: {  	[tilespmem:s2+$0x20] =	vst v2;
	v2 =	vld [tilespmem:s2+$0x30]  }
0x8f: {  	v3 =	vld [tilespmem:s22+$0x30];
	_ =	sdelay $0x4  }
0x90: {  	s20 =	simm.s32 $0x0;
	v2 =	vadd.f32 v3, v2  }
0x91: {  	s21 =	sadd.s32 $0x400, s2;
	s18 =	smov.u32 s2;
	s19 =	smov.u32 s22  }
.LBB2_4:
0x92: {  	v3 =	vld [tilespmem:s21+$0xFFFFFFC0];
	[tilespmem:s18+$0x30] =	vst v2;
	s19 =	sadd.s32 $0x400, s19;
	s18 =	smov.u32 s21  }
0x93: {  	s20 =	sadd.s32 $0x8, s20;
	v2 =	vld [tilespmem:s19+$0xFFFFFFC0]  }
0x94: {  	p0 =	slt.u32 s20, $0x78;
	_ =	sdelay $0x3  }
0x95: {  	v2 =	vadd.f32 v2, v3;
	_ =	sdelay $0x1  }
0x96: {  	[tilespmem:s21+$0xFFFFFFC0] =	vst v2;
	v2 =	vld [tilespmem:s21+$0xFFFFFFD0]  }
0x97: {  	v3 =	vld [tilespmem:s19+$0xFFFFFFD0];
	_ =	sdelay $0x4  }
0x98: {  	v2 =	vadd.f32 v3, v2;
	_ =	sdelay $0x1  }
0x99: {  	[tilespmem:s21+$0xFFFFFFD0] =	vst v2;
	v2 =	vld [tilespmem:s21+$0xFFFFFFE0]  }
0x9a: {  	v3 =	vld [tilespmem:s19+$0xFFFFFFE0];
	_ =	sdelay $0x4  }
0x9b: {  	v2 =	vadd.f32 v3, v2;
	_ =	sdelay $0x1  }
0x9c: {  	[tilespmem:s21+$0xFFFFFFE0] =	vst v2;
	v2 =	vld [tilespmem:s21+$0xFFFFFFF0]  }
0x9d: {  	v3 =	vld [tilespmem:s19+$0xFFFFFFF0];
	_ =	sdelay $0x4  }
0x9e: {  	v2 =	vadd.f32 v3, v2;
	_ =	sdelay $0x1  }
0x9f: {  	[tilespmem:s21+$0xFFFFFFF0] =	vst v2;
	v2 =	vld [tilespmem:s21+$0x0]  }
0xa0: {  	v3 =	vld [tilespmem:s19+$0x0];
	_ =	sdelay $0x4  }
0xa1: {  	v2 =	vadd.f32 v3, v2;
	_ =	sdelay $0x1  }
0xa2: {  	[tilespmem:s21+$0x0] =	vst v2;
	v2 =	vld [tilespmem:s21+$0x10]  }
0xa3: {  	v3 =	vld [tilespmem:s19+$0x10];
	_ =	sdelay $0x4  }
0xa4: {  	v2 =	vadd.f32 v3, v2;
	_ =	sdelay $0x1  }
0xa5: {  	[tilespmem:s21+$0x10] =	vst v2;
	v2 =	vld [tilespmem:s21+$0x20]  }
0xa6: {  	v3 =	vld [tilespmem:s19+$0x20];
	_ =	sdelay $0x4  }
0xa7: {  	v2 =	vadd.f32 v3, v2;
	_ =	sdelay $0x1  }
0xa8: {  	[tilespmem:s21+$0x20] =	vst v2;
	v2 =	vld [tilespmem:s21+$0x30]  }
0xa9: {  	v3 =	vld [tilespmem:s19+$0x30];
	_ =	sdelay $0x1  }
.Ltmp0:
0xaa: {  	(pc) =	sbr.rel @p0 .LBB2_4-.Ltmp0, $3  }
0xab: {  	_ =	sdelay $0x1  }
0xac: {  	v2 =	vadd.f32 v3, v2  }
0xad: {  	s21 =	sadd.s32 $0x400, s21  }
0xae: {  	s15 =	sadd.s32 $0x1, s15  }
0xaf: {  	p0 =	sne.s32 s15, $0x8  }
.Ltmp1:
0xb0: {  	_ = 	snop;
	(pc) =	sbr.rel @p0 .LBB2_3-.Ltmp1, $2  }
0xb1: {  	_ =	sdelay $0x2  }
0xb2: {  	[tilespmem:s18+$0x30] =	vst v2;
	s2 =	sadd.s32 $0x80, s2;
	s22 =	sadd.s32 $0x80, s22  }
0xb3: {  	s2 =	sshll.u32 s5, $0xC  }
0xb4: {  	s15 =	sadd.s32 s2, s13;
	s2 =	simm.s32 $0x0  }
0xb5: {  	[hbm4b:s15+s2] =	stream.linear.scatter [tilespmem:s17], [sflag:$0x5], $0x4000, $0x38;
	[tilespmem:$0x11000] =	vst v63  }
0xb6: {  	_ =	swait.ge [sflag:s31], $0x4000  }
0xb7: {  	[sflag:s31] =	ssyncset.done $0x0  }
0xb8: {  	[sflag:s31] =	ssyncadd.s32 $0xFFFFC000  }
0xb9: {  	_ =	swait.ge [sflag:s1], $0x4000  }
0xba: {  	[sflag:s1] =	ssyncset.done $0x0  }
0xbb: {  	s15 =	simm.s32 $0x0;
	[sflag:s1] =	ssyncadd.s32 $0xFFFFC000  }
.LBB2_7:
0xbc: {  	s18 =	sshra.s32 s2, $0x2  }
0xbd: {  	v5 =	vld [tilespmem:s18+$0x5050]  }
0xbe: {  	v3 =	vld [tilespmem:s18+$0xD070]  }
0xbf: {  	v4 =	vld [tilespmem:s18+$0x5070]  }
0xc0: {  	v6 =	vld [tilespmem:s18+$0xD060]  }
0xc1: {  	v7 =	vld [tilespmem:s18+$0x5060]  }
0xc2: {  	v8 =	vld [tilespmem:s18+$0xD050]  }
0xc3: {  	v2 =	vld [tilespmem:s18+$0x5040]  }
0xc4: {  	v9 =	vld [tilespmem:s18+$0xD030]  }
0xc5: {  	v10 =	vld [tilespmem:s18+$0x5030]  }
0xc6: {  	v4 =	vadd.f32 v3, v4;
	v3 =	vld [tilespmem:s18+$0xD020]  }
0xc7: {  	v7 =	vadd.f32 v6, v7;
	v6 =	vld [tilespmem:s18+$0xD010]  }
0xc8: {  	v8 =	vadd.f32 v8, v5;
	v5 =	vld [tilespmem:s18+$0xD000]  }
0xc9: {  	[tilespmem:s18+$0x5070] =	vst v4;
	v4 =	vld [tilespmem:s18+$0x5020]  }
0xca: {  	[tilespmem:s18+$0x5050] =	vst v8;
	v8 =	vld [tilespmem:s18+$0x5010]  }
0xcb: {  	s19 =	simm.s32 $0x0;
	s20 =	sadd.s32 $0x1000, s2;
	v9 =	vadd.f32 v9, v10;
	[tilespmem:s18+$0x5060] =	vst v7;
	v7 =	vld [tilespmem:s18+$0xD040]  }
.LBB2_8:
0xcc: {  	s21 =	sshra.s32 s20, $0x2;
	s19 =	sadd.s32 $0x8, s19;
	v10 =	vld [tilespmem:s18+$0x5000]  }
0xcd: {  	v11 =	vld [tilespmem:s21+$0x5050];
	p0 =	slt.u32 s19, $0x78  }
0xce: {  	v12 =	vld [tilespmem:s21+$0xD070]  }
0xcf: {  	v13 =	vld [tilespmem:s21+$0x5070];
	v6 =	vadd.f32 v6, v8;
	[tilespmem:s18+$0x5030] =	vst v9  }
0xd0: {  	v3 =	vadd.f32 v3, v4;
	v8 =	vld [tilespmem:s21+$0xD060];
	v2 =	vadd.f32 v7, v2  }
0xd1: {  	v4 =	vld [tilespmem:s21+$0x5060];
	v5 =	vadd.f32 v5, v10;
	[tilespmem:s18+$0x5010] =	vst v6  }
0xd2: {  	v6 =	vld [tilespmem:s21+$0xD050];
	[tilespmem:s18+$0x5040] =	vst v2  }
0xd3: {  	v2 =	vld [tilespmem:s21+$0x5040];
	[tilespmem:s18+$0x5020] =	vst v3  }
0xd4: {  	v7 =	vld [tilespmem:s21+$0xD030];
	v9 =	vadd.f32 v12, v13;
	[tilespmem:s18+$0x5000] =	vst v5;
	s18 =	smov.u32 s21  }
0xd5: {  	v10 =	vld [tilespmem:s18+$0x5030]  }
0xd6: {  	v3 =	vld [tilespmem:s18+$0xD020];
	v5 =	vadd.f32 v8, v4;
	[tilespmem:s18+$0x5070] =	vst v9  }
.Ltmp2:
0xd7: {  	v4 =	vld [tilespmem:s18+$0x5020];
	v8 =	vadd.f32 v6, v11;
	(pc) =	sbr.rel @p0 .LBB2_8-.Ltmp2, $4  }
0xd8: {  	v6 =	vld [tilespmem:s18+$0xD010];
	[tilespmem:s18+$0x5060] =	vst v5  }
0xd9: {  	v5 =	vld [tilespmem:s18+$0xD000];
	[tilespmem:s18+$0x5050] =	vst v8  }
0xda: {  	v8 =	vld [tilespmem:s18+$0x5010];
	v9 =	vadd.f32 v7, v10  }
0xdb: {  	s20 =	sadd.s32 $0x1000, s20;
	v7 =	vld [tilespmem:s18+$0xD040]  }
0xdc: {  	v10 =	vld [tilespmem:s18+$0x5000]  }
0xdd: {  	s15 =	sadd.s32 $0x1, s15  }
0xde: {  	v3 =	vadd.f32 v3, v4;
	p0 =	sne.s32 s15, $0x8  }
.Ltmp3:
0xdf: {  	[tilespmem:s18+$0x5030] =	vst v9;
	v6 =	vadd.f32 v6, v8;
	(pc) =	sbr.rel @p0 .LBB2_7-.Ltmp3, $4  }
0xe0: {  	[tilespmem:s18+$0x5020] =	vst v3;
	v2 =	vadd.f32 v7, v2  }
0xe1: {  	[tilespmem:s18+$0x5010] =	vst v6;
	v63 =	vadd.f32 v5, v10  }
0xe2: {  	[tilespmem:s18+$0x5040] =	vst v2  }
0xe3: {  	s2 =	sadd.s32 $0x200, s2;
	[tilespmem:s18+$0x5000] =	vst v63  }
0xe4: {  	s2 =	sshll.u32 s14, $0xB  }
0xe5: {  	s5 =	sadd.s32 $0x1, s5;
	s2 =	sadd.s32 s2, s13  }
0xe6: {  	[hbm4b:s2+s23] =	stream.linear.scatter [tilespmem:s16], [sflag:$0x6], $0x4000, $0x38;
	[tilespmem:$0x11000] =	vst v63  }
0xe7: {  	p0 =	sne.s32 s5, $0x8;
	_ =	swait.ge [sflag:s0], $0x4000  }
.Ltmp4:
0xe8: {  	[sflag:s0] =	ssyncset.done $0x0;
	(pc) =	sbr.rel @p0 .LBB2_2-.Ltmp4, $4  }
0xe9: {  	[sflag:s0] =	ssyncadd.s32 $0xFFFFC000  }
0xea: {  	_ =	swait.ge [sflag:s4], $0x4000  }
0xeb: {  	[sflag:s4] =	ssyncset.done $0x0  }
0xec: {  	[sflag:s4] =	ssyncadd.s32 $0xFFFFC000  }
0xed: {  	s5 =	rddreg [dreg:$0x6]  }
0xee: {  	s2 =	rddreg [dreg:$0x5];
	s5 =	sadd.s32 $0x1, s5  }
0xef: {  	p0 =	sne.s32 s5, s2  }
.Ltmp5:
0xf0: {  	_ = 	snop;
	(pc) =	sbr.rel @p0 .LBB2_1-.Ltmp5, $1  }
0xf1: {  	_ =	sdelay $0x3  }
0xf2: {  	_ =	sfence.sel $0x180000  }
0xf3: {  	[bflag:$0x0] =	sbarrier.arrive $0xFFFF  }
0xf4: {  	_ =	strace $0x90000053  }
0xf5: {  	s0 =	stileid.u32;
	[bflag:$0x2] =	sbarrier.arrive $0xFFFF  }
0xf6: {  	p0 =	sne.s32 s0, $0x0;
	s0 =	rddreg [dreg:$0x2]  }
0xf7: {  	s0 =	sadd.s32 @!p0 $0x100000, s0  }
0xf8: {  	[sflag:s0] =	ssyncadd.tile.s32 @!p0 $0x1;
	_ =	shalt  }
.Lfunc_end2:
_tile_overlayer_lowered:
.L_overlay_start_2:
0xf9: {  	(tag) =	ssettag $0x2  }
0xfa: {  	s0 =	rddreg [dreg:$0x0];
	s2 =	stileid.u32  }
0xfb: {  	s1 =	rddreg [dreg:$0x1];
	p0 =	sne.s32 s2, $0x0  }
0xfc: {  	s3 =	rddreg [dreg:$0x2];
	[bflag:$0x3] =	sbarrier.arrive $0xFFFF;
	s2 =	simm.s32 @!p0 $0x1C07  }
0xfd: {  	[timem:s3], [sflag:s2] =	dma.local @!p0 [hbm:s0], s1  }
0xfe: {  	s0 =	simm.s32 @!p0 $0x7  }
0xff: {  	_ =	swait.ge @!p0 [sflag:s0], s1  }
0x100: {  	s1 =	ssub.s32 @!p0 $0x0, s1;
	[sflag:s0] =	ssyncset.done @!p0 $0x0  }
0x101: {  	[sflag:s0] =	ssyncadd.s32 @!p0 s1  }
0x102: {  	[bflag:$0x3] =	sbarrier.arrive $0xFFFF  }
0x103: {  	_ =	shalt  }

// kernel: scatter_offload_async_start
scs
__scs_entry_jumppad:
0x0: {  	(pc) =	sbr.rel $0x88, $3  }
0x1: {  	(tag) =	ssettag $0x0;
	lr =	simm.s32 $0x1  }
0x2: {  	[smem:$0x3F9C] =	sst lr;
	_ =	strace $0xD0000000  }
0x3: {  	_ = 	snop  }
0x4: {  	_ = 	snop  }
0x5: {  	_ = 	snop  }
0x6: {  	_ = 	snop  }
0x7: {  	_ = 	snop  }
__scs_overlays_trampoline_lowered:
0x8: {  	[smem:$0x3FAB] =	sst s0  }
0x9: {  	[smem:$0x3FAC] =	sst s1  }
0xa: {  	[smem:$0x3FAD] =	sst s2  }
0xb: {  	[smem:$0x3FAE] =	sst s3  }
0xc: {  	[smem:$0x3FAF] =	sst s4  }
0xd: {  	[smem:$0x3FB0] =	sst s5  }
0xe: {  	[smem:$0x3FB1] =	sst s6  }
0xf: {  	[smem:$0x3FB2] =	sst s7  }
0x10: {  	[smem:$0x3FB3] =	sst s8  }
0x11: {  	[smem:$0x3FB4] =	sst s9;
	s0 =	simm.s32 @!p0 $0x0  }
0x12: {  	s1 =	sld [smem:$0x3F9A];
	s0 =	simm.s32 @p0 $0x1  }
0x13: {  	[smem:$0x3FB5] =	sst s0;
	s0 =	simm.s32 @!p1 $0x0  }
0x14: {  	s2 =	sld [smem:$0x3F99];
	s0 =	simm.s32 @p1 $0x1  }
0x15: {  	[smem:$0x3FB6] =	sst s0;
	s0 =	simm.s32 @!p2 $0x0  }
0x16: {  	s3 =	sld [smem:$0x3FDB];
	s0 =	simm.s32 @p2 $0x1  }
0x17: {  	s4 =	simm.s32 $0x1BF5;
	[smem:$0x3FB8] =	sst s0  }
0x18: {  	s0 =	sld [smem:$0x3F9B];
	_ =	swait.ge [sflag:s4], $0x0  }
0x19: {  	s7 =	sld [smem:$0x3F9C]  }
0x1a: {  	s8 =	sadd.s32 $0xFFFFE003, lr  }
0x1b: {  	s9 =	sadd.s32 $0xFFFFFEF7, lr;
	s5 =	simm.s32 $0xFFFFFFFF;
	p2 =	slt.u32 s8, $0xFFFFF086  }
0x1c: {  	p1 =	slt.u32 s9, $0xF7A;
	s5 =	simm.s32 @!p2 $0x0  }
0x1d: {  	s5 =	simm.s32 @p1 $0x1;
	p0 =	seq.s32 s7, s2  }
0x1e: {  	s7 =	smul.u32 @!p0 $0xF7A, s2;
	p2 =	seq.s32 @!p0 s5, $0x0  }
0x1f: {  	s9 =	smul.u32 $0xF7A, s1;
	s8 =	simm.s32 @!p0 $0x1BF5;
	p2 =	por !p2, p0  }
0x20: {  	[sflag:s8] =	ssyncset.s32 @!p0 $0xFFFFF086;
	s6 =	sadd.s32 @!p0 s3, s7;
	s7 =	simm.s32 @!p0 $0x108  }
0x21: {  	s3 =	sadd.s32 s3, s9;
	s6 =	sadd.s32 @!p0 $0x88, s6;
	s7 =	simm.s32 @p2 $0x1082  }
0x22: {  	[simem:s7], [sflag:s8] =	dma.local @!p0 [hbm:s6], $0xF7A  }
0x23: {  	s9 =	sor.u32 $0xD0000000, s2;
	s6 =	simm.s32 $0x108;
	_ =	swait.ge @!p0 [sflag:s8], $0x0  }
0x24: {  	s3 =	sadd.s32 $0x88, s3;
	s6 =	simm.s32 @!p1 $0x1082;
	[sflag:s4] =	ssyncset.s32 $0xFFFFF086  }
0x25: {  	[simem:s6], [sflag:s4] =	dma.local [hbm:s3], $0xF7A  }
0x26: {  	[smem:$0x3F9C] =	sst s1;
	(tag) =	ssettag s2;
	_ =	strace s9  }
0x27: {  	s1 =	sld [smem:$0x3FAC]  }
0x28: {  	s2 =	sld [smem:$0x3FAD]  }
0x29: {  	s4 =	sld [smem:$0x3FAF]  }
0x2a: {  	p0 =	seq.s32 s5, $0x0;
	s5 =	sld [smem:$0x3FB0]  }
0x2b: {  	s6 =	sld [smem:$0x3FB1]  }
0x2c: {  	s7 =	sld [smem:$0x3FB2]  }
0x2d: {  	s3 =	simm.s32 $0x108;
	s8 =	sld [smem:$0x3FB3]  }
0x2e: {  	s3 =	simm.s32 @!p0 $0x1082;
	s9 =	sld [smem:$0x3FB4]  }
0x2f: {  	lr =	sadd.s32 s0, s3;
	s0 =	sld [smem:$0x3FAB]  }
0x30: {  	s3 =	sld [smem:$0x3FAE]  }
0x31: {  	[smem:$0x3FB7] =	sst s10  }
0x32: {  	s10 =	sld [smem:$0x3FB5];
	_ =	sdelay $0x3  }
0x33: {  	p0 =	seq.s32 s10, $0x1;
	s10 =	sld [smem:$0x3FB7];
	_ =	sdelay $0x3  }
0x34: {  	[smem:$0x3FB7] =	sst s10  }
0x35: {  	s10 =	sld [smem:$0x3FB6];
	_ =	sdelay $0x3  }
0x36: {  	p1 =	seq.s32 s10, $0x1;
	s10 =	sld [smem:$0x3FB7];
	_ =	sdelay $0x3  }
0x37: {  	[smem:$0x3FB7] =	sst s10  }
0x38: {  	s10 =	sld [smem:$0x3FB8]  }
0x39: {  	_ = 	snop;
	(pc) =	sbr.ind lr, $3  }
0x3a: {  	_ = 	snop  }
0x3b: {  	_ = 	snop  }
0x3c: {  	p2 =	seq.s32 s10, $0x1;
	s10 =	sld [smem:$0x3FB7]  }
0x3d: {  	_ =	shalt  }
0x3e: {  	_ =	shalt  }
0x3f: {  	_ =	shalt  }
0x40: {  	_ =	shalt  }
0x41: {  	_ =	shalt  }
0x42: {  	_ =	shalt  }
0x43: {  	_ =	shalt  }
0x44: {  	_ =	shalt  }
0x45: {  	_ =	shalt  }
0x46: {  	_ =	shalt  }
0x47: {  	_ =	shalt  }
0x48: {  	_ =	shalt  }
0x49: {  	_ =	shalt  }
0x4a: {  	_ =	shalt  }
0x4b: {  	_ =	shalt  }
0x4c: {  	_ =	shalt  }
0x4d: {  	_ =	shalt  }
0x4e: {  	_ =	shalt  }
0x4f: {  	_ =	shalt  }
0x50: {  	_ =	shalt  }
0x51: {  	_ =	shalt  }
0x52: {  	_ =	shalt  }
0x53: {  	_ =	shalt  }
0x54: {  	_ =	shalt  }
0x55: {  	_ =	shalt  }
0x56: {  	_ =	shalt  }
0x57: {  	_ =	shalt  }
0x58: {  	_ =	shalt  }
0x59: {  	_ =	shalt  }
0x5a: {  	_ =	shalt  }
0x5b: {  	_ =	shalt  }
0x5c: {  	_ =	shalt  }
0x5d: {  	_ =	shalt  }
0x5e: {  	_ =	shalt  }
0x5f: {  	_ =	shalt  }
0x60: {  	_ =	shalt  }
0x61: {  	_ =	shalt  }
0x62: {  	_ =	shalt  }
0x63: {  	_ =	shalt  }
0x64: {  	_ =	shalt  }
0x65: {  	_ =	shalt  }
0x66: {  	_ =	shalt  }
0x67: {  	_ =	shalt  }
0x68: {  	_ =	shalt  }
0x69: {  	_ =	shalt  }
0x6a: {  	_ =	shalt  }
0x6b: {  	_ =	shalt  }
0x6c: {  	_ =	shalt  }
0x6d: {  	_ =	shalt  }
0x6e: {  	_ =	shalt  }
0x6f: {  	_ =	shalt  }
0x70: {  	_ =	shalt  }
0x71: {  	_ =	shalt  }
0x72: {  	_ =	shalt  }
0x73: {  	_ =	shalt  }
0x74: {  	_ =	shalt  }
0x75: {  	_ =	shalt  }
0x76: {  	_ =	shalt  }
0x77: {  	_ =	shalt  }
0x78: {  	_ =	shalt  }
0x79: {  	_ =	shalt  }
0x7a: {  	_ =	shalt  }
0x7b: {  	_ =	shalt  }
0x7c: {  	_ =	shalt  }
0x7d: {  	_ =	shalt  }
0x7e: {  	_ =	shalt  }
0x7f: {  	_ =	shalt  }
0x80: {  	_ =	shalt  }
0x81: {  	_ =	shalt  }
0x82: {  	_ =	shalt  }
0x83: {  	_ =	shalt  }
0x84: {  	_ =	shalt  }
0x85: {  	_ =	shalt  }
0x86: {  	_ =	shalt  }
0x87: {  	_ =	shalt  }
.Lfunc_end0:
.L_simem_size_0:
called_computation_lowered:
.L_overlay_start_0:
0x88: {  	s0 =	sld [smem:$0x3FD9]  }
0x89: {  	s1 =	sld [smem:$0x3FFE];
	_ =	sdelay $0x3  }
0x8a: {  	s0 =	sadd.s32 s1, s0  }
0x8b: {  	[smem:$0x3FC3] =	sst s0  }
0x8c: {  	_ = 	snop  }
0x8d: {  	s0 =	sld [smem:$0x3FD0];
	_ =	sdelay $0x2  }
0x8e: {  	s13 =	simm.s32 $0xB;
	s2 =	simm.s32 $0x10  }
0x8f: {  	[smem:s2], [sflag:s13] =	dma.local [hbm:s0], $0x1  }
0x90: {  	_ =	swait.eq [sflag:s13], $0x1  }
0x91: {  	[sflag:s13] =	ssyncset.done $0x0  }
0x92: {  	[sflag:s13] =	ssyncadd.s32 $0xFFFFFFFF  }
0x93: {  	s14 =	sld [smem:$0x10];
	(tm) =	ssettm $0x1  }
0x94: {  	s15 =	sld [smem:$0x3FFB];
	_ =	sdelay $0x3  }
0x95: {  	_ =	strace s15  }
0x96: {  	s1 =	sld [smem:$0x3FFC];
	_ =	sdelay $0x3  }
0x97: {  	_ =	strace s1  }
0x98: {  	s1 =	sld [smem:$0x3FFD];
	_ =	sdelay $0x3  }
0x99: {  	_ =	strace s1  }
0x9a: {  	_ =	strace $0x8FFFFFFF  }
0x9b: {  	s16 =	sld [smem:$0x3FDB];
	_ =	sdelay $0x1  }
0x9c: {  	s17 =	simm.s32 $_scs_section_size  }
0x9d: {  	s3 =	simm.s32 $_size__tile_overlayer_lowered;
	s4 =	simm.s32 $_tile_overlayer_lowered  }
0x9e: {  	s20 =	simm.s32 $0x1BFF;
	s19 =	sshll.u32 s4, $0x1;
	s1 =	sadd.s32 s17, s16  }
0x9f: {  	s5 =	simm.s32 $0x0;
	s18 =	sshll.u32 s3, $0x1;
	s3 =	sadd.s32 s19, s1  }
0xa0: {  	[timem:s5], [sflag:s20] =	dma.local [hbm:s3], s18  }
0xa1: {  	_ =	swait.ge [sflag:s20], s18  }
0xa2: {  	s2 =	ssub.s32 $0x0, s18;
	[sflag:s20] =	ssyncset.done $0x0  }
0xa3: {  	[sflag:s20] =	ssyncadd.s32 s2;
	_ =	sdelay $0x1  }
0xa4: {  	s21 =	simm.s32 $0x1B8B  }
0xa5: {  	_ =	swait.ge [sflag:s21], $0x1  }
0xa6: {  	[sflag:s21] =	ssyncset.done $0x0  }
0xa7: {  	s23 =	simm.s32 $0x1B8E;
	s22 =	sld [smem:$0x3FFE];
	[sflag:s21] =	ssyncadd.s32 $0xFFFFFFFF  }
0xa8: {  	s24 =	simm.s32 $execute0_lowered;
	[smem:$0x3FD2] =	sst s23  }
0xa9: {  	s3 =	sshll.u32 s24, $0x1;
	_ =	strace $0x80000046;
	[dreg:$0x1] =	wrdreg $0xFFFFFFFF  }
0xaa: {  	s25 =	simm.s32 $_size_execute0_lowered;
	s1 =	sadd.s32 s1, s3;
	[dreg:$0x0] =	wrdreg $0x0  }
0xab: {  	s3 =	sshll.u32 s25, $0x1;
	[dreg:$0x2] =	wrdreg s1  }
0xac: {  	[dreg:$0x3] =	wrdreg s3  }
0xad: {  	[dreg:$0x4] =	wrdreg $0xC0  }
0xae: {  	_ =	task [dreg:s5], $0x5FFFF  }
0xaf: {  	[dreg:$0x1] =	wrdreg $0xFFFFFFFF  }
0xb0: {  	[dreg:$0x0] =	wrdreg $0x60  }
0xb1: {  	[dreg:$0x2] =	wrdreg s22  }
0xb2: {  	[dreg:$0x3] =	wrdreg s14  }
0xb3: {  	[dreg:$0x4] =	wrdreg $0x9  }
0xb4: {  	_ =	task.clear_ibuf [dreg:s5], $0x5FFFF;
	_ =	strace $0x90000046  }
0xb5: {  	s26 =	simm.s32 $0x9;
	_ =	strace $0x80000048  }
0xb6: {  	_ =	swait.ge [sflag:s26], $0x1  }
0xb7: {  	[sflag:s26] =	ssyncadd.s32 $0xFFFFFFFF  }
0xb8: {  	_ =	strace $0x90000048  }
0xb9: {  	_ =	sfence  }
0xba: {  	s28 =	sld [smem:$0x0];
	_ =	sdelay $0x1  }
0xbb: {  	s29 =	srdreg.scid  }
0xbc: {  	s30 =	sshll.u32 s29, $0xD;
	s31 =	sshrl.u32 s29, $0x2  }
0xbd: {  	s2 =	sand.u32 $0x4000, s30;
	s1 =	sand.u32 $0x1, s29;
	s0 =	sadd.s32 s31, s28  }
0xbe: {  	s1 =	sor.u32 s2, s1;
	s0 =	sshll.u32 s0, $0x11  }
0xbf: {  	s0 =	sor.u32 s0, s1  }
0xc0: {  	s0 =	sadd.s32 $0x8F2B, s0  }
0xc1: {  	[sflag:s0] =	ssyncadd.remote.s32 $0x1  }
0xc2: {  	_ =	sfence.sel $0xFFFF  }
0xc3: {  	[dreg:$0x0] =	wrdreg $0xFFFFFFFF;
	(pc) =	sbr.abs _section_cstart, $3  }
0xc4: {  	[dreg:$0x1] =	wrdreg $0xFFFFFFFF  }
0xc5: {  	_ =	task.clear_ibuf [dreg:s5], $0x2FFFF;
	_ =	strace $0x9FFFFFFF  }
0xc6: {  	(tm) =	ssettm $0x7FFFFFFF  }
0xc7: {  	_ =	shalt  }
tec
execute0_lowered:
.L_overlay_start_1:
0x0: {  	(tag) =	ssettag $0x1  }
0x1: {  	s2 =	rddreg [dreg:$0x0]  }
0x2: {  	s3 =	rddreg [dreg:$0x1]  }
0x3: {  	s0 =	rddreg [dreg:$0x2];
	_ =	strace $0x80000047;
	s4 =	stileid.u32  }
0x4: {  	s5 =	simm.s32 $0x3E;
	s1 =	sadd.s32 $0x1200, s2;
	p0 =	sne.s32 s4, $0x0  }
0x5: {  	[sflag:s5] =	ssyncpa.u1 $0x0;
	s6 =	simm.s32 @!p0 $0x1C3E;
	s7 =	simm.s32 @!p0 $0x0  }
0x6: {  	[spmem:s7], [sflag:s6] =	dma.local @!p0 [hbm:s1], $0x10  }
0x7: {  	s6 =	simm.s32 @!p0 $0x3E  }
0x8: {  	_ =	swait.ge @!p0 [sflag:s6], $0x10  }
0x9: {  	[sflag:s6] =	ssyncset.done @!p0 $0x0  }
0xa: {  	[sflag:s6] =	ssyncadd.s32 @!p0 $0xFFFFFFF0  }
0xb: {  	s28 =	simm.s32 $0x1;
	s29 =	simm.s32 $0x2;
	[bflag:$0x0] =	sbarrier.arrive $0xFFFF  }
0xc: {  	s31 =	simm.s32 $0x208;
	s30 =	sadd.s32 $0xE00, s2;
	[sflag:s5] =	ssyncpa.u1 $0x1  }
0xd: {  	s4 =	sshll.u32 s4, $0x6;
	s2 =	simm.s32 $0x0;
	[sflag:s28] =	ssyncpa.u1 $0x0  }
0xe: {  	s3 =	sadd.s32 s3, s4;
	(ifvalue) =	ssetifvalue $0x80;
	[sflag:s29] =	ssyncpa.u1 $0x0  }
0xf: {  	[tilespmem:s31], [sflag:$0x2] =	stream.linear.gather [hbm4b:s3+s2], $0x200, $0x38;
	[tilespmem:$0x808] =	vst v63  }
0x10: {  	s4 =	sadd.s32 s30, s4;
	s3 =	simm.s32 $0x608  }
0x11: {  	[tilespmem:s3], [sflag:$0x2] =	stream.linear.gather [hbm4b:s4+s2], $0x200, $0x38;
	[tilespmem:$0x808] =	vst v63  }
0x12: {  	_ =	swait.ge [sflag:s29], $0x400  }
0x13: {  	[sflag:s29] =	ssyncset.done $0x0  }
0x14: {  	[sflag:s29] =	ssyncadd.s32 $0xFFFFFC00  }
0x15: {  	v0 =	vld.msk [tilespmem:s31+$0x0 ss:$0x1], $0xffff;
	_ =	sdelay $0x4  }
0x16: {  	v0 =	vmin.u32 v0, $0x80;
	_ =	sdelay $0x3  }
0x17: {  	vm0 =	vmmov $0xffff;
	s5 =	simm.s32 $0x218;
	s4 =	simm.s32 $0x0  }
0x18: {  	[spmem:s2] =	stream.indirect_vreg.scatter.add.s32 [tilespmem:s3], [sflag:$0x1], $0x1, v0, vm0, $0x4038;
	[tilespmem:$0x808] =	vst v63  }
.LBB2_1:
0x19: {  	v0 =	vld.msk [tilespmem:s5+$0x0 ss:$0x1], $0xffff;
	s4 =	sadd.s32 $0x10, s4  }
0x1a: {  	p1 =	slt.u32 s4, $0x1F0;
	_ =	sdelay $0x4  }
0x1b: {  	v0 =	vmin.u32 v0, $0x80  }
.Ltmp0:
0x1c: {  	(pc) =	sbr.rel @p1 .LBB2_1-.Ltmp0, $3  }
0x1d: {  	_ =	sdelay $0x1  }
0x1e: {  	s5 =	sadd.s32 $0x10, s5;
	s3 =	sadd.s32 $0x10, s3  }
0x1f: {  	[spmem:s2] =	stream.indirect_vreg.scatter.add.s32 [tilespmem:s3], [sflag:$0x1], $0x1, v0, vm0, $0x4038;
	[tilespmem:$0x808] =	vst v63  }
0x20: {  	s2 =	simm.s32 $0x1  }
0x21: {  	_ =	swait.ge [sflag:s2], $0x200  }
0x22: {  	[sflag:s2] =	ssyncset.done $0x0  }
0x23: {  	[sflag:s2] =	ssyncadd.s32 $0xFFFFFE00  }
0x24: {  	_ =	sfence.sel $0x180000  }
0x25: {  	s3 =	simm.s32 $0x2;
	[bflag:$0x0] =	sbarrier.arrive $0xFFFF  }
0x26: {  	[sflag:s3] =	ssyncpa.u1 $0x1  }
0x27: {  	[sflag:s2] =	ssyncpa.u1 $0x1  }
0x28: {  	_ =	sfence.stream.spmem  }
0x29: {  	s31 =	simm.s32 $0x3D;
	[bflag:$0x0] =	sbarrier.arrive $0xFFFF  }
0x2a: {  	s2 =	simm.s32 @p0 $0x3D;
	[sflag:s31] =	ssyncpa.u1 $0x0  }
0x2b: {  	[sflag:s2] =	ssyncpa.u1 @p0 $0x1  }
0x2c: {  	[bflag:$0x0] =	sbarrier.arrive @p0 $0xFFFF  }
0x2d: {  	_ =	strace @p0 $0x90000047  }
0x2e: {  	s3 =	simm.s32 @!p0 $0x1C3D;
	s2 =	simm.s32 @!p0 $0x0;
	[bflag:$0x2] =	sbarrier.arrive @p0 $0xFFFF  }
0x2f: {  	[hbm:s1], [sflag:s3] =	dma.local @!p0 [spmem:s2], $0x10  }
0x30: {  	s1 =	simm.s32 @!p0 $0x3D  }
0x31: {  	_ =	swait.ge @!p0 [sflag:s1], $0x10  }
0x32: {  	[sflag:s1] =	ssyncset.done @!p0 $0x0  }
0x33: {  	[sflag:s1] =	ssyncadd.s32 @!p0 $0xFFFFFFF0  }
0x34: {  	[sflag:s1] =	ssyncpa.u1 @!p0 $0x1  }
0x35: {  	[bflag:$0x0] =	sbarrier.arrive @!p0 $0xFFFF  }
0x36: {  	_ =	strace @!p0 $0x90000047  }
0x37: {  	s0 =	sadd.s32 @!p0 $0x100000, s0;
	[bflag:$0x2] =	sbarrier.arrive @!p0 $0xFFFF  }
0x38: {  	[sflag:s0] =	ssyncadd.tile.s32 @!p0 $0x1;
	_ =	shalt  }
.Lfunc_end2:
_tile_overlayer_lowered:
.L_overlay_start_2:
0x39: {  	(tag) =	ssettag $0x2  }
0x3a: {  	s0 =	rddreg [dreg:$0x0];
	s2 =	stileid.u32  }
0x3b: {  	s1 =	rddreg [dreg:$0x1];
	p0 =	sne.s32 s2, $0x0  }
0x3c: {  	s3 =	rddreg [dreg:$0x2];
	[bflag:$0x3] =	sbarrier.arrive $0xFFFF;
	s2 =	simm.s32 @!p0 $0x1C01  }
0x3d: {  	[timem:s3], [sflag:s2] =	dma.local @!p0 [hbm:s0], s1  }
0x3e: {  	s0 =	simm.s32 @!p0 $0x1  }
0x3f: {  	_ =	swait.ge @!p0 [sflag:s0], s1  }
0x40: {  	s1 =	ssub.s32 @!p0 $0x0, s1;
	[sflag:s0] =	ssyncset.done @!p0 $0x0  }
0x41: {  	[sflag:s0] =	ssyncadd.s32 @!p0 s1  }
0x42: {  	[bflag:$0x3] =	sbarrier.arrive $0xFFFF  }
0x43: {  	_ =	shalt  }

</sc_bundles>
